<compile_context>
chip_gen: v7x
topology: tpu7x:2x2x1
jax: 0.10.2.dev20260603
libtpu: 0.0.44.dev20260713+nightly
codegen_flags: <defaults>
</compile_context>

<pallas_src>
import functools

import jax
import jax.numpy as jnp
from jax.experimental import pallas as pl
from jax.experimental.pallas import tpu as pltpu
from jax.experimental.pallas import tpu_sc as plsc

_NC = 2
_NS = 16
_NW = _NC * _NS


def _p2_body(points2_ref, Wf0_ref, b_ref, g_ref, bet_ref, out_ref):
    z = jnp.dot(points2_ref[...], Wf0_ref[...],
                preferred_element_type=jnp.float32) + b_ref[...]
    m = jnp.mean(z, axis=0, keepdims=True)
    v = jnp.mean(z * z, axis=0, keepdims=True) - m * m
    out_ref[...] = (z - m) * (g_ref[...] * jax.lax.rsqrt(v + 1e-5)) + bet_ref[...]


def _top3(dot, sq2, cc, n2):
    bq = dot.shape[0]
    lanes = 256
    nch = n2 // lanes
    assert nch <= 16
    lane = jax.lax.broadcasted_iota(jnp.int32, (bq, lanes), 1)
    inf = jnp.float32(jnp.inf)
    bigl = jnp.int32(lanes)
    lowmask = jnp.int32(~15)

    def pack(x, k):
        b = jax.lax.bitcast_convert_type(x, jnp.int32)
        return jax.lax.bitcast_convert_type((b & lowmask) | k, jnp.float32)

    v1 = pack(dot[:, :lanes] + sq2[:, :lanes] + cc, 0)
    v2 = jnp.full((bq, lanes), inf, jnp.float32)
    v3 = v2
    for k in range(1, nch):
        nv = pack(dot[:, k * lanes:(k + 1) * lanes]
                  + sq2[:, k * lanes:(k + 1) * lanes] + cc, k)
        hi1 = jnp.maximum(nv, v1)
        v1 = jnp.minimum(nv, v1)
        hi2 = jnp.maximum(hi1, v2)
        v2 = jnp.minimum(hi1, v2)
        v3 = jnp.minimum(hi2, v3)
    m1 = jnp.min(v1, axis=1, keepdims=True)
    l1 = jnp.min(jnp.where(v1 == m1, lane, bigl), axis=1, keepdims=True)
    v1 = jnp.where((v1 == m1) & (lane == l1), inf, v1)
    m2 = jnp.min(jnp.minimum(v1, v2), axis=1, keepdims=True)
    e1 = v1 == m2
    e2 = v2 == m2
    l2 = jnp.min(jnp.minimum(jnp.where(e1, lane, bigl),
                             jnp.where(e2, lane, bigl)),
                 axis=1, keepdims=True)
    atl2 = lane == l2
    v1 = jnp.where(e1 & atl2, inf, v1)
    v2 = jnp.where(e2 & atl2, inf, v2)
    m3 = jnp.min(jnp.minimum(jnp.minimum(v1, v2), v3), axis=1, keepdims=True)
    l3 = jnp.min(jnp.minimum(jnp.minimum(jnp.where(v1 == m3, lane, bigl),
                                         jnp.where(v2 == m3, lane, bigl)),
                             jnp.where(v3 == m3, lane, bigl)),
                 axis=1, keepdims=True)
    vals, idxs = [], []
    for m, l in ((m1, l1), (m2, l2), (m3, l3)):
        b = jax.lax.bitcast_convert_type(m, jnp.int32)
        idxs.append((b & 15) * lanes + l)
        vals.append(jax.lax.bitcast_convert_type(b & lowmask, jnp.float32))
    return vals, idxs


def _knn_body(caug_ref, x2aug_ref, idx_ref, w_ref, *, n2):
    ca = caug_ref[...]
    c = ca[:, 0:3]
    m2x2t = x2aug_ref[...][0:3, :]
    sq2 = x2aug_ref[...][3:4, :]
    dot = jnp.dot(c, m2x2t, preferred_element_type=jnp.float32)
    cc = jnp.sum(c * c, axis=1, keepdims=True)
    vals, idxs = _top3(dot, sq2, cc, n2)
    rs = [1.0 / (jnp.sqrt(jnp.maximum(m, 0.0)) + 1e-8) for m in vals]
    rsum = rs[0] + rs[1] + rs[2]
    idx_ref[...] = jnp.concatenate(idxs, axis=1)
    w_ref[...] = jnp.concatenate([r / rsum for r in rs], axis=1)


def _sc_gather_call(p2, idxf, chunk=128):
    b = idxf.shape[0]
    d = p2.shape[1]
    bpw = b // _NW
    nch = bpw // chunk
    mesh = plsc.VectorSubcoreMesh(core_axis_name="c", subcore_axis_name="s")

    def body(p2_hbm, idx_hbm, out_hbm, idx_v, rows_v, gsem, wsem):
        wid = jax.lax.axis_index("s") * _NC + jax.lax.axis_index("c")
        base = wid * bpw
        gh = [None, None]
        wh = [None, None]
        pltpu.sync_copy(idx_hbm.at[pl.ds(base, chunk)], idx_v.at[0])
        gh[0] = pltpu.async_copy(p2_hbm.at[idx_v.at[0]], rows_v.at[0], gsem)
        for t in range(nch):
            cur = t % 2
            nxt = 1 - cur
            if t + 1 < nch:
                if wh[nxt] is not None:
                    wh[nxt].wait()
                off = base + (t + 1) * chunk
                pltpu.sync_copy(idx_hbm.at[pl.ds(off, chunk)], idx_v.at[nxt])
                gh[nxt] = pltpu.async_copy(p2_hbm.at[idx_v.at[nxt]],
                                           rows_v.at[nxt], gsem)
            gh[cur].wait()
            wh[cur] = pltpu.async_copy(rows_v.at[cur],
                                       out_hbm.at[pl.ds(base + t * chunk, chunk)],
                                       wsem)
        for h in wh:
            if h is not None:
                h.wait()

    f = pl.kernel(
        body,
        out_type=jax.ShapeDtypeStruct((b, d), jnp.float32),
        mesh=mesh,
        scratch_types=[
            pltpu.VMEM((2, chunk), jnp.int32),
            pltpu.VMEM((2, chunk, d), jnp.float32),
            pltpu.SemaphoreType.DMA,
            pltpu.SemaphoreType.DMA,
        ],
    )
    return f(p2, idxf)


def _xstat_body(x_ref, sum_ref, gram_ref):
    j = pl.program_id(0)
    x = x_ref[...]

    @pl.when(j == 0)
    def _():
        sum_ref[...] = jnp.zeros_like(sum_ref)
        gram_ref[...] = jnp.zeros_like(gram_ref)

    sum_ref[...] += jnp.sum(x, axis=0, keepdims=True)
    gram_ref[...] += jax.lax.dot_general(
        x, x, (((0,), (0,)), ((), ())), preferred_element_type=jnp.float32)


def _mlp_body(x_ref, g_ref, w_ref, Ws0_ref, W1_ref, ss_ref, sh_ref, b1_ref,
              y_ref, ysum_ref, ysq_ref):
    j = pl.program_id(0)
    g = g_ref[...]
    w = w_ref[...]
    interp = g[0] * w[:, 0:1] + g[1] * w[:, 1:2] + g[2] * w[:, 2:3]
    s = jnp.dot(x_ref[...], Ws0_ref[...], preferred_element_type=jnp.float32)
    skip = s * ss_ref[...] + sh_ref[...]
    h = jnp.maximum(interp + skip, 0.0)
    y = jnp.dot(h, W1_ref[...], preferred_element_type=jnp.float32) + b1_ref[...]
    y_ref[...] = y

    @pl.when(j == 0)
    def _():
        ysum_ref[...] = jnp.zeros_like(ysum_ref)
        ysq_ref[...] = jnp.zeros_like(ysq_ref)

    ysum_ref[...] += jnp.sum(y, axis=0, keepdims=True)
    ysq_ref[...] += jnp.sum(y * y, axis=0, keepdims=True)


def _finish_body(y_ref, ys_ref, yh_ref, out_ref):
    out_ref[...] = jnp.maximum(y_ref[...] * ys_ref[...] + yh_ref[...], 0.0)


def kernel(xyz1, points1, offset1, xyz2, points2, offset2,
           Wf0, bf0, gf0, betf0, Ws0, bs0, gs0, bets0, W1, b1, g1, bet1):
    n1, _ = xyz1.shape
    n2, prev = points2.shape
    skipd = points1.shape[1]
    m0 = Wf0.shape[1]
    m1 = W1.shape[1]
    f32 = jnp.float32

    row = lambda v: v.reshape(1, -1).astype(f32)

    p2 = pl.pallas_call(
        _p2_body,
        out_shape=jax.ShapeDtypeStruct((n2, m0), f32),
    )(points2, Wf0, row(bf0), row(gf0), row(betf0))

    bs = 2048
    nbs = n1 // bs
    xsum, xgram = pl.pallas_call(
        _xstat_body,
        grid=(nbs,),
        in_specs=[pl.BlockSpec((bs, skipd), lambda j: (j, 0))],
        out_specs=[
            pl.BlockSpec((1, skipd), lambda j: (0, 0)),
            pl.BlockSpec((skipd, skipd), lambda j: (0, 0)),
        ],
        out_shape=[
            jax.ShapeDtypeStruct((1, skipd), f32),
            jax.ShapeDtypeStruct((skipd, skipd), f32),
        ],
    )(points1)

    mean_x = xsum / n1
    mean_s = mean_x @ Ws0 + bs0[None, :]
    aw = (xgram / n1) @ Ws0
    e_s2 = (jnp.sum(Ws0 * aw, axis=0, keepdims=True)
            + 2.0 * bs0[None, :] * (mean_x @ Ws0) + bs0[None, :] ** 2)
    var_s = e_s2 - mean_s * mean_s
    sscale = gs0[None, :] * jax.lax.rsqrt(var_s + 1e-5)
    sshift = (bs0[None, :] - mean_s) * sscale + bets0[None, :]

    bq = 1024
    sq2 = jnp.sum(xyz2 * xyz2, axis=1)[None, :]
    x2aug = jnp.concatenate([-2.0 * xyz2.T, sq2], axis=0)
    caug = jnp.concatenate([xyz1, jnp.ones((n1, 1), f32)], axis=1)
    idx, w = pl.pallas_call(
        functools.partial(_knn_body, n2=n2),
        grid=(n1 // bq,),
        in_specs=[
            pl.BlockSpec((bq, 4), lambda j: (j, 0)),
            pl.BlockSpec((4, n2), lambda j: (0, 0)),
        ],
        out_specs=[
            pl.BlockSpec((bq, 3), lambda j: (j, 0)),
            pl.BlockSpec((bq, 3), lambda j: (j, 0)),
        ],
        out_shape=[
            jax.ShapeDtypeStruct((n1, 3), jnp.int32),
            jax.ShapeDtypeStruct((n1, 3), f32),
        ],
    )(caug, x2aug)

    g = _sc_gather_call(p2, idx.T.reshape(-1)).reshape(3, n1, m0)

    bm = 2048
    y, ysum, ysq = pl.pallas_call(
        _mlp_body,
        grid=(n1 // bm,),
        in_specs=[
            pl.BlockSpec((bm, skipd), lambda j: (j, 0)),
            pl.BlockSpec((3, bm, m0), lambda j: (0, j, 0)),
            pl.BlockSpec((bm, 3), lambda j: (j, 0)),
            pl.BlockSpec((skipd, m0), lambda j: (0, 0)),
            pl.BlockSpec((m0, m1), lambda j: (0, 0)),
            pl.BlockSpec((1, m0), lambda j: (0, 0)),
            pl.BlockSpec((1, m0), lambda j: (0, 0)),
            pl.BlockSpec((1, m1), lambda j: (0, 0)),
        ],
        out_specs=[
            pl.BlockSpec((bm, m1), lambda j: (j, 0)),
            pl.BlockSpec((1, m1), lambda j: (0, 0)),
            pl.BlockSpec((1, m1), lambda j: (0, 0)),
        ],
        out_shape=[
            jax.ShapeDtypeStruct((n1, m1), f32),
            jax.ShapeDtypeStruct((1, m1), f32),
            jax.ShapeDtypeStruct((1, m1), f32),
        ],
    )(points1, g, w, Ws0, W1, sscale.astype(f32), sshift.astype(f32), row(b1))

    mean_y = ysum / n1
    var_y = ysq / n1 - mean_y * mean_y
    yscale = g1[None, :] * jax.lax.rsqrt(var_y + 1e-5)
    yshift = bet1[None, :] - mean_y * yscale

    out = pl.pallas_call(
        _finish_body,
        grid=(n1 // bm,),
        in_specs=[
            pl.BlockSpec((bm, m1), lambda j: (j, 0)),
            pl.BlockSpec((1, m1), lambda j: (0, 0)),
            pl.BlockSpec((1, m1), lambda j: (0, 0)),
        ],
        out_specs=pl.BlockSpec((bm, m1), lambda j: (j, 0)),
        out_shape=jax.ShapeDtypeStruct((n1, m1), f32),
    )(y, yscale.astype(f32), yshift.astype(f32))
    return out

# --- scband reference (transcript-rebuilt; emitter-appended) ---
"""Pipeline reference for scband-surface-feature-propagation-cd-14259291422780 (READ-ONLY COPY).

The authoritative reference and input builder live on the scoring server;
editing this copy changes nothing except your own understanding.
"""

import jax, jax.numpy as jnp
import numpy as np

N1 = 16384
N2 = 4096
PREV = 256
SKIP = 128
M0 = 256
M1 = 256


def _knn3(xyz1, xyz2):
    # brute-force 3-NN of each xyz1 point among xyz2 (single batch, offsets trivial)
    sq2 = jnp.sum(xyz2 * xyz2, axis=1)
    idxs = []
    dists = []
    cs = 2048
    for s in range(0, xyz1.shape[0], cs):
        c = xyz1[s:s + cs]
        d2 = jnp.sum(c * c, axis=1, keepdims=True) + sq2[None, :] - 2.0 * (c @ xyz2.T)
        negd, idx = jax.lax.top_k(-d2, 3)
        dists.append(jnp.sqrt(jnp.maximum(-negd, 0.0)))
        idxs.append(idx)
    return jnp.concatenate(idxs, 0), jnp.concatenate(dists, 0)


def _bn(x, g, b):
    # BatchNorm1d in training mode (batch statistics)
    m = jnp.mean(x, axis=0, keepdims=True)
    v = jnp.var(x, axis=0, keepdims=True)
    return (x - m) / jnp.sqrt(v + 1e-5) * g + b


def setup_inputs(seed: int = 0):
    key = jax.random.key(seed)
    ks = jax.random.split(key, 10)
    inp = {}
    inp["xyz1"] = jax.random.uniform(ks[0], (N1, 3), dtype=jnp.float32)
    inp["points1"] = jax.random.normal(ks[1], (N1, SKIP), dtype=jnp.float32)
    inp["offset1"] = jnp.array([N1], dtype=jnp.int32)
    inp["xyz2"] = jax.random.uniform(ks[2], (N2, 3), dtype=jnp.float32)
    inp["points2"] = jax.random.normal(ks[3], (N2, PREV), dtype=jnp.float32)
    inp["offset2"] = jnp.array([N2], dtype=jnp.int32)
    inp["Wf0"] = jax.random.normal(ks[4], (PREV, M0), dtype=jnp.float32) * 0.05
    inp["bf0"] = jnp.zeros((M0,), dtype=jnp.float32)
    inp["gf0"] = jnp.ones((M0,), dtype=jnp.float32)
    inp["betf0"] = jnp.zeros((M0,), dtype=jnp.float32)
    inp["Ws0"] = jax.random.normal(ks[5], (SKIP, M0), dtype=jnp.float32) * 0.05
    inp["bs0"] = jnp.zeros((M0,), dtype=jnp.float32)
    inp["gs0"] = jnp.ones((M0,), dtype=jnp.float32)
    inp["bets0"] = jnp.zeros((M0,), dtype=jnp.float32)
    inp["W1"] = jax.random.normal(ks[6], (M0, M1), dtype=jnp.float32) * 0.05
    inp["b1"] = jnp.zeros((M1,), dtype=jnp.float32)
    inp["g1"] = jnp.ones((M1,), dtype=jnp.float32)
    inp["bet1"] = jnp.zeros((M1,), dtype=jnp.float32)
    return inp


def reference(xyz1, points1, offset1, xyz2, points2, offset2, Wf0, bf0, gf0, betf0, Ws0, bs0, gs0, bets0, W1, b1, g1, bet1):
    idx, dist = _knn3(xyz1, xyz2)
    dist_recip = 1.0 / (dist + 1e-8)
    norm = jnp.sum(dist_recip, axis=1, keepdims=True)
    weight = dist_recip / norm
    p2 = _bn(points2 @ Wf0 + bf0, gf0, betf0)
    interp = jnp.zeros((xyz1.shape[0], p2.shape[1]), dtype=p2.dtype)
    for i in range(3):
        interp = interp + p2[idx[:, i], :] * weight[:, i][:, None]
    skip = _bn(points1 @ Ws0 + bs0, gs0, bets0)
    new_points = jax.nn.relu(interp + skip)
    new_points = jax.nn.relu(_bn(new_points @ W1 + b1, g1, bet1))
    return new_points

if __name__ == "__main__":
    import jax
    _d = setup_inputs()
    print(jax.jit(kernel)(*tuple(_d.values())))

</pallas_src>

<mosaic_0001>
#map = affine_map<(d0, d1) -> (0, 0)>
#map1 = affine_map<(d0, d1) -> (0)>
module attributes {stable_mosaic.version = 14 : i64} {
  func.func @body(%arg0: i32, %arg1: i32, %arg2: memref<4096x256xf32, #tpu.memory_space<hbm>>, %arg3: memref<49152xi32, #tpu.memory_space<hbm>>, %arg4: memref<49152x256xf32, #tpu.memory_space<hbm>>, %arg5: memref<2x128xi32, #tpu.memory_space<vmem>>, %arg6: memref<2x128x256xf32, #tpu.memory_space<vmem>>, %arg7: memref<!tpu.dma_semaphore, #tpu.memory_space<semaphore_mem>>, %arg8: memref<!tpu.dma_semaphore, #tpu.memory_space<semaphore_mem>>) attributes {dimension_semantics = [#tpu.dimension_semantics<core_parallel>, #tpu.dimension_semantics<subcore_parallel>], iteration_bounds = array<i64: 2, 16>, scalar_prefetch = 0 : i64, scratch_operands = 4 : i64, tpu.core_type = #tpu.core_type<sc_vector_subcore>, window_params = [{transform_indices = #map}, {transform_indices = #map1}, {transform_indices = #map}]} {
    %mul3A = arith.constant 2 : i32
    %mul3A_0 = arith.muli %arg1, %mul3A : i32
    %add3A = arith.addi %mul3A_0, %arg0 : i32
    %mul3A_1 = arith.constant 1536 : i32
    %mul3A_2 = arith.muli %add3A, %mul3A_1 : i32
    %run_scoped3A = arith.constant 0 : i32
    "tpu.region"() ({
      %run_scoped3A_658 = tpu.sem_alloc : memref<!tpu.dma_semaphore, #tpu.memory_space<semaphore_mem>>
      %dma_start3A_659 = arith.constant 0 : i32
      %dma_start3A_660 = tpu.memref_slice %arg5[%run_scoped3A, %dma_start3A_659] : memref<2x128xi32, #tpu.memory_space<vmem>> -> memref<1x128xi32, #tpu.memory_space<vmem>>
      %dma_start3A_661 = tpu.memref_squeeze %dma_start3A_660 : memref<1x128xi32, #tpu.memory_space<vmem>> -> memref<128xi32, #tpu.memory_space<vmem>>
      %dma_start3A_662 = tpu.memref_slice %arg3[%mul3A_2] : memref<49152xi32, #tpu.memory_space<hbm>> -> memref<128xi32, #tpu.memory_space<hbm>>
      %dma_start3A_663 = arith.constant 0 : i32
      %dma_start3A_664 = tpu.memref_slice %arg5[%run_scoped3A, %dma_start3A_663] : memref<2x128xi32, #tpu.memory_space<vmem>> -> memref<1x128xi32, #tpu.memory_space<vmem>>
      %dma_start3A_665 = tpu.memref_squeeze %dma_start3A_664 : memref<1x128xi32, #tpu.memory_space<vmem>> -> memref<128xi32, #tpu.memory_space<vmem>>
      %dma_start3A_666 = tpu.memref_slice %arg3[%mul3A_2] : memref<49152xi32, #tpu.memory_space<hbm>> -> memref<128xi32, #tpu.memory_space<hbm>>
      tpu.enqueue_dma source(%dma_start3A_666 : memref<128xi32, #tpu.memory_space<hbm>>) target(%dma_start3A_665 : memref<128xi32, #tpu.memory_space<vmem>>) target_semaphore(%run_scoped3A_658 : memref<!tpu.dma_semaphore, #tpu.memory_space<semaphore_mem>>)
      %dma_wait3A_667 = arith.constant 0 : i32
      %dma_wait3A_668 = tpu.memref_slice %arg5[%run_scoped3A, %dma_wait3A_667] : memref<2x128xi32, #tpu.memory_space<vmem>> -> memref<1x128xi32, #tpu.memory_space<vmem>>
      %dma_wait3A_669 = tpu.memref_squeeze %dma_wait3A_668 : memref<1x128xi32, #tpu.memory_space<vmem>> -> memref<128xi32, #tpu.memory_space<vmem>>
      %dma_wait3A_670 = tpu.memref_slice %arg3[%mul3A_2] : memref<49152xi32, #tpu.memory_space<hbm>> -> memref<128xi32, #tpu.memory_space<hbm>>
      %dma_wait3A_671 = arith.constant 0 : i32
      %dma_wait3A_672 = tpu.memref_slice %arg5[%run_scoped3A, %dma_wait3A_671] : memref<2x128xi32, #tpu.memory_space<vmem>> -> memref<1x128xi32, #tpu.memory_space<vmem>>
      %dma_wait3A_673 = tpu.memref_squeeze %dma_wait3A_672 : memref<1x128xi32, #tpu.memory_space<vmem>> -> memref<128xi32, #tpu.memory_space<vmem>>
      %dma_wait3A_674 = tpu.memref_slice %arg3[%mul3A_2] : memref<49152xi32, #tpu.memory_space<hbm>> -> memref<128xi32, #tpu.memory_space<hbm>>
      tpu.wait_dma2 semaphore(%run_scoped3A_658 : memref<!tpu.dma_semaphore, #tpu.memory_space<semaphore_mem>>) src(%dma_wait3A_674 : memref<128xi32, #tpu.memory_space<hbm>>) dst(%dma_wait3A_673 : memref<128xi32, #tpu.memory_space<vmem>>)
      tpu.yield
    }) : () -> ()
    %dma_start3A = arith.constant 0 : i32
    %dma_start3A_3 = arith.constant 0 : i32
    %dma_start3A_4 = arith.constant 0 : i32
    %dma_start3A_5 = arith.constant 0 : i32
    %dma_start3A_6 = tpu.memref_slice %arg6[%dma_start3A_3, %dma_start3A_4, %dma_start3A_5] : memref<2x128x256xf32, #tpu.memory_space<vmem>> -> memref<1x128x256xf32, #tpu.memory_space<vmem>>
    %dma_start3A_7 = tpu.memref_squeeze %dma_start3A_6 : memref<1x128x256xf32, #tpu.memory_space<vmem>> -> memref<128x256xf32, #tpu.memory_space<vmem>>
    %dma_start3A_8 = arith.constant 0 : i32
    %dma_start3A_9 = tpu.memref_slice %arg5[%dma_start3A, %dma_start3A_8] : memref<2x128xi32, #tpu.memory_space<vmem>> -> memref<1x128xi32, #tpu.memory_space<vmem>>
    %dma_start3A_10 = tpu.memref_squeeze %dma_start3A_9 : memref<1x128xi32, #tpu.memory_space<vmem>> -> memref<128xi32, #tpu.memory_space<vmem>>
    %dma_start3A_11 = arith.constant 0 : i32
    %dma_start3A_12 = arith.constant 0 : i32
    %dma_start3A_13 = tpu.memref_slice %arg2[%dma_start3A_11, %dma_start3A_12] : memref<4096x256xf32, #tpu.memory_space<hbm>> -> memref<4096x256xf32, #tpu.memory_space<hbm>>
    tpu.enqueue_indirect_dma source(%dma_start3A_13 : memref<4096x256xf32, #tpu.memory_space<hbm>>) target(%dma_start3A_7 : memref<128x256xf32, #tpu.memory_space<vmem>>) offsets(%dma_start3A_10 : memref<128xi32, #tpu.memory_space<vmem>>) semaphore(%arg7 : memref<!tpu.dma_semaphore, #tpu.memory_space<semaphore_mem>>)
    %add3A_14 = arith.constant 128 : i32
    %add3A_15 = arith.addi %mul3A_2, %add3A_14 : i32
    %run_scoped3A_16 = arith.constant 1 : i32
    "tpu.region"() ({
      %run_scoped3A_658 = tpu.sem_alloc : memref<!tpu.dma_semaphore, #tpu.memory_space<semaphore_mem>>
      %dma_start3A_659 = arith.constant 0 : i32
      %dma_start3A_660 = tpu.memref_slice %arg5[%run_scoped3A_16, %dma_start3A_659] : memref<2x128xi32, #tpu.memory_space<vmem>> -> memref<1x128xi32, #tpu.memory_space<vmem>>
      %dma_start3A_661 = tpu.memref_squeeze %dma_start3A_660 : memref<1x128xi32, #tpu.memory_space<vmem>> -> memref<128xi32, #tpu.memory_space<vmem>>
      %dma_start3A_662 = tpu.memref_slice %arg3[%add3A_15] : memref<49152xi32, #tpu.memory_space<hbm>> -> memref<128xi32, #tpu.memory_space<hbm>>
      %dma_start3A_663 = arith.constant 0 : i32
      %dma_start3A_664 = tpu.memref_slice %arg5[%run_scoped3A_16, %dma_start3A_663] : memref<2x128xi32, #tpu.memory_space<vmem>> -> memref<1x128xi32, #tpu.memory_space<vmem>>
      %dma_start3A_665 = tpu.memref_squeeze %dma_start3A_664 : memref<1x128xi32, #tpu.memory_space<vmem>> -> memref<128xi32, #tpu.memory_space<vmem>>
      %dma_start3A_666 = tpu.memref_slice %arg3[%add3A_15] : memref<49152xi32, #tpu.memory_space<hbm>> -> memref<128xi32, #tpu.memory_space<hbm>>
      tpu.enqueue_dma source(%dma_start3A_666 : memref<128xi32, #tpu.memory_space<hbm>>) target(%dma_start3A_665 : memref<128xi32, #tpu.memory_space<vmem>>) target_semaphore(%run_scoped3A_658 : memref<!tpu.dma_semaphore, #tpu.memory_space<semaphore_mem>>)
      %dma_wait3A_667 = arith.constant 0 : i32
      %dma_wait3A_668 = tpu.memref_slice %arg5[%run_scoped3A_16, %dma_wait3A_667] : memref<2x128xi32, #tpu.memory_space<vmem>> -> memref<1x128xi32, #tpu.memory_space<vmem>>
      %dma_wait3A_669 = tpu.memref_squeeze %dma_wait3A_668 : memref<1x128xi32, #tpu.memory_space<vmem>> -> memref<128xi32, #tpu.memory_space<vmem>>
      %dma_wait3A_670 = tpu.memref_slice %arg3[%add3A_15] : memref<49152xi32, #tpu.memory_space<hbm>> -> memref<128xi32, #tpu.memory_space<hbm>>
      %dma_wait3A_671 = arith.constant 0 : i32
      %dma_wait3A_672 = tpu.memref_slice %arg5[%run_scoped3A_16, %dma_wait3A_671] : memref<2x128xi32, #tpu.memory_space<vmem>> -> memref<1x128xi32, #tpu.memory_space<vmem>>
      %dma_wait3A_673 = tpu.memref_squeeze %dma_wait3A_672 : memref<1x128xi32, #tpu.memory_space<vmem>> -> memref<128xi32, #tpu.memory_space<vmem>>
      %dma_wait3A_674 = tpu.memref_slice %arg3[%add3A_15] : memref<49152xi32, #tpu.memory_space<hbm>> -> memref<128xi32, #tpu.memory_space<hbm>>
      tpu.wait_dma2 semaphore(%run_scoped3A_658 : memref<!tpu.dma_semaphore, #tpu.memory_space<semaphore_mem>>) src(%dma_wait3A_674 : memref<128xi32, #tpu.memory_space<hbm>>) dst(%dma_wait3A_673 : memref<128xi32, #tpu.memory_space<vmem>>)
      tpu.yield
    }) : () -> ()
    %dma_start3A_17 = arith.constant 1 : i32
    %dma_start3A_18 = arith.constant 1 : i32
    %dma_start3A_19 = arith.constant 0 : i32
    %dma_start3A_20 = arith.constant 0 : i32
    %dma_start3A_21 = tpu.memref_slice %arg6[%dma_start3A_18, %dma_start3A_19, %dma_start3A_20] : memref<2x128x256xf32, #tpu.memory_space<vmem>> -> memref<1x128x256xf32, #tpu.memory_space<vmem>>
    %dma_start3A_22 = tpu.memref_squeeze %dma_start3A_21 : memref<1x128x256xf32, #tpu.memory_space<vmem>> -> memref<128x256xf32, #tpu.memory_space<vmem>>
    %dma_start3A_23 = arith.constant 0 : i32
    %dma_start3A_24 = tpu.memref_slice %arg5[%dma_start3A_17, %dma_start3A_23] : memref<2x128xi32, #tpu.memory_space<vmem>> -> memref<1x128xi32, #tpu.memory_space<vmem>>
    %dma_start3A_25 = tpu.memref_squeeze %dma_start3A_24 : memref<1x128xi32, #tpu.memory_space<vmem>> -> memref<128xi32, #tpu.memory_space<vmem>>
    %dma_start3A_26 = arith.constant 0 : i32
    %dma_start3A_27 = arith.constant 0 : i32
    %dma_start3A_28 = tpu.memref_slice %arg2[%dma_start3A_26, %dma_start3A_27] : memref<4096x256xf32, #tpu.memory_space<hbm>> -> memref<4096x256xf32, #tpu.memory_space<hbm>>
    tpu.enqueue_indirect_dma source(%dma_start3A_28 : memref<4096x256xf32, #tpu.memory_space<hbm>>) target(%dma_start3A_22 : memref<128x256xf32, #tpu.memory_space<vmem>>) offsets(%dma_start3A_25 : memref<128xi32, #tpu.memory_space<vmem>>) semaphore(%arg7 : memref<!tpu.dma_semaphore, #tpu.memory_space<semaphore_mem>>)
    %dma_wait3A = arith.constant 0 : i32
    %dma_wait3A_29 = arith.constant 0 : i32
    %dma_wait3A_30 = arith.constant 0 : i32
    %dma_wait3A_31 = arith.constant 0 : i32
    %dma_wait3A_32 = tpu.memref_slice %arg6[%dma_wait3A_29, %dma_wait3A_30, %dma_wait3A_31] : memref<2x128x256xf32, #tpu.memory_space<vmem>> -> memref<1x128x256xf32, #tpu.memory_space<vmem>>
    %dma_wait3A_33 = tpu.memref_squeeze %dma_wait3A_32 : memref<1x128x256xf32, #tpu.memory_space<vmem>> -> memref<128x256xf32, #tpu.memory_space<vmem>>
    %dma_wait3A_34 = arith.constant 0 : i32
    %dma_wait3A_35 = tpu.memref_slice %arg5[%dma_wait3A, %dma_wait3A_34] : memref<2x128xi32, #tpu.memory_space<vmem>> -> memref<1x128xi32, #tpu.memory_space<vmem>>
    %dma_wait3A_36 = tpu.memref_squeeze %dma_wait3A_35 : memref<1x128xi32, #tpu.memory_space<vmem>> -> memref<128xi32, #tpu.memory_space<vmem>>
    %dma_wait3A_37 = arith.constant 0 : i32
    %dma_wait3A_38 = arith.constant 0 : i32
    %dma_wait3A_39 = tpu.memref_slice %arg2[%dma_wait3A_37, %dma_wait3A_38] : memref<4096x256xf32, #tpu.memory_space<hbm>> -> memref<4096x256xf32, #tpu.memory_space<hbm>>
    tpu.wait_indirect_dma semaphore(%arg7 : memref<!tpu.dma_semaphore, #tpu.memory_space<semaphore_mem>>) src(%dma_wait3A_39 : memref<4096x256xf32, #tpu.memory_space<hbm>>) dst(%dma_wait3A_33 : memref<128x256xf32, #tpu.memory_space<vmem>>)
    %add3A_40 = arith.constant 0 : i32
    %add3A_41 = arith.addi %mul3A_2, %add3A_40 : i32
    %dma_start3A_42 = arith.constant 0 : i32
    %dma_start3A_43 = arith.constant 0 : i32
    %dma_start3A_44 = arith.constant 0 : i32
    %dma_start3A_45 = tpu.memref_slice %arg6[%dma_start3A_42, %dma_start3A_43, %dma_start3A_44] : memref<2x128x256xf32, #tpu.memory_space<vmem>> -> memref<1x128x256xf32, #tpu.memory_space<vmem>>
    %dma_start3A_46 = tpu.memref_squeeze %dma_start3A_45 : memref<1x128x256xf32, #tpu.memory_space<vmem>> -> memref<128x256xf32, #tpu.memory_space<vmem>>
    %dma_start3A_47 = arith.constant 0 : i32
    %dma_start3A_48 = tpu.memref_slice %arg4[%add3A_41, %dma_start3A_47] : memref<49152x256xf32, #tpu.memory_space<hbm>> -> memref<128x256xf32, #tpu.memory_space<hbm>>
    %dma_start3A_49 = arith.constant 0 : i32
    %dma_start3A_50 = tpu.memref_slice %arg4[%add3A_41, %dma_start3A_49] : memref<49152x256xf32, #tpu.memory_space<hbm>> -> memref<128x256xf32, #tpu.memory_space<hbm>>
    %dma_start3A_51 = arith.constant 0 : i32
    %dma_start3A_52 = arith.constant 0 : i32
    %dma_start3A_53 = tpu.memref_slice %arg6[%dma_start3A_42, %dma_start3A_51, %dma_start3A_52] : memref<2x128x256xf32, #tpu.memory_space<vmem>> -> memref<1x128x256xf32, #tpu.memory_space<vmem>>
    %dma_start3A_54 = tpu.memref_squeeze %dma_start3A_53 : memref<1x128x256xf32, #tpu.memory_space<vmem>> -> memref<128x256xf32, #tpu.memory_space<vmem>>
    tpu.enqueue_dma source(%dma_start3A_54 : memref<128x256xf32, #tpu.memory_space<vmem>>) target(%dma_start3A_50 : memref<128x256xf32, #tpu.memory_space<hbm>>) target_semaphore(%arg8 : memref<!tpu.dma_semaphore, #tpu.memory_space<semaphore_mem>>)
    %dma_wait3A_55 = arith.constant 0 : i32
    %dma_wait3A_56 = arith.constant 0 : i32
    %dma_wait3A_57 = arith.constant 0 : i32
    %dma_wait3A_58 = tpu.memref_slice %arg6[%dma_wait3A_55, %dma_wait3A_56, %dma_wait3A_57] : memref<2x128x256xf32, #tpu.memory_space<vmem>> -> memref<1x128x256xf32, #tpu.memory_space<vmem>>
    %dma_wait3A_59 = tpu.memref_squeeze %dma_wait3A_58 : memref<1x128x256xf32, #tpu.memory_space<vmem>> -> memref<128x256xf32, #tpu.memory_space<vmem>>
    %dma_wait3A_60 = arith.constant 0 : i32
    %dma_wait3A_61 = tpu.memref_slice %arg4[%add3A_41, %dma_wait3A_60] : memref<49152x256xf32, #tpu.memory_space<hbm>> -> memref<128x256xf32, #tpu.memory_space<hbm>>
    %dma_wait3A_62 = arith.constant 0 : i32
    %dma_wait3A_63 = tpu.memref_slice %arg4[%add3A_41, %dma_wait3A_62] : memref<49152x256xf32, #tpu.memory_space<hbm>> -> memref<128x256xf32, #tpu.memory_space<hbm>>
    %dma_wait3A_64 = arith.constant 0 : i32
    %dma_wait3A_65 = arith.constant 0 : i32
    %dma_wait3A_66 = tpu.memref_slice %arg6[%dma_wait3A_55, %dma_wait3A_64, %dma_wait3A_65] : memref<2x128x256xf32, #tpu.memory_space<vmem>> -> memref<1x128x256xf32, #tpu.memory_space<vmem>>
    %dma_wait3A_67 = tpu.memref_squeeze %dma_wait3A_66 : memref<1x128x256xf32, #tpu.memory_space<vmem>> -> memref<128x256xf32, #tpu.memory_space<vmem>>
    tpu.wait_dma2 semaphore(%arg8 : memref<!tpu.dma_semaphore, #tpu.memory_space<semaphore_mem>>) src(%dma_wait3A_67 : memref<128x256xf32, #tpu.memory_space<vmem>>) dst(%dma_wait3A_63 : memref<128x256xf32, #tpu.memory_space<hbm>>)
    %add3A_68 = arith.constant 256 : i32
    %add3A_69 = arith.addi %mul3A_2, %add3A_68 : i32
    %run_scoped3A_70 = arith.constant 0 : i32
    "tpu.region"() ({
      %run_scoped3A_658 = tpu.sem_alloc : memref<!tpu.dma_semaphore, #tpu.memory_space<semaphore_mem>>
      %dma_start3A_659 = arith.constant 0 : i32
      %dma_start3A_660 = tpu.memref_slice %arg5[%run_scoped3A_70, %dma_start3A_659] : memref<2x128xi32, #tpu.memory_space<vmem>> -> memref<1x128xi32, #tpu.memory_space<vmem>>
      %dma_start3A_661 = tpu.memref_squeeze %dma_start3A_660 : memref<1x128xi32, #tpu.memory_space<vmem>> -> memref<128xi32, #tpu.memory_space<vmem>>
      %dma_start3A_662 = tpu.memref_slice %arg3[%add3A_69] : memref<49152xi32, #tpu.memory_space<hbm>> -> memref<128xi32, #tpu.memory_space<hbm>>
      %dma_start3A_663 = arith.constant 0 : i32
      %dma_start3A_664 = tpu.memref_slice %arg5[%run_scoped3A_70, %dma_start3A_663] : memref<2x128xi32, #tpu.memory_space<vmem>> -> memref<1x128xi32, #tpu.memory_space<vmem>>
      %dma_start3A_665 = tpu.memref_squeeze %dma_start3A_664 : memref<1x128xi32, #tpu.memory_space<vmem>> -> memref<128xi32, #tpu.memory_space<vmem>>
      %dma_start3A_666 = tpu.memref_slice %arg3[%add3A_69] : memref<49152xi32, #tpu.memory_space<hbm>> -> memref<128xi32, #tpu.memory_space<hbm>>
      tpu.enqueue_dma source(%dma_start3A_666 : memref<128xi32, #tpu.memory_space<hbm>>) target(%dma_start3A_665 : memref<128xi32, #tpu.memory_space<vmem>>) target_semaphore(%run_scoped3A_658 : memref<!tpu.dma_semaphore, #tpu.memory_space<semaphore_mem>>)
      %dma_wait3A_667 = arith.constant 0 : i32
      %dma_wait3A_668 = tpu.memref_slice %arg5[%run_scoped3A_70, %dma_wait3A_667] : memref<2x128xi32, #tpu.memory_space<vmem>> -> memref<1x128xi32, #tpu.memory_space<vmem>>
      %dma_wait3A_669 = tpu.memref_squeeze %dma_wait3A_668 : memref<1x128xi32, #tpu.memory_space<vmem>> -> memref<128xi32, #tpu.memory_space<vmem>>
      %dma_wait3A_670 = tpu.memref_slice %arg3[%add3A_69] : memref<49152xi32, #tpu.memory_space<hbm>> -> memref<128xi32, #tpu.memory_space<hbm>>
      %dma_wait3A_671 = arith.constant 0 : i32
      %dma_wait3A_672 = tpu.memref_slice %arg5[%run_scoped3A_70, %dma_wait3A_671] : memref<2x128xi32, #tpu.memory_space<vmem>> -> memref<1x128xi32, #tpu.memory_space<vmem>>
      %dma_wait3A_673 = tpu.memref_squeeze %dma_wait3A_672 : memref<1x128xi32, #tpu.memory_space<vmem>> -> memref<128xi32, #tpu.memory_space<vmem>>
      %dma_wait3A_674 = tpu.memref_slice %arg3[%add3A_69] : memref<49152xi32, #tpu.memory_space<hbm>> -> memref<128xi32, #tpu.memory_space<hbm>>
      tpu.wait_dma2 semaphore(%run_scoped3A_658 : memref<!tpu.dma_semaphore, #tpu.memory_space<semaphore_mem>>) src(%dma_wait3A_674 : memref<128xi32, #tpu.memory_space<hbm>>) dst(%dma_wait3A_673 : memref<128xi32, #tpu.memory_space<vmem>>)
      tpu.yield
    }) : () -> ()
    %dma_start3A_71 = arith.constant 0 : i32
    %dma_start3A_72 = arith.constant 0 : i32
    %dma_start3A_73 = arith.constant 0 : i32
    %dma_start3A_74 = arith.constant 0 : i32
    %dma_start3A_75 = tpu.memref_slice %arg6[%dma_start3A_72, %dma_start3A_73, %dma_start3A_74] : memref<2x128x256xf32, #tpu.memory_space<vmem>> -> memref<1x128x256xf32, #tpu.memory_space<vmem>>
    %dma_start3A_76 = tpu.memref_squeeze %dma_start3A_75 : memref<1x128x256xf32, #tpu.memory_space<vmem>> -> memref<128x256xf32, #tpu.memory_space<vmem>>
    %dma_start3A_77 = arith.constant 0 : i32
    %dma_start3A_78 = tpu.memref_slice %arg5[%dma_start3A_71, %dma_start3A_77] : memref<2x128xi32, #tpu.memory_space<vmem>> -> memref<1x128xi32, #tpu.memory_space<vmem>>
    %dma_start3A_79 = tpu.memref_squeeze %dma_start3A_78 : memref<1x128xi32, #tpu.memory_space<vmem>> -> memref<128xi32, #tpu.memory_space<vmem>>
    %dma_start3A_80 = arith.constant 0 : i32
    %dma_start3A_81 = arith.constant 0 : i32
    %dma_start3A_82 = tpu.memref_slice %arg2[%dma_start3A_80, %dma_start3A_81] : memref<4096x256xf32, #tpu.memory_space<hbm>> -> memref<4096x256xf32, #tpu.memory_space<hbm>>
    tpu.enqueue_indirect_dma source(%dma_start3A_82 : memref<4096x256xf32, #tpu.memory_space<hbm>>) target(%dma_start3A_76 : memref<128x256xf32, #tpu.memory_space<vmem>>) offsets(%dma_start3A_79 : memref<128xi32, #tpu.memory_space<vmem>>) semaphore(%arg7 : memref<!tpu.dma_semaphore, #tpu.memory_space<semaphore_mem>>)
    %dma_wait3A_83 = arith.constant 1 : i32
    %dma_wait3A_84 = arith.constant 1 : i32
    %dma_wait3A_85 = arith.constant 0 : i32
    %dma_wait3A_86 = arith.constant 0 : i32
    %dma_wait3A_87 = tpu.memref_slice %arg6[%dma_wait3A_84, %dma_wait3A_85, %dma_wait3A_86] : memref<2x128x256xf32, #tpu.memory_space<vmem>> -> memref<1x128x256xf32, #tpu.memory_space<vmem>>
    %dma_wait3A_88 = tpu.memref_squeeze %dma_wait3A_87 : memref<1x128x256xf32, #tpu.memory_space<vmem>> -> memref<128x256xf32, #tpu.memory_space<vmem>>
    %dma_wait3A_89 = arith.constant 0 : i32
    %dma_wait3A_90 = tpu.memref_slice %arg5[%dma_wait3A_83, %dma_wait3A_89] : memref<2x128xi32, #tpu.memory_space<vmem>> -> memref<1x128xi32, #tpu.memory_space<vmem>>
    %dma_wait3A_91 = tpu.memref_squeeze %dma_wait3A_90 : memref<1x128xi32, #tpu.memory_space<vmem>> -> memref<128xi32, #tpu.memory_space<vmem>>
    %dma_wait3A_92 = arith.constant 0 : i32
    %dma_wait3A_93 = arith.constant 0 : i32
    %dma_wait3A_94 = tpu.memref_slice %arg2[%dma_wait3A_92, %dma_wait3A_93] : memref<4096x256xf32, #tpu.memory_space<hbm>> -> memref<4096x256xf32, #tpu.memory_space<hbm>>
    tpu.wait_indirect_dma semaphore(%arg7 : memref<!tpu.dma_semaphore, #tpu.memory_space<semaphore_mem>>) src(%dma_wait3A_94 : memref<4096x256xf32, #tpu.memory_space<hbm>>) dst(%dma_wait3A_88 : memref<128x256xf32, #tpu.memory_space<vmem>>)
    %add3A_95 = arith.constant 128 : i32
    %add3A_96 = arith.addi %mul3A_2, %add3A_95 : i32
    %dma_start3A_97 = arith.constant 1 : i32
    %dma_start3A_98 = arith.constant 0 : i32
    %dma_start3A_99 = arith.constant 0 : i32
    %dma_start3A_100 = tpu.memref_slice %arg6[%dma_start3A_97, %dma_start3A_98, %dma_start3A_99] : memref<2x128x256xf32, #tpu.memory_space<vmem>> -> memref<1x128x256xf32, #tpu.memory_space<vmem>>
    %dma_start3A_101 = tpu.memref_squeeze %dma_start3A_100 : memref<1x128x256xf32, #tpu.memory_space<vmem>> -> memref<128x256xf32, #tpu.memory_space<vmem>>
    %dma_start3A_102 = arith.constant 0 : i32
    %dma_start3A_103 = tpu.memref_slice %arg4[%add3A_96, %dma_start3A_102] : memref<49152x256xf32, #tpu.memory_space<hbm>> -> memref<128x256xf32, #tpu.memory_space<hbm>>
    %dma_start3A_104 = arith.constant 0 : i32
    %dma_start3A_105 = tpu.memref_slice %arg4[%add3A_96, %dma_start3A_104] : memref<49152x256xf32, #tpu.memory_space<hbm>> -> memref<128x256xf32, #tpu.memory_space<hbm>>
    %dma_start3A_106 = arith.constant 0 : i32
    %dma_start3A_107 = arith.constant 0 : i32
    %dma_start3A_108 = tpu.memref_slice %arg6[%dma_start3A_97, %dma_start3A_106, %dma_start3A_107] : memref<2x128x256xf32, #tpu.memory_space<vmem>> -> memref<1x128x256xf32, #tpu.memory_space<vmem>>
    %dma_start3A_109 = tpu.memref_squeeze %dma_start3A_108 : memref<1x128x256xf32, #tpu.memory_space<vmem>> -> memref<128x256xf32, #tpu.memory_space<vmem>>
    tpu.enqueue_dma source(%dma_start3A_109 : memref<128x256xf32, #tpu.memory_space<vmem>>) target(%dma_start3A_105 : memref<128x256xf32, #tpu.memory_space<hbm>>) target_semaphore(%arg8 : memref<!tpu.dma_semaphore, #tpu.memory_space<semaphore_mem>>)
    %dma_wait3A_110 = arith.constant 1 : i32
    %dma_wait3A_111 = arith.constant 0 : i32
    %dma_wait3A_112 = arith.constant 0 : i32
    %dma_wait3A_113 = tpu.memref_slice %arg6[%dma_wait3A_110, %dma_wait3A_111, %dma_wait3A_112] : memref<2x128x256xf32, #tpu.memory_space<vmem>> -> memref<1x128x256xf32, #tpu.memory_space<vmem>>
    %dma_wait3A_114 = tpu.memref_squeeze %dma_wait3A_113 : memref<1x128x256xf32, #tpu.memory_space<vmem>> -> memref<128x256xf32, #tpu.memory_space<vmem>>
    %dma_wait3A_115 = arith.constant 0 : i32
    %dma_wait3A_116 = tpu.memref_slice %arg4[%add3A_96, %dma_wait3A_115] : memref<49152x256xf32, #tpu.memory_space<hbm>> -> memref<128x256xf32, #tpu.memory_space<hbm>>
    %dma_wait3A_117 = arith.constant 0 : i32
    %dma_wait3A_118 = tpu.memref_slice %arg4[%add3A_96, %dma_wait3A_117] : memref<49152x256xf32, #tpu.memory_space<hbm>> -> memref<128x256xf32, #tpu.memory_space<hbm>>
    %dma_wait3A_119 = arith.constant 0 : i32
    %dma_wait3A_120 = arith.constant 0 : i32
    %dma_wait3A_121 = tpu.memref_slice %arg6[%dma_wait3A_110, %dma_wait3A_119, %dma_wait3A_120] : memref<2x128x256xf32, #tpu.memory_space<vmem>> -> memref<1x128x256xf32, #tpu.memory_space<vmem>>
    %dma_wait3A_122 = tpu.memref_squeeze %dma_wait3A_121 : memref<1x128x256xf32, #tpu.memory_space<vmem>> -> memref<128x256xf32, #tpu.memory_space<vmem>>
    tpu.wait_dma2 semaphore(%arg8 : memref<!tpu.dma_semaphore, #tpu.memory_space<semaphore_mem>>) src(%dma_wait3A_122 : memref<128x256xf32, #tpu.memory_space<vmem>>) dst(%dma_wait3A_118 : memref<128x256xf32, #tpu.memory_space<hbm>>)
    %add3A_123 = arith.constant 384 : i32
    %add3A_124 = arith.addi %mul3A_2, %add3A_123 : i32
    %run_scoped3A_125 = arith.constant 1 : i32
    "tpu.region"() ({
      %run_scoped3A_658 = tpu.sem_alloc : memref<!tpu.dma_semaphore, #tpu.memory_space<semaphore_mem>>
      %dma_start3A_659 = arith.constant 0 : i32
      %dma_start3A_660 = tpu.memref_slice %arg5[%run_scoped3A_125, %dma_start3A_659] : memref<2x128xi32, #tpu.memory_space<vmem>> -> memref<1x128xi32, #tpu.memory_space<vmem>>
      %dma_start3A_661 = tpu.memref_squeeze %dma_start3A_660 : memref<1x128xi32, #tpu.memory_space<vmem>> -> memref<128xi32, #tpu.memory_space<vmem>>
      %dma_start3A_662 = tpu.memref_slice %arg3[%add3A_124] : memref<49152xi32, #tpu.memory_space<hbm>> -> memref<128xi32, #tpu.memory_space<hbm>>
      %dma_start3A_663 = arith.constant 0 : i32
      %dma_start3A_664 = tpu.memref_slice %arg5[%run_scoped3A_125, %dma_start3A_663] : memref<2x128xi32, #tpu.memory_space<vmem>> -> memref<1x128xi32, #tpu.memory_space<vmem>>
      %dma_start3A_665 = tpu.memref_squeeze %dma_start3A_664 : memref<1x128xi32, #tpu.memory_space<vmem>> -> memref<128xi32, #tpu.memory_space<vmem>>
      %dma_start3A_666 = tpu.memref_slice %arg3[%add3A_124] : memref<49152xi32, #tpu.memory_space<hbm>> -> memref<128xi32, #tpu.memory_space<hbm>>
      tpu.enqueue_dma source(%dma_start3A_666 : memref<128xi32, #tpu.memory_space<hbm>>) target(%dma_start3A_665 : memref<128xi32, #tpu.memory_space<vmem>>) target_semaphore(%run_scoped3A_658 : memref<!tpu.dma_semaphore, #tpu.memory_space<semaphore_mem>>)
      %dma_wait3A_667 = arith.constant 0 : i32
      %dma_wait3A_668 = tpu.memref_slice %arg5[%run_scoped3A_125, %dma_wait3A_667] : memref<2x128xi32, #tpu.memory_space<vmem>> -> memref<1x128xi32, #tpu.memory_space<vmem>>
      %dma_wait3A_669 = tpu.memref_squeeze %dma_wait3A_668 : memref<1x128xi32, #tpu.memory_space<vmem>> -> memref<128xi32, #tpu.memory_space<vmem>>
      %dma_wait3A_670 = tpu.memref_slice %arg3[%add3A_124] : memref<49152xi32, #tpu.memory_space<hbm>> -> memref<128xi32, #tpu.memory_space<hbm>>
      %dma_wait3A_671 = arith.constant 0 : i32
      %dma_wait3A_672 = tpu.memref_slice %arg5[%run_scoped3A_125, %dma_wait3A_671] : memref<2x128xi32, #tpu.memory_space<vmem>> -> memref<1x128xi32, #tpu.memory_space<vmem>>
      %dma_wait3A_673 = tpu.memref_squeeze %dma_wait3A_672 : memref<1x128xi32, #tpu.memory_space<vmem>> -> memref<128xi32, #tpu.memory_space<vmem>>
      %dma_wait3A_674 = tpu.memref_slice %arg3[%add3A_124] : memref<49152xi32, #tpu.memory_space<hbm>> -> memref<128xi32, #tpu.memory_space<hbm>>
      tpu.wait_dma2 semaphore(%run_scoped3A_658 : memref<!tpu.dma_semaphore, #tpu.memory_space<semaphore_mem>>) src(%dma_wait3A_674 : memref<128xi32, #tpu.memory_space<hbm>>) dst(%dma_wait3A_673 : memref<128xi32, #tpu.memory_space<vmem>>)
      tpu.yield
    }) : () -> ()
    %dma_start3A_126 = arith.constant 1 : i32
    %dma_start3A_127 = arith.constant 1 : i32
    %dma_start3A_128 = arith.constant 0 : i32
    %dma_start3A_129 = arith.constant 0 : i32
    %dma_start3A_130 = tpu.memref_slice %arg6[%dma_start3A_127, %dma_start3A_128, %dma_start3A_129] : memref<2x128x256xf32, #tpu.memory_space<vmem>> -> memref<1x128x256xf32, #tpu.memory_space<vmem>>
    %dma_start3A_131 = tpu.memref_squeeze %dma_start3A_130 : memref<1x128x256xf32, #tpu.memory_space<vmem>> -> memref<128x256xf32, #tpu.memory_space<vmem>>
    %dma_start3A_132 = arith.constant 0 : i32
    %dma_start3A_133 = tpu.memref_slice %arg5[%dma_start3A_126, %dma_start3A_132] : memref<2x128xi32, #tpu.memory_space<vmem>> -> memref<1x128xi32, #tpu.memory_space<vmem>>
    %dma_start3A_134 = tpu.memref_squeeze %dma_start3A_133 : memref<1x128xi32, #tpu.memory_space<vmem>> -> memref<128xi32, #tpu.memory_space<vmem>>
    %dma_start3A_135 = arith.constant 0 : i32
    %dma_start3A_136 = arith.constant 0 : i32
    %dma_start3A_137 = tpu.memref_slice %arg2[%dma_start3A_135, %dma_start3A_136] : memref<4096x256xf32, #tpu.memory_space<hbm>> -> memref<4096x256xf32, #tpu.memory_space<hbm>>
    tpu.enqueue_indirect_dma source(%dma_start3A_137 : memref<4096x256xf32, #tpu.memory_space<hbm>>) target(%dma_start3A_131 : memref<128x256xf32, #tpu.memory_space<vmem>>) offsets(%dma_start3A_134 : memref<128xi32, #tpu.memory_space<vmem>>) semaphore(%arg7 : memref<!tpu.dma_semaphore, #tpu.memory_space<semaphore_mem>>)
    %dma_wait3A_138 = arith.constant 0 : i32
    %dma_wait3A_139 = arith.constant 0 : i32
    %dma_wait3A_140 = arith.constant 0 : i32
    %dma_wait3A_141 = arith.constant 0 : i32
    %dma_wait3A_142 = tpu.memref_slice %arg6[%dma_wait3A_139, %dma_wait3A_140, %dma_wait3A_141] : memref<2x128x256xf32, #tpu.memory_space<vmem>> -> memref<1x128x256xf32, #tpu.memory_space<vmem>>
    %dma_wait3A_143 = tpu.memref_squeeze %dma_wait3A_142 : memref<1x128x256xf32, #tpu.memory_space<vmem>> -> memref<128x256xf32, #tpu.memory_space<vmem>>
    %dma_wait3A_144 = arith.constant 0 : i32
    %dma_wait3A_145 = tpu.memref_slice %arg5[%dma_wait3A_138, %dma_wait3A_144] : memref<2x128xi32, #tpu.memory_space<vmem>> -> memref<1x128xi32, #tpu.memory_space<vmem>>
    %dma_wait3A_146 = tpu.memref_squeeze %dma_wait3A_145 : memref<1x128xi32, #tpu.memory_space<vmem>> -> memref<128xi32, #tpu.memory_space<vmem>>
    %dma_wait3A_147 = arith.constant 0 : i32
    %dma_wait3A_148 = arith.constant 0 : i32
    %dma_wait3A_149 = tpu.memref_slice %arg2[%dma_wait3A_147, %dma_wait3A_148] : memref<4096x256xf32, #tpu.memory_space<hbm>> -> memref<4096x256xf32, #tpu.memory_space<hbm>>
    tpu.wait_indirect_dma semaphore(%arg7 : memref<!tpu.dma_semaphore, #tpu.memory_space<semaphore_mem>>) src(%dma_wait3A_149 : memref<4096x256xf32, #tpu.memory_space<hbm>>) dst(%dma_wait3A_143 : memref<128x256xf32, #tpu.memory_space<vmem>>)
    %add3A_150 = arith.constant 256 : i32
    %add3A_151 = arith.addi %mul3A_2, %add3A_150 : i32
    %dma_start3A_152 = arith.constant 0 : i32
    %dma_start3A_153 = arith.constant 0 : i32
    %dma_start3A_154 = arith.constant 0 : i32
    %dma_start3A_155 = tpu.memref_slice %arg6[%dma_start3A_152, %dma_start3A_153, %dma_start3A_154] : memref<2x128x256xf32, #tpu.memory_space<vmem>> -> memref<1x128x256xf32, #tpu.memory_space<vmem>>
    %dma_start3A_156 = tpu.memref_squeeze %dma_start3A_155 : memref<1x128x256xf32, #tpu.memory_space<vmem>> -> memref<128x256xf32, #tpu.memory_space<vmem>>
    %dma_start3A_157 = arith.constant 0 : i32
    %dma_start3A_158 = tpu.memref_slice %arg4[%add3A_151, %dma_start3A_157] : memref<49152x256xf32, #tpu.memory_space<hbm>> -> memref<128x256xf32, #tpu.memory_space<hbm>>
    %dma_start3A_159 = arith.constant 0 : i32
    %dma_start3A_160 = tpu.memref_slice %arg4[%add3A_151, %dma_start3A_159] : memref<49152x256xf32, #tpu.memory_space<hbm>> -> memref<128x256xf32, #tpu.memory_space<hbm>>
    %dma_start3A_161 = arith.constant 0 : i32
    %dma_start3A_162 = arith.constant 0 : i32
    %dma_start3A_163 = tpu.memref_slice %arg6[%dma_start3A_152, %dma_start3A_161, %dma_start3A_162] : memref<2x128x256xf32, #tpu.memory_space<vmem>> -> memref<1x128x256xf32, #tpu.memory_space<vmem>>
    %dma_start3A_164 = tpu.memref_squeeze %dma_start3A_163 : memref<1x128x256xf32, #tpu.memory_space<vmem>> -> memref<128x256xf32, #tpu.memory_space<vmem>>
    tpu.enqueue_dma source(%dma_start3A_164 : memref<128x256xf32, #tpu.memory_space<vmem>>) target(%dma_start3A_160 : memref<128x256xf32, #tpu.memory_space<hbm>>) target_semaphore(%arg8 : memref<!tpu.dma_semaphore, #tpu.memory_space<semaphore_mem>>)
    %dma_wait3A_165 = arith.constant 0 : i32
    %dma_wait3A_166 = arith.constant 0 : i32
    %dma_wait3A_167 = arith.constant 0 : i32
    %dma_wait3A_168 = tpu.memref_slice %arg6[%dma_wait3A_165, %dma_wait3A_166, %dma_wait3A_167] : memref<2x128x256xf32, #tpu.memory_space<vmem>> -> memref<1x128x256xf32, #tpu.memory_space<vmem>>
    %dma_wait3A_169 = tpu.memref_squeeze %dma_wait3A_168 : memref<1x128x256xf32, #tpu.memory_space<vmem>> -> memref<128x256xf32, #tpu.memory_space<vmem>>
    %dma_wait3A_170 = arith.constant 0 : i32
    %dma_wait3A_171 = tpu.memref_slice %arg4[%add3A_151, %dma_wait3A_170] : memref<49152x256xf32, #tpu.memory_space<hbm>> -> memref<128x256xf32, #tpu.memory_space<hbm>>
    %dma_wait3A_172 = arith.constant 0 : i32
    %dma_wait3A_173 = tpu.memref_slice %arg4[%add3A_151, %dma_wait3A_172] : memref<49152x256xf32, #tpu.memory_space<hbm>> -> memref<128x256xf32, #tpu.memory_space<hbm>>
    %dma_wait3A_174 = arith.constant 0 : i32
    %dma_wait3A_175 = arith.constant 0 : i32
    %dma_wait3A_176 = tpu.memref_slice %arg6[%dma_wait3A_165, %dma_wait3A_174, %dma_wait3A_175] : memref<2x128x256xf32, #tpu.memory_space<vmem>> -> memref<1x128x256xf32, #tpu.memory_space<vmem>>
    %dma_wait3A_177 = tpu.memref_squeeze %dma_wait3A_176 : memref<1x128x256xf32, #tpu.memory_space<vmem>> -> memref<128x256xf32, #tpu.memory_space<vmem>>
    tpu.wait_dma2 semaphore(%arg8 : memref<!tpu.dma_semaphore, #tpu.memory_space<semaphore_mem>>) src(%dma_wait3A_177 : memref<128x256xf32, #tpu.memory_space<vmem>>) dst(%dma_wait3A_173 : memref<128x256xf32, #tpu.memory_space<hbm>>)
    %add3A_178 = arith.constant 512 : i32
    %add3A_179 = arith.addi %mul3A_2, %add3A_178 : i32
    %run_scoped3A_180 = arith.constant 0 : i32
    "tpu.region"() ({
      %run_scoped3A_658 = tpu.sem_alloc : memref<!tpu.dma_semaphore, #tpu.memory_space<semaphore_mem>>
      %dma_start3A_659 = arith.constant 0 : i32
      %dma_start3A_660 = tpu.memref_slice %arg5[%run_scoped3A_180, %dma_start3A_659] : memref<2x128xi32, #tpu.memory_space<vmem>> -> memref<1x128xi32, #tpu.memory_space<vmem>>
      %dma_start3A_661 = tpu.memref_squeeze %dma_start3A_660 : memref<1x128xi32, #tpu.memory_space<vmem>> -> memref<128xi32, #tpu.memory_space<vmem>>
      %dma_start3A_662 = tpu.memref_slice %arg3[%add3A_179] : memref<49152xi32, #tpu.memory_space<hbm>> -> memref<128xi32, #tpu.memory_space<hbm>>
      %dma_start3A_663 = arith.constant 0 : i32
      %dma_start3A_664 = tpu.memref_slice %arg5[%run_scoped3A_180, %dma_start3A_663] : memref<2x128xi32, #tpu.memory_space<vmem>> -> memref<1x128xi32, #tpu.memory_space<vmem>>
      %dma_start3A_665 = tpu.memref_squeeze %dma_start3A_664 : memref<1x128xi32, #tpu.memory_space<vmem>> -> memref<128xi32, #tpu.memory_space<vmem>>
      %dma_start3A_666 = tpu.memref_slice %arg3[%add3A_179] : memref<49152xi32, #tpu.memory_space<hbm>> -> memref<128xi32, #tpu.memory_space<hbm>>
      tpu.enqueue_dma source(%dma_start3A_666 : memref<128xi32, #tpu.memory_space<hbm>>) target(%dma_start3A_665 : memref<128xi32, #tpu.memory_space<vmem>>) target_semaphore(%run_scoped3A_658 : memref<!tpu.dma_semaphore, #tpu.memory_space<semaphore_mem>>)
      %dma_wait3A_667 = arith.constant 0 : i32
      %dma_wait3A_668 = tpu.memref_slice %arg5[%run_scoped3A_180, %dma_wait3A_667] : memref<2x128xi32, #tpu.memory_space<vmem>> -> memref<1x128xi32, #tpu.memory_space<vmem>>
      %dma_wait3A_669 = tpu.memref_squeeze %dma_wait3A_668 : memref<1x128xi32, #tpu.memory_space<vmem>> -> memref<128xi32, #tpu.memory_space<vmem>>
      %dma_wait3A_670 = tpu.memref_slice %arg3[%add3A_179] : memref<49152xi32, #tpu.memory_space<hbm>> -> memref<128xi32, #tpu.memory_space<hbm>>
      %dma_wait3A_671 = arith.constant 0 : i32
      %dma_wait3A_672 = tpu.memref_slice %arg5[%run_scoped3A_180, %dma_wait3A_671] : memref<2x128xi32, #tpu.memory_space<vmem>> -> memref<1x128xi32, #tpu.memory_space<vmem>>
      %dma_wait3A_673 = tpu.memref_squeeze %dma_wait3A_672 : memref<1x128xi32, #tpu.memory_space<vmem>> -> memref<128xi32, #tpu.memory_space<vmem>>
      %dma_wait3A_674 = tpu.memref_slice %arg3[%add3A_179] : memref<49152xi32, #tpu.memory_space<hbm>> -> memref<128xi32, #tpu.memory_space<hbm>>
      tpu.wait_dma2 semaphore(%run_scoped3A_658 : memref<!tpu.dma_semaphore, #tpu.memory_space<semaphore_mem>>) src(%dma_wait3A_674 : memref<128xi32, #tpu.memory_space<hbm>>) dst(%dma_wait3A_673 : memref<128xi32, #tpu.memory_space<vmem>>)
      tpu.yield
    }) : () -> ()
    %dma_start3A_181 = arith.constant 0 : i32
    %dma_start3A_182 = arith.constant 0 : i32
    %dma_start3A_183 = arith.constant 0 : i32
    %dma_start3A_184 = arith.constant 0 : i32
    %dma_start3A_185 = tpu.memref_slice %arg6[%dma_start3A_182, %dma_start3A_183, %dma_start3A_184] : memref<2x128x256xf32, #tpu.memory_space<vmem>> -> memref<1x128x256xf32, #tpu.memory_space<vmem>>
    %dma_start3A_186 = tpu.memref_squeeze %dma_start3A_185 : memref<1x128x256xf32, #tpu.memory_space<vmem>> -> memref<128x256xf32, #tpu.memory_space<vmem>>
    %dma_start3A_187 = arith.constant 0 : i32
    %dma_start3A_188 = tpu.memref_slice %arg5[%dma_start3A_181, %dma_start3A_187] : memref<2x128xi32, #tpu.memory_space<vmem>> -> memref<1x128xi32, #tpu.memory_space<vmem>>
    %dma_start3A_189 = tpu.memref_squeeze %dma_start3A_188 : memref<1x128xi32, #tpu.memory_space<vmem>> -> memref<128xi32, #tpu.memory_space<vmem>>
    %dma_start3A_190 = arith.constant 0 : i32
    %dma_start3A_191 = arith.constant 0 : i32
    %dma_start3A_192 = tpu.memref_slice %arg2[%dma_start3A_190, %dma_start3A_191] : memref<4096x256xf32, #tpu.memory_space<hbm>> -> memref<4096x256xf32, #tpu.memory_space<hbm>>
    tpu.enqueue_indirect_dma source(%dma_start3A_192 : memref<4096x256xf32, #tpu.memory_space<hbm>>) target(%dma_start3A_186 : memref<128x256xf32, #tpu.memory_space<vmem>>) offsets(%dma_start3A_189 : memref<128xi32, #tpu.memory_space<vmem>>) semaphore(%arg7 : memref<!tpu.dma_semaphore, #tpu.memory_space<semaphore_mem>>)
    %dma_wait3A_193 = arith.constant 1 : i32
    %dma_wait3A_194 = arith.constant 1 : i32
    %dma_wait3A_195 = arith.constant 0 : i32
    %dma_wait3A_196 = arith.constant 0 : i32
    %dma_wait3A_197 = tpu.memref_slice %arg6[%dma_wait3A_194, %dma_wait3A_195, %dma_wait3A_196] : memref<2x128x256xf32, #tpu.memory_space<vmem>> -> memref<1x128x256xf32, #tpu.memory_space<vmem>>
    %dma_wait3A_198 = tpu.memref_squeeze %dma_wait3A_197 : memref<1x128x256xf32, #tpu.memory_space<vmem>> -> memref<128x256xf32, #tpu.memory_space<vmem>>
    %dma_wait3A_199 = arith.constant 0 : i32
    %dma_wait3A_200 = tpu.memref_slice %arg5[%dma_wait3A_193, %dma_wait3A_199] : memref<2x128xi32, #tpu.memory_space<vmem>> -> memref<1x128xi32, #tpu.memory_space<vmem>>
    %dma_wait3A_201 = tpu.memref_squeeze %dma_wait3A_200 : memref<1x128xi32, #tpu.memory_space<vmem>> -> memref<128xi32, #tpu.memory_space<vmem>>
    %dma_wait3A_202 = arith.constant 0 : i32
    %dma_wait3A_203 = arith.constant 0 : i32
    %dma_wait3A_204 = tpu.memref_slice %arg2[%dma_wait3A_202, %dma_wait3A_203] : memref<4096x256xf32, #tpu.memory_space<hbm>> -> memref<4096x256xf32, #tpu.memory_space<hbm>>
    tpu.wait_indirect_dma semaphore(%arg7 : memref<!tpu.dma_semaphore, #tpu.memory_space<semaphore_mem>>) src(%dma_wait3A_204 : memref<4096x256xf32, #tpu.memory_space<hbm>>) dst(%dma_wait3A_198 : memref<128x256xf32, #tpu.memory_space<vmem>>)
    %add3A_205 = arith.constant 384 : i32
    %add3A_206 = arith.addi %mul3A_2, %add3A_205 : i32
    %dma_start3A_207 = arith.constant 1 : i32
    %dma_start3A_208 = arith.constant 0 : i32
    %dma_start3A_209 = arith.constant 0 : i32
    %dma_start3A_210 = tpu.memref_slice %arg6[%dma_start3A_207, %dma_start3A_208, %dma_start3A_209] : memref<2x128x256xf32, #tpu.memory_space<vmem>> -> memref<1x128x256xf32, #tpu.memory_space<vmem>>
    %dma_start3A_211 = tpu.memref_squeeze %dma_start3A_210 : memref<1x128x256xf32, #tpu.memory_space<vmem>> -> memref<128x256xf32, #tpu.memory_space<vmem>>
    %dma_start3A_212 = arith.constant 0 : i32
    %dma_start3A_213 = tpu.memref_slice %arg4[%add3A_206, %dma_start3A_212] : memref<49152x256xf32, #tpu.memory_space<hbm>> -> memref<128x256xf32, #tpu.memory_space<hbm>>
    %dma_start3A_214 = arith.constant 0 : i32
    %dma_start3A_215 = tpu.memref_slice %arg4[%add3A_206, %dma_start3A_214] : memref<49152x256xf32, #tpu.memory_space<hbm>> -> memref<128x256xf32, #tpu.memory_space<hbm>>
    %dma_start3A_216 = arith.constant 0 : i32
    %dma_start3A_217 = arith.constant 0 : i32
    %dma_start3A_218 = tpu.memref_slice %arg6[%dma_start3A_207, %dma_start3A_216, %dma_start3A_217] : memref<2x128x256xf32, #tpu.memory_space<vmem>> -> memref<1x128x256xf32, #tpu.memory_space<vmem>>
    %dma_start3A_219 = tpu.memref_squeeze %dma_start3A_218 : memref<1x128x256xf32, #tpu.memory_space<vmem>> -> memref<128x256xf32, #tpu.memory_space<vmem>>
    tpu.enqueue_dma source(%dma_start3A_219 : memref<128x256xf32, #tpu.memory_space<vmem>>) target(%dma_start3A_215 : memref<128x256xf32, #tpu.memory_space<hbm>>) target_semaphore(%arg8 : memref<!tpu.dma_semaphore, #tpu.memory_space<semaphore_mem>>)
    %dma_wait3A_220 = arith.constant 1 : i32
    %dma_wait3A_221 = arith.constant 0 : i32
    %dma_wait3A_222 = arith.constant 0 : i32
    %dma_wait3A_223 = tpu.memref_slice %arg6[%dma_wait3A_220, %dma_wait3A_221, %dma_wait3A_222] : memref<2x128x256xf32, #tpu.memory_space<vmem>> -> memref<1x128x256xf32, #tpu.memory_space<vmem>>
    %dma_wait3A_224 = tpu.memref_squeeze %dma_wait3A_223 : memref<1x128x256xf32, #tpu.memory_space<vmem>> -> memref<128x256xf32, #tpu.memory_space<vmem>>
    %dma_wait3A_225 = arith.constant 0 : i32
    %dma_wait3A_226 = tpu.memref_slice %arg4[%add3A_206, %dma_wait3A_225] : memref<49152x256xf32, #tpu.memory_space<hbm>> -> memref<128x256xf32, #tpu.memory_space<hbm>>
    %dma_wait3A_227 = arith.constant 0 : i32
    %dma_wait3A_228 = tpu.memref_slice %arg4[%add3A_206, %dma_wait3A_227] : memref<49152x256xf32, #tpu.memory_space<hbm>> -> memref<128x256xf32, #tpu.memory_space<hbm>>
    %dma_wait3A_229 = arith.constant 0 : i32
    %dma_wait3A_230 = arith.constant 0 : i32
    %dma_wait3A_231 = tpu.memref_slice %arg6[%dma_wait3A_220, %dma_wait3A_229, %dma_wait3A_230] : memref<2x128x256xf32, #tpu.memory_space<vmem>> -> memref<1x128x256xf32, #tpu.memory_space<vmem>>
    %dma_wait3A_232 = tpu.memref_squeeze %dma_wait3A_231 : memref<1x128x256xf32, #tpu.memory_space<vmem>> -> memref<128x256xf32, #tpu.memory_space<vmem>>
    tpu.wait_dma2 semaphore(%arg8 : memref<!tpu.dma_semaphore, #tpu.memory_space<semaphore_mem>>) src(%dma_wait3A_232 : memref<128x256xf32, #tpu.memory_space<vmem>>) dst(%dma_wait3A_228 : memref<128x256xf32, #tpu.memory_space<hbm>>)
    %add3A_233 = arith.constant 640 : i32
    %add3A_234 = arith.addi %mul3A_2, %add3A_233 : i32
    %run_scoped3A_235 = arith.constant 1 : i32
    "tpu.region"() ({
      %run_scoped3A_658 = tpu.sem_alloc : memref<!tpu.dma_semaphore, #tpu.memory_space<semaphore_mem>>
      %dma_start3A_659 = arith.constant 0 : i32
      %dma_start3A_660 = tpu.memref_slice %arg5[%run_scoped3A_235, %dma_start3A_659] : memref<2x128xi32, #tpu.memory_space<vmem>> -> memref<1x128xi32, #tpu.memory_space<vmem>>
      %dma_start3A_661 = tpu.memref_squeeze %dma_start3A_660 : memref<1x128xi32, #tpu.memory_space<vmem>> -> memref<128xi32, #tpu.memory_space<vmem>>
      %dma_start3A_662 = tpu.memref_slice %arg3[%add3A_234] : memref<49152xi32, #tpu.memory_space<hbm>> -> memref<128xi32, #tpu.memory_space<hbm>>
      %dma_start3A_663 = arith.constant 0 : i32
      %dma_start3A_664 = tpu.memref_slice %arg5[%run_scoped3A_235, %dma_start3A_663] : memref<2x128xi32, #tpu.memory_space<vmem>> -> memref<1x128xi32, #tpu.memory_space<vmem>>
      %dma_start3A_665 = tpu.memref_squeeze %dma_start3A_664 : memref<1x128xi32, #tpu.memory_space<vmem>> -> memref<128xi32, #tpu.memory_space<vmem>>
      %dma_start3A_666 = tpu.memref_slice %arg3[%add3A_234] : memref<49152xi32, #tpu.memory_space<hbm>> -> memref<128xi32, #tpu.memory_space<hbm>>
      tpu.enqueue_dma source(%dma_start3A_666 : memref<128xi32, #tpu.memory_space<hbm>>) target(%dma_start3A_665 : memref<128xi32, #tpu.memory_space<vmem>>) target_semaphore(%run_scoped3A_658 : memref<!tpu.dma_semaphore, #tpu.memory_space<semaphore_mem>>)
      %dma_wait3A_667 = arith.constant 0 : i32
      %dma_wait3A_668 = tpu.memref_slice %arg5[%run_scoped3A_235, %dma_wait3A_667] : memref<2x128xi32, #tpu.memory_space<vmem>> -> memref<1x128xi32, #tpu.memory_space<vmem>>
      %dma_wait3A_669 = tpu.memref_squeeze %dma_wait3A_668 : memref<1x128xi32, #tpu.memory_space<vmem>> -> memref<128xi32, #tpu.memory_space<vmem>>
      %dma_wait3A_670 = tpu.memref_slice %arg3[%add3A_234] : memref<49152xi32, #tpu.memory_space<hbm>> -> memref<128xi32, #tpu.memory_space<hbm>>
      %dma_wait3A_671 = arith.constant 0 : i32
      %dma_wait3A_672 = tpu.memref_slice %arg5[%run_scoped3A_235, %dma_wait3A_671] : memref<2x128xi32, #tpu.memory_space<vmem>> -> memref<1x128xi32, #tpu.memory_space<vmem>>
      %dma_wait3A_673 = tpu.memref_squeeze %dma_wait3A_672 : memref<1x128xi32, #tpu.memory_space<vmem>> -> memref<128xi32, #tpu.memory_space<vmem>>
      %dma_wait3A_674 = tpu.memref_slice %arg3[%add3A_234] : memref<49152xi32, #tpu.memory_space<hbm>> -> memref<128xi32, #tpu.memory_space<hbm>>
      tpu.wait_dma2 semaphore(%run_scoped3A_658 : memref<!tpu.dma_semaphore, #tpu.memory_space<semaphore_mem>>) src(%dma_wait3A_674 : memref<128xi32, #tpu.memory_space<hbm>>) dst(%dma_wait3A_673 : memref<128xi32, #tpu.memory_space<vmem>>)
      tpu.yield
    }) : () -> ()
    %dma_start3A_236 = arith.constant 1 : i32
    %dma_start3A_237 = arith.constant 1 : i32
    %dma_start3A_238 = arith.constant 0 : i32
    %dma_start3A_239 = arith.constant 0 : i32
    %dma_start3A_240 = tpu.memref_slice %arg6[%dma_start3A_237, %dma_start3A_238, %dma_start3A_239] : memref<2x128x256xf32, #tpu.memory_space<vmem>> -> memref<1x128x256xf32, #tpu.memory_space<vmem>>
    %dma_start3A_241 = tpu.memref_squeeze %dma_start3A_240 : memref<1x128x256xf32, #tpu.memory_space<vmem>> -> memref<128x256xf32, #tpu.memory_space<vmem>>
    %dma_start3A_242 = arith.constant 0 : i32
    %dma_start3A_243 = tpu.memref_slice %arg5[%dma_start3A_236, %dma_start3A_242] : memref<2x128xi32, #tpu.memory_space<vmem>> -> memref<1x128xi32, #tpu.memory_space<vmem>>
    %dma_start3A_244 = tpu.memref_squeeze %dma_start3A_243 : memref<1x128xi32, #tpu.memory_space<vmem>> -> memref<128xi32, #tpu.memory_space<vmem>>
    %dma_start3A_245 = arith.constant 0 : i32
    %dma_start3A_246 = arith.constant 0 : i32
    %dma_start3A_247 = tpu.memref_slice %arg2[%dma_start3A_245, %dma_start3A_246] : memref<4096x256xf32, #tpu.memory_space<hbm>> -> memref<4096x256xf32, #tpu.memory_space<hbm>>
    tpu.enqueue_indirect_dma source(%dma_start3A_247 : memref<4096x256xf32, #tpu.memory_space<hbm>>) target(%dma_start3A_241 : memref<128x256xf32, #tpu.memory_space<vmem>>) offsets(%dma_start3A_244 : memref<128xi32, #tpu.memory_space<vmem>>) semaphore(%arg7 : memref<!tpu.dma_semaphore, #tpu.memory_space<semaphore_mem>>)
    %dma_wait3A_248 = arith.constant 0 : i32
    %dma_wait3A_249 = arith.constant 0 : i32
    %dma_wait3A_250 = arith.constant 0 : i32
    %dma_wait3A_251 = arith.constant 0 : i32
    %dma_wait3A_252 = tpu.memref_slice %arg6[%dma_wait3A_249, %dma_wait3A_250, %dma_wait3A_251] : memref<2x128x256xf32, #tpu.memory_space<vmem>> -> memref<1x128x256xf32, #tpu.memory_space<vmem>>
    %dma_wait3A_253 = tpu.memref_squeeze %dma_wait3A_252 : memref<1x128x256xf32, #tpu.memory_space<vmem>> -> memref<128x256xf32, #tpu.memory_space<vmem>>
    %dma_wait3A_254 = arith.constant 0 : i32
    %dma_wait3A_255 = tpu.memref_slice %arg5[%dma_wait3A_248, %dma_wait3A_254] : memref<2x128xi32, #tpu.memory_space<vmem>> -> memref<1x128xi32, #tpu.memory_space<vmem>>
    %dma_wait3A_256 = tpu.memref_squeeze %dma_wait3A_255 : memref<1x128xi32, #tpu.memory_space<vmem>> -> memref<128xi32, #tpu.memory_space<vmem>>
    %dma_wait3A_257 = arith.constant 0 : i32
    %dma_wait3A_258 = arith.constant 0 : i32
    %dma_wait3A_259 = tpu.memref_slice %arg2[%dma_wait3A_257, %dma_wait3A_258] : memref<4096x256xf32, #tpu.memory_space<hbm>> -> memref<4096x256xf32, #tpu.memory_space<hbm>>
    tpu.wait_indirect_dma semaphore(%arg7 : memref<!tpu.dma_semaphore, #tpu.memory_space<semaphore_mem>>) src(%dma_wait3A_259 : memref<4096x256xf32, #tpu.memory_space<hbm>>) dst(%dma_wait3A_253 : memref<128x256xf32, #tpu.memory_space<vmem>>)
    %add3A_260 = arith.constant 512 : i32
    %add3A_261 = arith.addi %mul3A_2, %add3A_260 : i32
    %dma_start3A_262 = arith.constant 0 : i32
    %dma_start3A_263 = arith.constant 0 : i32
    %dma_start3A_264 = arith.constant 0 : i32
    %dma_start3A_265 = tpu.memref_slice %arg6[%dma_start3A_262, %dma_start3A_263, %dma_start3A_264] : memref<2x128x256xf32, #tpu.memory_space<vmem>> -> memref<1x128x256xf32, #tpu.memory_space<vmem>>
    %dma_start3A_266 = tpu.memref_squeeze %dma_start3A_265 : memref<1x128x256xf32, #tpu.memory_space<vmem>> -> memref<128x256xf32, #tpu.memory_space<vmem>>
    %dma_start3A_267 = arith.constant 0 : i32
    %dma_start3A_268 = tpu.memref_slice %arg4[%add3A_261, %dma_start3A_267] : memref<49152x256xf32, #tpu.memory_space<hbm>> -> memref<128x256xf32, #tpu.memory_space<hbm>>
    %dma_start3A_269 = arith.constant 0 : i32
    %dma_start3A_270 = tpu.memref_slice %arg4[%add3A_261, %dma_start3A_269] : memref<49152x256xf32, #tpu.memory_space<hbm>> -> memref<128x256xf32, #tpu.memory_space<hbm>>
    %dma_start3A_271 = arith.constant 0 : i32
    %dma_start3A_272 = arith.constant 0 : i32
    %dma_start3A_273 = tpu.memref_slice %arg6[%dma_start3A_262, %dma_start3A_271, %dma_start3A_272] : memref<2x128x256xf32, #tpu.memory_space<vmem>> -> memref<1x128x256xf32, #tpu.memory_space<vmem>>
    %dma_start3A_274 = tpu.memref_squeeze %dma_start3A_273 : memref<1x128x256xf32, #tpu.memory_space<vmem>> -> memref<128x256xf32, #tpu.memory_space<vmem>>
    tpu.enqueue_dma source(%dma_start3A_274 : memref<128x256xf32, #tpu.memory_space<vmem>>) target(%dma_start3A_270 : memref<128x256xf32, #tpu.memory_space<hbm>>) target_semaphore(%arg8 : memref<!tpu.dma_semaphore, #tpu.memory_space<semaphore_mem>>)
    %dma_wait3A_275 = arith.constant 0 : i32
    %dma_wait3A_276 = arith.constant 0 : i32
    %dma_wait3A_277 = arith.constant 0 : i32
    %dma_wait3A_278 = tpu.memref_slice %arg6[%dma_wait3A_275, %dma_wait3A_276, %dma_wait3A_277] : memref<2x128x256xf32, #tpu.memory_space<vmem>> -> memref<1x128x256xf32, #tpu.memory_space<vmem>>
    %dma_wait3A_279 = tpu.memref_squeeze %dma_wait3A_278 : memref<1x128x256xf32, #tpu.memory_space<vmem>> -> memref<128x256xf32, #tpu.memory_space<vmem>>
    %dma_wait3A_280 = arith.constant 0 : i32
    %dma_wait3A_281 = tpu.memref_slice %arg4[%add3A_261, %dma_wait3A_280] : memref<49152x256xf32, #tpu.memory_space<hbm>> -> memref<128x256xf32, #tpu.memory_space<hbm>>
    %dma_wait3A_282 = arith.constant 0 : i32
    %dma_wait3A_283 = tpu.memref_slice %arg4[%add3A_261, %dma_wait3A_282] : memref<49152x256xf32, #tpu.memory_space<hbm>> -> memref<128x256xf32, #tpu.memory_space<hbm>>
    %dma_wait3A_284 = arith.constant 0 : i32
    %dma_wait3A_285 = arith.constant 0 : i32
    %dma_wait3A_286 = tpu.memref_slice %arg6[%dma_wait3A_275, %dma_wait3A_284, %dma_wait3A_285] : memref<2x128x256xf32, #tpu.memory_space<vmem>> -> memref<1x128x256xf32, #tpu.memory_space<vmem>>
    %dma_wait3A_287 = tpu.memref_squeeze %dma_wait3A_286 : memref<1x128x256xf32, #tpu.memory_space<vmem>> -> memref<128x256xf32, #tpu.memory_space<vmem>>
    tpu.wait_dma2 semaphore(%arg8 : memref<!tpu.dma_semaphore, #tpu.memory_space<semaphore_mem>>) src(%dma_wait3A_287 : memref<128x256xf32, #tpu.memory_space<vmem>>) dst(%dma_wait3A_283 : memref<128x256xf32, #tpu.memory_space<hbm>>)
    %add3A_288 = arith.constant 768 : i32
    %add3A_289 = arith.addi %mul3A_2, %add3A_288 : i32
    %run_scoped3A_290 = arith.constant 0 : i32
    "tpu.region"() ({
      %run_scoped3A_658 = tpu.sem_alloc : memref<!tpu.dma_semaphore, #tpu.memory_space<semaphore_mem>>
      %dma_start3A_659 = arith.constant 0 : i32
      %dma_start3A_660 = tpu.memref_slice %arg5[%run_scoped3A_290, %dma_start3A_659] : memref<2x128xi32, #tpu.memory_space<vmem>> -> memref<1x128xi32, #tpu.memory_space<vmem>>
      %dma_start3A_661 = tpu.memref_squeeze %dma_start3A_660 : memref<1x128xi32, #tpu.memory_space<vmem>> -> memref<128xi32, #tpu.memory_space<vmem>>
      %dma_start3A_662 = tpu.memref_slice %arg3[%add3A_289] : memref<49152xi32, #tpu.memory_space<hbm>> -> memref<128xi32, #tpu.memory_space<hbm>>
      %dma_start3A_663 = arith.constant 0 : i32
      %dma_start3A_664 = tpu.memref_slice %arg5[%run_scoped3A_290, %dma_start3A_663] : memref<2x128xi32, #tpu.memory_space<vmem>> -> memref<1x128xi32, #tpu.memory_space<vmem>>
      %dma_start3A_665 = tpu.memref_squeeze %dma_start3A_664 : memref<1x128xi32, #tpu.memory_space<vmem>> -> memref<128xi32, #tpu.memory_space<vmem>>
      %dma_start3A_666 = tpu.memref_slice %arg3[%add3A_289] : memref<49152xi32, #tpu.memory_space<hbm>> -> memref<128xi32, #tpu.memory_space<hbm>>
      tpu.enqueue_dma source(%dma_start3A_666 : memref<128xi32, #tpu.memory_space<hbm>>) target(%dma_start3A_665 : memref<128xi32, #tpu.memory_space<vmem>>) target_semaphore(%run_scoped3A_658 : memref<!tpu.dma_semaphore, #tpu.memory_space<semaphore_mem>>)
      %dma_wait3A_667 = arith.constant 0 : i32
      %dma_wait3A_668 = tpu.memref_slice %arg5[%run_scoped3A_290, %dma_wait3A_667] : memref<2x128xi32, #tpu.memory_space<vmem>> -> memref<1x128xi32, #tpu.memory_space<vmem>>
      %dma_wait3A_669 = tpu.memref_squeeze %dma_wait3A_668 : memref<1x128xi32, #tpu.memory_space<vmem>> -> memref<128xi32, #tpu.memory_space<vmem>>
      %dma_wait3A_670 = tpu.memref_slice %arg3[%add3A_289] : memref<49152xi32, #tpu.memory_space<hbm>> -> memref<128xi32, #tpu.memory_space<hbm>>
      %dma_wait3A_671 = arith.constant 0 : i32
      %dma_wait3A_672 = tpu.memref_slice %arg5[%run_scoped3A_290, %dma_wait3A_671] : memref<2x128xi32, #tpu.memory_space<vmem>> -> memref<1x128xi32, #tpu.memory_space<vmem>>
      %dma_wait3A_673 = tpu.memref_squeeze %dma_wait3A_672 : memref<1x128xi32, #tpu.memory_space<vmem>> -> memref<128xi32, #tpu.memory_space<vmem>>
      %dma_wait3A_674 = tpu.memref_slice %arg3[%add3A_289] : memref<49152xi32, #tpu.memory_space<hbm>> -> memref<128xi32, #tpu.memory_space<hbm>>
      tpu.wait_dma2 semaphore(%run_scoped3A_658 : memref<!tpu.dma_semaphore, #tpu.memory_space<semaphore_mem>>) src(%dma_wait3A_674 : memref<128xi32, #tpu.memory_space<hbm>>) dst(%dma_wait3A_673 : memref<128xi32, #tpu.memory_space<vmem>>)
      tpu.yield
    }) : () -> ()
    %dma_start3A_291 = arith.constant 0 : i32
    %dma_start3A_292 = arith.constant 0 : i32
    %dma_start3A_293 = arith.constant 0 : i32
    %dma_start3A_294 = arith.constant 0 : i32
    %dma_start3A_295 = tpu.memref_slice %arg6[%dma_start3A_292, %dma_start3A_293, %dma_start3A_294] : memref<2x128x256xf32, #tpu.memory_space<vmem>> -> memref<1x128x256xf32, #tpu.memory_space<vmem>>
    %dma_start3A_296 = tpu.memref_squeeze %dma_start3A_295 : memref<1x128x256xf32, #tpu.memory_space<vmem>> -> memref<128x256xf32, #tpu.memory_space<vmem>>
    %dma_start3A_297 = arith.constant 0 : i32
    %dma_start3A_298 = tpu.memref_slice %arg5[%dma_start3A_291, %dma_start3A_297] : memref<2x128xi32, #tpu.memory_space<vmem>> -> memref<1x128xi32, #tpu.memory_space<vmem>>
    %dma_start3A_299 = tpu.memref_squeeze %dma_start3A_298 : memref<1x128xi32, #tpu.memory_space<vmem>> -> memref<128xi32, #tpu.memory_space<vmem>>
    %dma_start3A_300 = arith.constant 0 : i32
    %dma_start3A_301 = arith.constant 0 : i32
    %dma_start3A_302 = tpu.memref_slice %arg2[%dma_start3A_300, %dma_start3A_301] : memref<4096x256xf32, #tpu.memory_space<hbm>> -> memref<4096x256xf32, #tpu.memory_space<hbm>>
    tpu.enqueue_indirect_dma source(%dma_start3A_302 : memref<4096x256xf32, #tpu.memory_space<hbm>>) target(%dma_start3A_296 : memref<128x256xf32, #tpu.memory_space<vmem>>) offsets(%dma_start3A_299 : memref<128xi32, #tpu.memory_space<vmem>>) semaphore(%arg7 : memref<!tpu.dma_semaphore, #tpu.memory_space<semaphore_mem>>)
    %dma_wait3A_303 = arith.constant 1 : i32
    %dma_wait3A_304 = arith.constant 1 : i32
    %dma_wait3A_305 = arith.constant 0 : i32
    %dma_wait3A_306 = arith.constant 0 : i32
    %dma_wait3A_307 = tpu.memref_slice %arg6[%dma_wait3A_304, %dma_wait3A_305, %dma_wait3A_306] : memref<2x128x256xf32, #tpu.memory_space<vmem>> -> memref<1x128x256xf32, #tpu.memory_space<vmem>>
    %dma_wait3A_308 = tpu.memref_squeeze %dma_wait3A_307 : memref<1x128x256xf32, #tpu.memory_space<vmem>> -> memref<128x256xf32, #tpu.memory_space<vmem>>
    %dma_wait3A_309 = arith.constant 0 : i32
    %dma_wait3A_310 = tpu.memref_slice %arg5[%dma_wait3A_303, %dma_wait3A_309] : memref<2x128xi32, #tpu.memory_space<vmem>> -> memref<1x128xi32, #tpu.memory_space<vmem>>
    %dma_wait3A_311 = tpu.memref_squeeze %dma_wait3A_310 : memref<1x128xi32, #tpu.memory_space<vmem>> -> memref<128xi32, #tpu.memory_space<vmem>>
    %dma_wait3A_312 = arith.constant 0 : i32
    %dma_wait3A_313 = arith.constant 0 : i32
    %dma_wait3A_314 = tpu.memref_slice %arg2[%dma_wait3A_312, %dma_wait3A_313] : memref<4096x256xf32, #tpu.memory_space<hbm>> -> memref<4096x256xf32, #tpu.memory_space<hbm>>
    tpu.wait_indirect_dma semaphore(%arg7 : memref<!tpu.dma_semaphore, #tpu.memory_space<semaphore_mem>>) src(%dma_wait3A_314 : memref<4096x256xf32, #tpu.memory_space<hbm>>) dst(%dma_wait3A_308 : memref<128x256xf32, #tpu.memory_space<vmem>>)
    %add3A_315 = arith.constant 640 : i32
    %add3A_316 = arith.addi %mul3A_2, %add3A_315 : i32
    %dma_start3A_317 = arith.constant 1 : i32
    %dma_start3A_318 = arith.constant 0 : i32
    %dma_start3A_319 = arith.constant 0 : i32
    %dma_start3A_320 = tpu.memref_slice %arg6[%dma_start3A_317, %dma_start3A_318, %dma_start3A_319] : memref<2x128x256xf32, #tpu.memory_space<vmem>> -> memref<1x128x256xf32, #tpu.memory_space<vmem>>
    %dma_start3A_321 = tpu.memref_squeeze %dma_start3A_320 : memref<1x128x256xf32, #tpu.memory_space<vmem>> -> memref<128x256xf32, #tpu.memory_space<vmem>>
    %dma_start3A_322 = arith.constant 0 : i32
    %dma_start3A_323 = tpu.memref_slice %arg4[%add3A_316, %dma_start3A_322] : memref<49152x256xf32, #tpu.memory_space<hbm>> -> memref<128x256xf32, #tpu.memory_space<hbm>>
    %dma_start3A_324 = arith.constant 0 : i32
    %dma_start3A_325 = tpu.memref_slice %arg4[%add3A_316, %dma_start3A_324] : memref<49152x256xf32, #tpu.memory_space<hbm>> -> memref<128x256xf32, #tpu.memory_space<hbm>>
    %dma_start3A_326 = arith.constant 0 : i32
    %dma_start3A_327 = arith.constant 0 : i32
    %dma_start3A_328 = tpu.memref_slice %arg6[%dma_start3A_317, %dma_start3A_326, %dma_start3A_327] : memref<2x128x256xf32, #tpu.memory_space<vmem>> -> memref<1x128x256xf32, #tpu.memory_space<vmem>>
    %dma_start3A_329 = tpu.memref_squeeze %dma_start3A_328 : memref<1x128x256xf32, #tpu.memory_space<vmem>> -> memref<128x256xf32, #tpu.memory_space<vmem>>
    tpu.enqueue_dma source(%dma_start3A_329 : memref<128x256xf32, #tpu.memory_space<vmem>>) target(%dma_start3A_325 : memref<128x256xf32, #tpu.memory_space<hbm>>) target_semaphore(%arg8 : memref<!tpu.dma_semaphore, #tpu.memory_space<semaphore_mem>>)
    %dma_wait3A_330 = arith.constant 1 : i32
    %dma_wait3A_331 = arith.constant 0 : i32
    %dma_wait3A_332 = arith.constant 0 : i32
    %dma_wait3A_333 = tpu.memref_slice %arg6[%dma_wait3A_330, %dma_wait3A_331, %dma_wait3A_332] : memref<2x128x256xf32, #tpu.memory_space<vmem>> -> memref<1x128x256xf32, #tpu.memory_space<vmem>>
    %dma_wait3A_334 = tpu.memref_squeeze %dma_wait3A_333 : memref<1x128x256xf32, #tpu.memory_space<vmem>> -> memref<128x256xf32, #tpu.memory_space<vmem>>
    %dma_wait3A_335 = arith.constant 0 : i32
    %dma_wait3A_336 = tpu.memref_slice %arg4[%add3A_316, %dma_wait3A_335] : memref<49152x256xf32, #tpu.memory_space<hbm>> -> memref<128x256xf32, #tpu.memory_space<hbm>>
    %dma_wait3A_337 = arith.constant 0 : i32
    %dma_wait3A_338 = tpu.memref_slice %arg4[%add3A_316, %dma_wait3A_337] : memref<49152x256xf32, #tpu.memory_space<hbm>> -> memref<128x256xf32, #tpu.memory_space<hbm>>
    %dma_wait3A_339 = arith.constant 0 : i32
    %dma_wait3A_340 = arith.constant 0 : i32
    %dma_wait3A_341 = tpu.memref_slice %arg6[%dma_wait3A_330, %dma_wait3A_339, %dma_wait3A_340] : memref<2x128x256xf32, #tpu.memory_space<vmem>> -> memref<1x128x256xf32, #tpu.memory_space<vmem>>
    %dma_wait3A_342 = tpu.memref_squeeze %dma_wait3A_341 : memref<1x128x256xf32, #tpu.memory_space<vmem>> -> memref<128x256xf32, #tpu.memory_space<vmem>>
    tpu.wait_dma2 semaphore(%arg8 : memref<!tpu.dma_semaphore, #tpu.memory_space<semaphore_mem>>) src(%dma_wait3A_342 : memref<128x256xf32, #tpu.memory_space<vmem>>) dst(%dma_wait3A_338 : memref<128x256xf32, #tpu.memory_space<hbm>>)
    %add3A_343 = arith.constant 896 : i32
    %add3A_344 = arith.addi %mul3A_2, %add3A_343 : i32
    %run_scoped3A_345 = arith.constant 1 : i32
    "tpu.region"() ({
      %run_scoped3A_658 = tpu.sem_alloc : memref<!tpu.dma_semaphore, #tpu.memory_space<semaphore_mem>>
      %dma_start3A_659 = arith.constant 0 : i32
      %dma_start3A_660 = tpu.memref_slice %arg5[%run_scoped3A_345, %dma_start3A_659] : memref<2x128xi32, #tpu.memory_space<vmem>> -> memref<1x128xi32, #tpu.memory_space<vmem>>
      %dma_start3A_661 = tpu.memref_squeeze %dma_start3A_660 : memref<1x128xi32, #tpu.memory_space<vmem>> -> memref<128xi32, #tpu.memory_space<vmem>>
      %dma_start3A_662 = tpu.memref_slice %arg3[%add3A_344] : memref<49152xi32, #tpu.memory_space<hbm>> -> memref<128xi32, #tpu.memory_space<hbm>>
      %dma_start3A_663 = arith.constant 0 : i32
      %dma_start3A_664 = tpu.memref_slice %arg5[%run_scoped3A_345, %dma_start3A_663] : memref<2x128xi32, #tpu.memory_space<vmem>> -> memref<1x128xi32, #tpu.memory_space<vmem>>
      %dma_start3A_665 = tpu.memref_squeeze %dma_start3A_664 : memref<1x128xi32, #tpu.memory_space<vmem>> -> memref<128xi32, #tpu.memory_space<vmem>>
      %dma_start3A_666 = tpu.memref_slice %arg3[%add3A_344] : memref<49152xi32, #tpu.memory_space<hbm>> -> memref<128xi32, #tpu.memory_space<hbm>>
      tpu.enqueue_dma source(%dma_start3A_666 : memref<128xi32, #tpu.memory_space<hbm>>) target(%dma_start3A_665 : memref<128xi32, #tpu.memory_space<vmem>>) target_semaphore(%run_scoped3A_658 : memref<!tpu.dma_semaphore, #tpu.memory_space<semaphore_mem>>)
      %dma_wait3A_667 = arith.constant 0 : i32
      %dma_wait3A_668 = tpu.memref_slice %arg5[%run_scoped3A_345, %dma_wait3A_667] : memref<2x128xi32, #tpu.memory_space<vmem>> -> memref<1x128xi32, #tpu.memory_space<vmem>>
      %dma_wait3A_669 = tpu.memref_squeeze %dma_wait3A_668 : memref<1x128xi32, #tpu.memory_space<vmem>> -> memref<128xi32, #tpu.memory_space<vmem>>
      %dma_wait3A_670 = tpu.memref_slice %arg3[%add3A_344] : memref<49152xi32, #tpu.memory_space<hbm>> -> memref<128xi32, #tpu.memory_space<hbm>>
      %dma_wait3A_671 = arith.constant 0 : i32
      %dma_wait3A_672 = tpu.memref_slice %arg5[%run_scoped3A_345, %dma_wait3A_671] : memref<2x128xi32, #tpu.memory_space<vmem>> -> memref<1x128xi32, #tpu.memory_space<vmem>>
      %dma_wait3A_673 = tpu.memref_squeeze %dma_wait3A_672 : memref<1x128xi32, #tpu.memory_space<vmem>> -> memref<128xi32, #tpu.memory_space<vmem>>
      %dma_wait3A_674 = tpu.memref_slice %arg3[%add3A_344] : memref<49152xi32, #tpu.memory_space<hbm>> -> memref<128xi32, #tpu.memory_space<hbm>>
      tpu.wait_dma2 semaphore(%run_scoped3A_658 : memref<!tpu.dma_semaphore, #tpu.memory_space<semaphore_mem>>) src(%dma_wait3A_674 : memref<128xi32, #tpu.memory_space<hbm>>) dst(%dma_wait3A_673 : memref<128xi32, #tpu.memory_space<vmem>>)
      tpu.yield
    }) : () -> ()
    %dma_start3A_346 = arith.constant 1 : i32
    %dma_start3A_347 = arith.constant 1 : i32
    %dma_start3A_348 = arith.constant 0 : i32
    %dma_start3A_349 = arith.constant 0 : i32
    %dma_start3A_350 = tpu.memref_slice %arg6[%dma_start3A_347, %dma_start3A_348, %dma_start3A_349] : memref<2x128x256xf32, #tpu.memory_space<vmem>> -> memref<1x128x256xf32, #tpu.memory_space<vmem>>
    %dma_start3A_351 = tpu.memref_squeeze %dma_start3A_350 : memref<1x128x256xf32, #tpu.memory_space<vmem>> -> memref<128x256xf32, #tpu.memory_space<vmem>>
    %dma_start3A_352 = arith.constant 0 : i32
    %dma_start3A_353 = tpu.memref_slice %arg5[%dma_start3A_346, %dma_start3A_352] : memref<2x128xi32, #tpu.memory_space<vmem>> -> memref<1x128xi32, #tpu.memory_space<vmem>>
    %dma_start3A_354 = tpu.memref_squeeze %dma_start3A_353 : memref<1x128xi32, #tpu.memory_space<vmem>> -> memref<128xi32, #tpu.memory_space<vmem>>
    %dma_start3A_355 = arith.constant 0 : i32
    %dma_start3A_356 = arith.constant 0 : i32
    %dma_start3A_357 = tpu.memref_slice %arg2[%dma_start3A_355, %dma_start3A_356] : memref<4096x256xf32, #tpu.memory_space<hbm>> -> memref<4096x256xf32, #tpu.memory_space<hbm>>
    tpu.enqueue_indirect_dma source(%dma_start3A_357 : memref<4096x256xf32, #tpu.memory_space<hbm>>) target(%dma_start3A_351 : memref<128x256xf32, #tpu.memory_space<vmem>>) offsets(%dma_start3A_354 : memref<128xi32, #tpu.memory_space<vmem>>) semaphore(%arg7 : memref<!tpu.dma_semaphore, #tpu.memory_space<semaphore_mem>>)
    %dma_wait3A_358 = arith.constant 0 : i32
    %dma_wait3A_359 = arith.constant 0 : i32
    %dma_wait3A_360 = arith.constant 0 : i32
    %dma_wait3A_361 = arith.constant 0 : i32
    %dma_wait3A_362 = tpu.memref_slice %arg6[%dma_wait3A_359, %dma_wait3A_360, %dma_wait3A_361] : memref<2x128x256xf32, #tpu.memory_space<vmem>> -> memref<1x128x256xf32, #tpu.memory_space<vmem>>
    %dma_wait3A_363 = tpu.memref_squeeze %dma_wait3A_362 : memref<1x128x256xf32, #tpu.memory_space<vmem>> -> memref<128x256xf32, #tpu.memory_space<vmem>>
    %dma_wait3A_364 = arith.constant 0 : i32
    %dma_wait3A_365 = tpu.memref_slice %arg5[%dma_wait3A_358, %dma_wait3A_364] : memref<2x128xi32, #tpu.memory_space<vmem>> -> memref<1x128xi32, #tpu.memory_space<vmem>>
    %dma_wait3A_366 = tpu.memref_squeeze %dma_wait3A_365 : memref<1x128xi32, #tpu.memory_space<vmem>> -> memref<128xi32, #tpu.memory_space<vmem>>
    %dma_wait3A_367 = arith.constant 0 : i32
    %dma_wait3A_368 = arith.constant 0 : i32
    %dma_wait3A_369 = tpu.memref_slice %arg2[%dma_wait3A_367, %dma_wait3A_368] : memref<4096x256xf32, #tpu.memory_space<hbm>> -> memref<4096x256xf32, #tpu.memory_space<hbm>>
    tpu.wait_indirect_dma semaphore(%arg7 : memref<!tpu.dma_semaphore, #tpu.memory_space<semaphore_mem>>) src(%dma_wait3A_369 : memref<4096x256xf32, #tpu.memory_space<hbm>>) dst(%dma_wait3A_363 : memref<128x256xf32, #tpu.memory_space<vmem>>)
    %add3A_370 = arith.constant 768 : i32
    %add3A_371 = arith.addi %mul3A_2, %add3A_370 : i32
    %dma_start3A_372 = arith.constant 0 : i32
    %dma_start3A_373 = arith.constant 0 : i32
    %dma_start3A_374 = arith.constant 0 : i32
    %dma_start3A_375 = tpu.memref_slice %arg6[%dma_start3A_372, %dma_start3A_373, %dma_start3A_374] : memref<2x128x256xf32, #tpu.memory_space<vmem>> -> memref<1x128x256xf32, #tpu.memory_space<vmem>>
    %dma_start3A_376 = tpu.memref_squeeze %dma_start3A_375 : memref<1x128x256xf32, #tpu.memory_space<vmem>> -> memref<128x256xf32, #tpu.memory_space<vmem>>
    %dma_start3A_377 = arith.constant 0 : i32
    %dma_start3A_378 = tpu.memref_slice %arg4[%add3A_371, %dma_start3A_377] : memref<49152x256xf32, #tpu.memory_space<hbm>> -> memref<128x256xf32, #tpu.memory_space<hbm>>
    %dma_start3A_379 = arith.constant 0 : i32
    %dma_start3A_380 = tpu.memref_slice %arg4[%add3A_371, %dma_start3A_379] : memref<49152x256xf32, #tpu.memory_space<hbm>> -> memref<128x256xf32, #tpu.memory_space<hbm>>
    %dma_start3A_381 = arith.constant 0 : i32
    %dma_start3A_382 = arith.constant 0 : i32
    %dma_start3A_383 = tpu.memref_slice %arg6[%dma_start3A_372, %dma_start3A_381, %dma_start3A_382] : memref<2x128x256xf32, #tpu.memory_space<vmem>> -> memref<1x128x256xf32, #tpu.memory_space<vmem>>
    %dma_start3A_384 = tpu.memref_squeeze %dma_start3A_383 : memref<1x128x256xf32, #tpu.memory_space<vmem>> -> memref<128x256xf32, #tpu.memory_space<vmem>>
    tpu.enqueue_dma source(%dma_start3A_384 : memref<128x256xf32, #tpu.memory_space<vmem>>) target(%dma_start3A_380 : memref<128x256xf32, #tpu.memory_space<hbm>>) target_semaphore(%arg8 : memref<!tpu.dma_semaphore, #tpu.memory_space<semaphore_mem>>)
    %dma_wait3A_385 = arith.constant 0 : i32
    %dma_wait3A_386 = arith.constant 0 : i32
    %dma_wait3A_387 = arith.constant 0 : i32
    %dma_wait3A_388 = tpu.memref_slice %arg6[%dma_wait3A_385, %dma_wait3A_386, %dma_wait3A_387] : memref<2x128x256xf32, #tpu.memory_space<vmem>> -> memref<1x128x256xf32, #tpu.memory_space<vmem>>
    %dma_wait3A_389 = tpu.memref_squeeze %dma_wait3A_388 : memref<1x128x256xf32, #tpu.memory_space<vmem>> -> memref<128x256xf32, #tpu.memory_space<vmem>>
    %dma_wait3A_390 = arith.constant 0 : i32
    %dma_wait3A_391 = tpu.memref_slice %arg4[%add3A_371, %dma_wait3A_390] : memref<49152x256xf32, #tpu.memory_space<hbm>> -> memref<128x256xf32, #tpu.memory_space<hbm>>
    %dma_wait3A_392 = arith.constant 0 : i32
    %dma_wait3A_393 = tpu.memref_slice %arg4[%add3A_371, %dma_wait3A_392] : memref<49152x256xf32, #tpu.memory_space<hbm>> -> memref<128x256xf32, #tpu.memory_space<hbm>>
    %dma_wait3A_394 = arith.constant 0 : i32
    %dma_wait3A_395 = arith.constant 0 : i32
    %dma_wait3A_396 = tpu.memref_slice %arg6[%dma_wait3A_385, %dma_wait3A_394, %dma_wait3A_395] : memref<2x128x256xf32, #tpu.memory_space<vmem>> -> memref<1x128x256xf32, #tpu.memory_space<vmem>>
    %dma_wait3A_397 = tpu.memref_squeeze %dma_wait3A_396 : memref<1x128x256xf32, #tpu.memory_space<vmem>> -> memref<128x256xf32, #tpu.memory_space<vmem>>
    tpu.wait_dma2 semaphore(%arg8 : memref<!tpu.dma_semaphore, #tpu.memory_space<semaphore_mem>>) src(%dma_wait3A_397 : memref<128x256xf32, #tpu.memory_space<vmem>>) dst(%dma_wait3A_393 : memref<128x256xf32, #tpu.memory_space<hbm>>)
    %add3A_398 = arith.constant 1024 : i32
    %add3A_399 = arith.addi %mul3A_2, %add3A_398 : i32
    %run_scoped3A_400 = arith.constant 0 : i32
    "tpu.region"() ({
      %run_scoped3A_658 = tpu.sem_alloc : memref<!tpu.dma_semaphore, #tpu.memory_space<semaphore_mem>>
      %dma_start3A_659 = arith.constant 0 : i32
      %dma_start3A_660 = tpu.memref_slice %arg5[%run_scoped3A_400, %dma_start3A_659] : memref<2x128xi32, #tpu.memory_space<vmem>> -> memref<1x128xi32, #tpu.memory_space<vmem>>
      %dma_start3A_661 = tpu.memref_squeeze %dma_start3A_660 : memref<1x128xi32, #tpu.memory_space<vmem>> -> memref<128xi32, #tpu.memory_space<vmem>>
      %dma_start3A_662 = tpu.memref_slice %arg3[%add3A_399] : memref<49152xi32, #tpu.memory_space<hbm>> -> memref<128xi32, #tpu.memory_space<hbm>>
      %dma_start3A_663 = arith.constant 0 : i32
      %dma_start3A_664 = tpu.memref_slice %arg5[%run_scoped3A_400, %dma_start3A_663] : memref<2x128xi32, #tpu.memory_space<vmem>> -> memref<1x128xi32, #tpu.memory_space<vmem>>
      %dma_start3A_665 = tpu.memref_squeeze %dma_start3A_664 : memref<1x128xi32, #tpu.memory_space<vmem>> -> memref<128xi32, #tpu.memory_space<vmem>>
      %dma_start3A_666 = tpu.memref_slice %arg3[%add3A_399] : memref<49152xi32, #tpu.memory_space<hbm>> -> memref<128xi32, #tpu.memory_space<hbm>>
      tpu.enqueue_dma source(%dma_start3A_666 : memref<128xi32, #tpu.memory_space<hbm>>) target(%dma_start3A_665 : memref<128xi32, #tpu.memory_space<vmem>>) target_semaphore(%run_scoped3A_658 : memref<!tpu.dma_semaphore, #tpu.memory_space<semaphore_mem>>)
      %dma_wait3A_667 = arith.constant 0 : i32
      %dma_wait3A_668 = tpu.memref_slice %arg5[%run_scoped3A_400, %dma_wait3A_667] : memref<2x128xi32, #tpu.memory_space<vmem>> -> memref<1x128xi32, #tpu.memory_space<vmem>>
      %dma_wait3A_669 = tpu.memref_squeeze %dma_wait3A_668 : memref<1x128xi32, #tpu.memory_space<vmem>> -> memref<128xi32, #tpu.memory_space<vmem>>
      %dma_wait3A_670 = tpu.memref_slice %arg3[%add3A_399] : memref<49152xi32, #tpu.memory_space<hbm>> -> memref<128xi32, #tpu.memory_space<hbm>>
      %dma_wait3A_671 = arith.constant 0 : i32
      %dma_wait3A_672 = tpu.memref_slice %arg5[%run_scoped3A_400, %dma_wait3A_671] : memref<2x128xi32, #tpu.memory_space<vmem>> -> memref<1x128xi32, #tpu.memory_space<vmem>>
      %dma_wait3A_673 = tpu.memref_squeeze %dma_wait3A_672 : memref<1x128xi32, #tpu.memory_space<vmem>> -> memref<128xi32, #tpu.memory_space<vmem>>
      %dma_wait3A_674 = tpu.memref_slice %arg3[%add3A_399] : memref<49152xi32, #tpu.memory_space<hbm>> -> memref<128xi32, #tpu.memory_space<hbm>>
      tpu.wait_dma2 semaphore(%run_scoped3A_658 : memref<!tpu.dma_semaphore, #tpu.memory_space<semaphore_mem>>) src(%dma_wait3A_674 : memref<128xi32, #tpu.memory_space<hbm>>) dst(%dma_wait3A_673 : memref<128xi32, #tpu.memory_space<vmem>>)
      tpu.yield
    }) : () -> ()
    %dma_start3A_401 = arith.constant 0 : i32
    %dma_start3A_402 = arith.constant 0 : i32
    %dma_start3A_403 = arith.constant 0 : i32
    %dma_start3A_404 = arith.constant 0 : i32
    %dma_start3A_405 = tpu.memref_slice %arg6[%dma_start3A_402, %dma_start3A_403, %dma_start3A_404] : memref<2x128x256xf32, #tpu.memory_space<vmem>> -> memref<1x128x256xf32, #tpu.memory_space<vmem>>
    %dma_start3A_406 = tpu.memref_squeeze %dma_start3A_405 : memref<1x128x256xf32, #tpu.memory_space<vmem>> -> memref<128x256xf32, #tpu.memory_space<vmem>>
    %dma_start3A_407 = arith.constant 0 : i32
    %dma_start3A_408 = tpu.memref_slice %arg5[%dma_start3A_401, %dma_start3A_407] : memref<2x128xi32, #tpu.memory_space<vmem>> -> memref<1x128xi32, #tpu.memory_space<vmem>>
    %dma_start3A_409 = tpu.memref_squeeze %dma_start3A_408 : memref<1x128xi32, #tpu.memory_space<vmem>> -> memref<128xi32, #tpu.memory_space<vmem>>
    %dma_start3A_410 = arith.constant 0 : i32
    %dma_start3A_411 = arith.constant 0 : i32
    %dma_start3A_412 = tpu.memref_slice %arg2[%dma_start3A_410, %dma_start3A_411] : memref<4096x256xf32, #tpu.memory_space<hbm>> -> memref<4096x256xf32, #tpu.memory_space<hbm>>
    tpu.enqueue_indirect_dma source(%dma_start3A_412 : memref<4096x256xf32, #tpu.memory_space<hbm>>) target(%dma_start3A_406 : memref<128x256xf32, #tpu.memory_space<vmem>>) offsets(%dma_start3A_409 : memref<128xi32, #tpu.memory_space<vmem>>) semaphore(%arg7 : memref<!tpu.dma_semaphore, #tpu.memory_space<semaphore_mem>>)
    %dma_wait3A_413 = arith.constant 1 : i32
    %dma_wait3A_414 = arith.constant 1 : i32
    %dma_wait3A_415 = arith.constant 0 : i32
    %dma_wait3A_416 = arith.constant 0 : i32
    %dma_wait3A_417 = tpu.memref_slice %arg6[%dma_wait3A_414, %dma_wait3A_415, %dma_wait3A_416] : memref<2x128x256xf32, #tpu.memory_space<vmem>> -> memref<1x128x256xf32, #tpu.memory_space<vmem>>
    %dma_wait3A_418 = tpu.memref_squeeze %dma_wait3A_417 : memref<1x128x256xf32, #tpu.memory_space<vmem>> -> memref<128x256xf32, #tpu.memory_space<vmem>>
    %dma_wait3A_419 = arith.constant 0 : i32
    %dma_wait3A_420 = tpu.memref_slice %arg5[%dma_wait3A_413, %dma_wait3A_419] : memref<2x128xi32, #tpu.memory_space<vmem>> -> memref<1x128xi32, #tpu.memory_space<vmem>>
    %dma_wait3A_421 = tpu.memref_squeeze %dma_wait3A_420 : memref<1x128xi32, #tpu.memory_space<vmem>> -> memref<128xi32, #tpu.memory_space<vmem>>
    %dma_wait3A_422 = arith.constant 0 : i32
    %dma_wait3A_423 = arith.constant 0 : i32
    %dma_wait3A_424 = tpu.memref_slice %arg2[%dma_wait3A_422, %dma_wait3A_423] : memref<4096x256xf32, #tpu.memory_space<hbm>> -> memref<4096x256xf32, #tpu.memory_space<hbm>>
    tpu.wait_indirect_dma semaphore(%arg7 : memref<!tpu.dma_semaphore, #tpu.memory_space<semaphore_mem>>) src(%dma_wait3A_424 : memref<4096x256xf32, #tpu.memory_space<hbm>>) dst(%dma_wait3A_418 : memref<128x256xf32, #tpu.memory_space<vmem>>)
    %add3A_425 = arith.constant 896 : i32
    %add3A_426 = arith.addi %mul3A_2, %add3A_425 : i32
    %dma_start3A_427 = arith.constant 1 : i32
    %dma_start3A_428 = arith.constant 0 : i32
    %dma_start3A_429 = arith.constant 0 : i32
    %dma_start3A_430 = tpu.memref_slice %arg6[%dma_start3A_427, %dma_start3A_428, %dma_start3A_429] : memref<2x128x256xf32, #tpu.memory_space<vmem>> -> memref<1x128x256xf32, #tpu.memory_space<vmem>>
    %dma_start3A_431 = tpu.memref_squeeze %dma_start3A_430 : memref<1x128x256xf32, #tpu.memory_space<vmem>> -> memref<128x256xf32, #tpu.memory_space<vmem>>
    %dma_start3A_432 = arith.constant 0 : i32
    %dma_start3A_433 = tpu.memref_slice %arg4[%add3A_426, %dma_start3A_432] : memref<49152x256xf32, #tpu.memory_space<hbm>> -> memref<128x256xf32, #tpu.memory_space<hbm>>
    %dma_start3A_434 = arith.constant 0 : i32
    %dma_start3A_435 = tpu.memref_slice %arg4[%add3A_426, %dma_start3A_434] : memref<49152x256xf32, #tpu.memory_space<hbm>> -> memref<128x256xf32, #tpu.memory_space<hbm>>
    %dma_start3A_436 = arith.constant 0 : i32
    %dma_start3A_437 = arith.constant 0 : i32
    %dma_start3A_438 = tpu.memref_slice %arg6[%dma_start3A_427, %dma_start3A_436, %dma_start3A_437] : memref<2x128x256xf32, #tpu.memory_space<vmem>> -> memref<1x128x256xf32, #tpu.memory_space<vmem>>
    %dma_start3A_439 = tpu.memref_squeeze %dma_start3A_438 : memref<1x128x256xf32, #tpu.memory_space<vmem>> -> memref<128x256xf32, #tpu.memory_space<vmem>>
    tpu.enqueue_dma source(%dma_start3A_439 : memref<128x256xf32, #tpu.memory_space<vmem>>) target(%dma_start3A_435 : memref<128x256xf32, #tpu.memory_space<hbm>>) target_semaphore(%arg8 : memref<!tpu.dma_semaphore, #tpu.memory_space<semaphore_mem>>)
    %dma_wait3A_440 = arith.constant 1 : i32
    %dma_wait3A_441 = arith.constant 0 : i32
    %dma_wait3A_442 = arith.constant 0 : i32
    %dma_wait3A_443 = tpu.memref_slice %arg6[%dma_wait3A_440, %dma_wait3A_441, %dma_wait3A_442] : memref<2x128x256xf32, #tpu.memory_space<vmem>> -> memref<1x128x256xf32, #tpu.memory_space<vmem>>
    %dma_wait3A_444 = tpu.memref_squeeze %dma_wait3A_443 : memref<1x128x256xf32, #tpu.memory_space<vmem>> -> memref<128x256xf32, #tpu.memory_space<vmem>>
    %dma_wait3A_445 = arith.constant 0 : i32
    %dma_wait3A_446 = tpu.memref_slice %arg4[%add3A_426, %dma_wait3A_445] : memref<49152x256xf32, #tpu.memory_space<hbm>> -> memref<128x256xf32, #tpu.memory_space<hbm>>
    %dma_wait3A_447 = arith.constant 0 : i32
    %dma_wait3A_448 = tpu.memref_slice %arg4[%add3A_426, %dma_wait3A_447] : memref<49152x256xf32, #tpu.memory_space<hbm>> -> memref<128x256xf32, #tpu.memory_space<hbm>>
    %dma_wait3A_449 = arith.constant 0 : i32
    %dma_wait3A_450 = arith.constant 0 : i32
    %dma_wait3A_451 = tpu.memref_slice %arg6[%dma_wait3A_440, %dma_wait3A_449, %dma_wait3A_450] : memref<2x128x256xf32, #tpu.memory_space<vmem>> -> memref<1x128x256xf32, #tpu.memory_space<vmem>>
    %dma_wait3A_452 = tpu.memref_squeeze %dma_wait3A_451 : memref<1x128x256xf32, #tpu.memory_space<vmem>> -> memref<128x256xf32, #tpu.memory_space<vmem>>
    tpu.wait_dma2 semaphore(%arg8 : memref<!tpu.dma_semaphore, #tpu.memory_space<semaphore_mem>>) src(%dma_wait3A_452 : memref<128x256xf32, #tpu.memory_space<vmem>>) dst(%dma_wait3A_448 : memref<128x256xf32, #tpu.memory_space<hbm>>)
    %add3A_453 = arith.constant 1152 : i32
    %add3A_454 = arith.addi %mul3A_2, %add3A_453 : i32
    %run_scoped3A_455 = arith.constant 1 : i32
    "tpu.region"() ({
      %run_scoped3A_658 = tpu.sem_alloc : memref<!tpu.dma_semaphore, #tpu.memory_space<semaphore_mem>>
      %dma_start3A_659 = arith.constant 0 : i32
      %dma_start3A_660 = tpu.memref_slice %arg5[%run_scoped3A_455, %dma_start3A_659] : memref<2x128xi32, #tpu.memory_space<vmem>> -> memref<1x128xi32, #tpu.memory_space<vmem>>
      %dma_start3A_661 = tpu.memref_squeeze %dma_start3A_660 : memref<1x128xi32, #tpu.memory_space<vmem>> -> memref<128xi32, #tpu.memory_space<vmem>>
      %dma_start3A_662 = tpu.memref_slice %arg3[%add3A_454] : memref<49152xi32, #tpu.memory_space<hbm>> -> memref<128xi32, #tpu.memory_space<hbm>>
      %dma_start3A_663 = arith.constant 0 : i32
      %dma_start3A_664 = tpu.memref_slice %arg5[%run_scoped3A_455, %dma_start3A_663] : memref<2x128xi32, #tpu.memory_space<vmem>> -> memref<1x128xi32, #tpu.memory_space<vmem>>
      %dma_start3A_665 = tpu.memref_squeeze %dma_start3A_664 : memref<1x128xi32, #tpu.memory_space<vmem>> -> memref<128xi32, #tpu.memory_space<vmem>>
      %dma_start3A_666 = tpu.memref_slice %arg3[%add3A_454] : memref<49152xi32, #tpu.memory_space<hbm>> -> memref<128xi32, #tpu.memory_space<hbm>>
      tpu.enqueue_dma source(%dma_start3A_666 : memref<128xi32, #tpu.memory_space<hbm>>) target(%dma_start3A_665 : memref<128xi32, #tpu.memory_space<vmem>>) target_semaphore(%run_scoped3A_658 : memref<!tpu.dma_semaphore, #tpu.memory_space<semaphore_mem>>)
      %dma_wait3A_667 = arith.constant 0 : i32
      %dma_wait3A_668 = tpu.memref_slice %arg5[%run_scoped3A_455, %dma_wait3A_667] : memref<2x128xi32, #tpu.memory_space<vmem>> -> memref<1x128xi32, #tpu.memory_space<vmem>>
      %dma_wait3A_669 = tpu.memref_squeeze %dma_wait3A_668 : memref<1x128xi32, #tpu.memory_space<vmem>> -> memref<128xi32, #tpu.memory_space<vmem>>
      %dma_wait3A_670 = tpu.memref_slice %arg3[%add3A_454] : memref<49152xi32, #tpu.memory_space<hbm>> -> memref<128xi32, #tpu.memory_space<hbm>>
      %dma_wait3A_671 = arith.constant 0 : i32
      %dma_wait3A_672 = tpu.memref_slice %arg5[%run_scoped3A_455, %dma_wait3A_671] : memref<2x128xi32, #tpu.memory_space<vmem>> -> memref<1x128xi32, #tpu.memory_space<vmem>>
      %dma_wait3A_673 = tpu.memref_squeeze %dma_wait3A_672 : memref<1x128xi32, #tpu.memory_space<vmem>> -> memref<128xi32, #tpu.memory_space<vmem>>
      %dma_wait3A_674 = tpu.memref_slice %arg3[%add3A_454] : memref<49152xi32, #tpu.memory_space<hbm>> -> memref<128xi32, #tpu.memory_space<hbm>>
      tpu.wait_dma2 semaphore(%run_scoped3A_658 : memref<!tpu.dma_semaphore, #tpu.memory_space<semaphore_mem>>) src(%dma_wait3A_674 : memref<128xi32, #tpu.memory_space<hbm>>) dst(%dma_wait3A_673 : memref<128xi32, #tpu.memory_space<vmem>>)
      tpu.yield
    }) : () -> ()
    %dma_start3A_456 = arith.constant 1 : i32
    %dma_start3A_457 = arith.constant 1 : i32
    %dma_start3A_458 = arith.constant 0 : i32
    %dma_start3A_459 = arith.constant 0 : i32
    %dma_start3A_460 = tpu.memref_slice %arg6[%dma_start3A_457, %dma_start3A_458, %dma_start3A_459] : memref<2x128x256xf32, #tpu.memory_space<vmem>> -> memref<1x128x256xf32, #tpu.memory_space<vmem>>
    %dma_start3A_461 = tpu.memref_squeeze %dma_start3A_460 : memref<1x128x256xf32, #tpu.memory_space<vmem>> -> memref<128x256xf32, #tpu.memory_space<vmem>>
    %dma_start3A_462 = arith.constant 0 : i32
    %dma_start3A_463 = tpu.memref_slice %arg5[%dma_start3A_456, %dma_start3A_462] : memref<2x128xi32, #tpu.memory_space<vmem>> -> memref<1x128xi32, #tpu.memory_space<vmem>>
    %dma_start3A_464 = tpu.memref_squeeze %dma_start3A_463 : memref<1x128xi32, #tpu.memory_space<vmem>> -> memref<128xi32, #tpu.memory_space<vmem>>
    %dma_start3A_465 = arith.constant 0 : i32
    %dma_start3A_466 = arith.constant 0 : i32
    %dma_start3A_467 = tpu.memref_slice %arg2[%dma_start3A_465, %dma_start3A_466] : memref<4096x256xf32, #tpu.memory_space<hbm>> -> memref<4096x256xf32, #tpu.memory_space<hbm>>
    tpu.enqueue_indirect_dma source(%dma_start3A_467 : memref<4096x256xf32, #tpu.memory_space<hbm>>) target(%dma_start3A_461 : memref<128x256xf32, #tpu.memory_space<vmem>>) offsets(%dma_start3A_464 : memref<128xi32, #tpu.memory_space<vmem>>) semaphore(%arg7 : memref<!tpu.dma_semaphore, #tpu.memory_space<semaphore_mem>>)
    %dma_wait3A_468 = arith.constant 0 : i32
    %dma_wait3A_469 = arith.constant 0 : i32
    %dma_wait3A_470 = arith.constant 0 : i32
    %dma_wait3A_471 = arith.constant 0 : i32
    %dma_wait3A_472 = tpu.memref_slice %arg6[%dma_wait3A_469, %dma_wait3A_470, %dma_wait3A_471] : memref<2x128x256xf32, #tpu.memory_space<vmem>> -> memref<1x128x256xf32, #tpu.memory_space<vmem>>
    %dma_wait3A_473 = tpu.memref_squeeze %dma_wait3A_472 : memref<1x128x256xf32, #tpu.memory_space<vmem>> -> memref<128x256xf32, #tpu.memory_space<vmem>>
    %dma_wait3A_474 = arith.constant 0 : i32
    %dma_wait3A_475 = tpu.memref_slice %arg5[%dma_wait3A_468, %dma_wait3A_474] : memref<2x128xi32, #tpu.memory_space<vmem>> -> memref<1x128xi32, #tpu.memory_space<vmem>>
    %dma_wait3A_476 = tpu.memref_squeeze %dma_wait3A_475 : memref<1x128xi32, #tpu.memory_space<vmem>> -> memref<128xi32, #tpu.memory_space<vmem>>
    %dma_wait3A_477 = arith.constant 0 : i32
    %dma_wait3A_478 = arith.constant 0 : i32
    %dma_wait3A_479 = tpu.memref_slice %arg2[%dma_wait3A_477, %dma_wait3A_478] : memref<4096x256xf32, #tpu.memory_space<hbm>> -> memref<4096x256xf32, #tpu.memory_space<hbm>>
    tpu.wait_indirect_dma semaphore(%arg7 : memref<!tpu.dma_semaphore, #tpu.memory_space<semaphore_mem>>) src(%dma_wait3A_479 : memref<4096x256xf32, #tpu.memory_space<hbm>>) dst(%dma_wait3A_473 : memref<128x256xf32, #tpu.memory_space<vmem>>)
    %add3A_480 = arith.constant 1024 : i32
    %add3A_481 = arith.addi %mul3A_2, %add3A_480 : i32
    %dma_start3A_482 = arith.constant 0 : i32
    %dma_start3A_483 = arith.constant 0 : i32
    %dma_start3A_484 = arith.constant 0 : i32
    %dma_start3A_485 = tpu.memref_slice %arg6[%dma_start3A_482, %dma_start3A_483, %dma_start3A_484] : memref<2x128x256xf32, #tpu.memory_space<vmem>> -> memref<1x128x256xf32, #tpu.memory_space<vmem>>
    %dma_start3A_486 = tpu.memref_squeeze %dma_start3A_485 : memref<1x128x256xf32, #tpu.memory_space<vmem>> -> memref<128x256xf32, #tpu.memory_space<vmem>>
    %dma_start3A_487 = arith.constant 0 : i32
    %dma_start3A_488 = tpu.memref_slice %arg4[%add3A_481, %dma_start3A_487] : memref<49152x256xf32, #tpu.memory_space<hbm>> -> memref<128x256xf32, #tpu.memory_space<hbm>>
    %dma_start3A_489 = arith.constant 0 : i32
    %dma_start3A_490 = tpu.memref_slice %arg4[%add3A_481, %dma_start3A_489] : memref<49152x256xf32, #tpu.memory_space<hbm>> -> memref<128x256xf32, #tpu.memory_space<hbm>>
    %dma_start3A_491 = arith.constant 0 : i32
    %dma_start3A_492 = arith.constant 0 : i32
    %dma_start3A_493 = tpu.memref_slice %arg6[%dma_start3A_482, %dma_start3A_491, %dma_start3A_492] : memref<2x128x256xf32, #tpu.memory_space<vmem>> -> memref<1x128x256xf32, #tpu.memory_space<vmem>>
    %dma_start3A_494 = tpu.memref_squeeze %dma_start3A_493 : memref<1x128x256xf32, #tpu.memory_space<vmem>> -> memref<128x256xf32, #tpu.memory_space<vmem>>
    tpu.enqueue_dma source(%dma_start3A_494 : memref<128x256xf32, #tpu.memory_space<vmem>>) target(%dma_start3A_490 : memref<128x256xf32, #tpu.memory_space<hbm>>) target_semaphore(%arg8 : memref<!tpu.dma_semaphore, #tpu.memory_space<semaphore_mem>>)
    %dma_wait3A_495 = arith.constant 0 : i32
    %dma_wait3A_496 = arith.constant 0 : i32
    %dma_wait3A_497 = arith.constant 0 : i32
    %dma_wait3A_498 = tpu.memref_slice %arg6[%dma_wait3A_495, %dma_wait3A_496, %dma_wait3A_497] : memref<2x128x256xf32, #tpu.memory_space<vmem>> -> memref<1x128x256xf32, #tpu.memory_space<vmem>>
    %dma_wait3A_499 = tpu.memref_squeeze %dma_wait3A_498 : memref<1x128x256xf32, #tpu.memory_space<vmem>> -> memref<128x256xf32, #tpu.memory_space<vmem>>
    %dma_wait3A_500 = arith.constant 0 : i32
    %dma_wait3A_501 = tpu.memref_slice %arg4[%add3A_481, %dma_wait3A_500] : memref<49152x256xf32, #tpu.memory_space<hbm>> -> memref<128x256xf32, #tpu.memory_space<hbm>>
    %dma_wait3A_502 = arith.constant 0 : i32
    %dma_wait3A_503 = tpu.memref_slice %arg4[%add3A_481, %dma_wait3A_502] : memref<49152x256xf32, #tpu.memory_space<hbm>> -> memref<128x256xf32, #tpu.memory_space<hbm>>
    %dma_wait3A_504 = arith.constant 0 : i32
    %dma_wait3A_505 = arith.constant 0 : i32
    %dma_wait3A_506 = tpu.memref_slice %arg6[%dma_wait3A_495, %dma_wait3A_504, %dma_wait3A_505] : memref<2x128x256xf32, #tpu.memory_space<vmem>> -> memref<1x128x256xf32, #tpu.memory_space<vmem>>
    %dma_wait3A_507 = tpu.memref_squeeze %dma_wait3A_506 : memref<1x128x256xf32, #tpu.memory_space<vmem>> -> memref<128x256xf32, #tpu.memory_space<vmem>>
    tpu.wait_dma2 semaphore(%arg8 : memref<!tpu.dma_semaphore, #tpu.memory_space<semaphore_mem>>) src(%dma_wait3A_507 : memref<128x256xf32, #tpu.memory_space<vmem>>) dst(%dma_wait3A_503 : memref<128x256xf32, #tpu.memory_space<hbm>>)
    %add3A_508 = arith.constant 1280 : i32
    %add3A_509 = arith.addi %mul3A_2, %add3A_508 : i32
    %run_scoped3A_510 = arith.constant 0 : i32
    "tpu.region"() ({
      %run_scoped3A_658 = tpu.sem_alloc : memref<!tpu.dma_semaphore, #tpu.memory_space<semaphore_mem>>
      %dma_start3A_659 = arith.constant 0 : i32
      %dma_start3A_660 = tpu.memref_slice %arg5[%run_scoped3A_510, %dma_start3A_659] : memref<2x128xi32, #tpu.memory_space<vmem>> -> memref<1x128xi32, #tpu.memory_space<vmem>>
      %dma_start3A_661 = tpu.memref_squeeze %dma_start3A_660 : memref<1x128xi32, #tpu.memory_space<vmem>> -> memref<128xi32, #tpu.memory_space<vmem>>
      %dma_start3A_662 = tpu.memref_slice %arg3[%add3A_509] : memref<49152xi32, #tpu.memory_space<hbm>> -> memref<128xi32, #tpu.memory_space<hbm>>
      %dma_start3A_663 = arith.constant 0 : i32
      %dma_start3A_664 = tpu.memref_slice %arg5[%run_scoped3A_510, %dma_start3A_663] : memref<2x128xi32, #tpu.memory_space<vmem>> -> memref<1x128xi32, #tpu.memory_space<vmem>>
      %dma_start3A_665 = tpu.memref_squeeze %dma_start3A_664 : memref<1x128xi32, #tpu.memory_space<vmem>> -> memref<128xi32, #tpu.memory_space<vmem>>
      %dma_start3A_666 = tpu.memref_slice %arg3[%add3A_509] : memref<49152xi32, #tpu.memory_space<hbm>> -> memref<128xi32, #tpu.memory_space<hbm>>
      tpu.enqueue_dma source(%dma_start3A_666 : memref<128xi32, #tpu.memory_space<hbm>>) target(%dma_start3A_665 : memref<128xi32, #tpu.memory_space<vmem>>) target_semaphore(%run_scoped3A_658 : memref<!tpu.dma_semaphore, #tpu.memory_space<semaphore_mem>>)
      %dma_wait3A_667 = arith.constant 0 : i32
      %dma_wait3A_668 = tpu.memref_slice %arg5[%run_scoped3A_510, %dma_wait3A_667] : memref<2x128xi32, #tpu.memory_space<vmem>> -> memref<1x128xi32, #tpu.memory_space<vmem>>
      %dma_wait3A_669 = tpu.memref_squeeze %dma_wait3A_668 : memref<1x128xi32, #tpu.memory_space<vmem>> -> memref<128xi32, #tpu.memory_space<vmem>>
      %dma_wait3A_670 = tpu.memref_slice %arg3[%add3A_509] : memref<49152xi32, #tpu.memory_space<hbm>> -> memref<128xi32, #tpu.memory_space<hbm>>
      %dma_wait3A_671 = arith.constant 0 : i32
      %dma_wait3A_672 = tpu.memref_slice %arg5[%run_scoped3A_510, %dma_wait3A_671] : memref<2x128xi32, #tpu.memory_space<vmem>> -> memref<1x128xi32, #tpu.memory_space<vmem>>
      %dma_wait3A_673 = tpu.memref_squeeze %dma_wait3A_672 : memref<1x128xi32, #tpu.memory_space<vmem>> -> memref<128xi32, #tpu.memory_space<vmem>>
      %dma_wait3A_674 = tpu.memref_slice %arg3[%add3A_509] : memref<49152xi32, #tpu.memory_space<hbm>> -> memref<128xi32, #tpu.memory_space<hbm>>
      tpu.wait_dma2 semaphore(%run_scoped3A_658 : memref<!tpu.dma_semaphore, #tpu.memory_space<semaphore_mem>>) src(%dma_wait3A_674 : memref<128xi32, #tpu.memory_space<hbm>>) dst(%dma_wait3A_673 : memref<128xi32, #tpu.memory_space<vmem>>)
      tpu.yield
    }) : () -> ()
    %dma_start3A_511 = arith.constant 0 : i32
    %dma_start3A_512 = arith.constant 0 : i32
    %dma_start3A_513 = arith.constant 0 : i32
    %dma_start3A_514 = arith.constant 0 : i32
    %dma_start3A_515 = tpu.memref_slice %arg6[%dma_start3A_512, %dma_start3A_513, %dma_start3A_514] : memref<2x128x256xf32, #tpu.memory_space<vmem>> -> memref<1x128x256xf32, #tpu.memory_space<vmem>>
    %dma_start3A_516 = tpu.memref_squeeze %dma_start3A_515 : memref<1x128x256xf32, #tpu.memory_space<vmem>> -> memref<128x256xf32, #tpu.memory_space<vmem>>
    %dma_start3A_517 = arith.constant 0 : i32
    %dma_start3A_518 = tpu.memref_slice %arg5[%dma_start3A_511, %dma_start3A_517] : memref<2x128xi32, #tpu.memory_space<vmem>> -> memref<1x128xi32, #tpu.memory_space<vmem>>
    %dma_start3A_519 = tpu.memref_squeeze %dma_start3A_518 : memref<1x128xi32, #tpu.memory_space<vmem>> -> memref<128xi32, #tpu.memory_space<vmem>>
    %dma_start3A_520 = arith.constant 0 : i32
    %dma_start3A_521 = arith.constant 0 : i32
    %dma_start3A_522 = tpu.memref_slice %arg2[%dma_start3A_520, %dma_start3A_521] : memref<4096x256xf32, #tpu.memory_space<hbm>> -> memref<4096x256xf32, #tpu.memory_space<hbm>>
    tpu.enqueue_indirect_dma source(%dma_start3A_522 : memref<4096x256xf32, #tpu.memory_space<hbm>>) target(%dma_start3A_516 : memref<128x256xf32, #tpu.memory_space<vmem>>) offsets(%dma_start3A_519 : memref<128xi32, #tpu.memory_space<vmem>>) semaphore(%arg7 : memref<!tpu.dma_semaphore, #tpu.memory_space<semaphore_mem>>)
    %dma_wait3A_523 = arith.constant 1 : i32
    %dma_wait3A_524 = arith.constant 1 : i32
    %dma_wait3A_525 = arith.constant 0 : i32
    %dma_wait3A_526 = arith.constant 0 : i32
    %dma_wait3A_527 = tpu.memref_slice %arg6[%dma_wait3A_524, %dma_wait3A_525, %dma_wait3A_526] : memref<2x128x256xf32, #tpu.memory_space<vmem>> -> memref<1x128x256xf32, #tpu.memory_space<vmem>>
    %dma_wait3A_528 = tpu.memref_squeeze %dma_wait3A_527 : memref<1x128x256xf32, #tpu.memory_space<vmem>> -> memref<128x256xf32, #tpu.memory_space<vmem>>
    %dma_wait3A_529 = arith.constant 0 : i32
    %dma_wait3A_530 = tpu.memref_slice %arg5[%dma_wait3A_523, %dma_wait3A_529] : memref<2x128xi32, #tpu.memory_space<vmem>> -> memref<1x128xi32, #tpu.memory_space<vmem>>
    %dma_wait3A_531 = tpu.memref_squeeze %dma_wait3A_530 : memref<1x128xi32, #tpu.memory_space<vmem>> -> memref<128xi32, #tpu.memory_space<vmem>>
    %dma_wait3A_532 = arith.constant 0 : i32
    %dma_wait3A_533 = arith.constant 0 : i32
    %dma_wait3A_534 = tpu.memref_slice %arg2[%dma_wait3A_532, %dma_wait3A_533] : memref<4096x256xf32, #tpu.memory_space<hbm>> -> memref<4096x256xf32, #tpu.memory_space<hbm>>
    tpu.wait_indirect_dma semaphore(%arg7 : memref<!tpu.dma_semaphore, #tpu.memory_space<semaphore_mem>>) src(%dma_wait3A_534 : memref<4096x256xf32, #tpu.memory_space<hbm>>) dst(%dma_wait3A_528 : memref<128x256xf32, #tpu.memory_space<vmem>>)
    %add3A_535 = arith.constant 1152 : i32
    %add3A_536 = arith.addi %mul3A_2, %add3A_535 : i32
    %dma_start3A_537 = arith.constant 1 : i32
    %dma_start3A_538 = arith.constant 0 : i32
    %dma_start3A_539 = arith.constant 0 : i32
    %dma_start3A_540 = tpu.memref_slice %arg6[%dma_start3A_537, %dma_start3A_538, %dma_start3A_539] : memref<2x128x256xf32, #tpu.memory_space<vmem>> -> memref<1x128x256xf32, #tpu.memory_space<vmem>>
    %dma_start3A_541 = tpu.memref_squeeze %dma_start3A_540 : memref<1x128x256xf32, #tpu.memory_space<vmem>> -> memref<128x256xf32, #tpu.memory_space<vmem>>
    %dma_start3A_542 = arith.constant 0 : i32
    %dma_start3A_543 = tpu.memref_slice %arg4[%add3A_536, %dma_start3A_542] : memref<49152x256xf32, #tpu.memory_space<hbm>> -> memref<128x256xf32, #tpu.memory_space<hbm>>
    %dma_start3A_544 = arith.constant 0 : i32
    %dma_start3A_545 = tpu.memref_slice %arg4[%add3A_536, %dma_start3A_544] : memref<49152x256xf32, #tpu.memory_space<hbm>> -> memref<128x256xf32, #tpu.memory_space<hbm>>
    %dma_start3A_546 = arith.constant 0 : i32
    %dma_start3A_547 = arith.constant 0 : i32
    %dma_start3A_548 = tpu.memref_slice %arg6[%dma_start3A_537, %dma_start3A_546, %dma_start3A_547] : memref<2x128x256xf32, #tpu.memory_space<vmem>> -> memref<1x128x256xf32, #tpu.memory_space<vmem>>
    %dma_start3A_549 = tpu.memref_squeeze %dma_start3A_548 : memref<1x128x256xf32, #tpu.memory_space<vmem>> -> memref<128x256xf32, #tpu.memory_space<vmem>>
    tpu.enqueue_dma source(%dma_start3A_549 : memref<128x256xf32, #tpu.memory_space<vmem>>) target(%dma_start3A_545 : memref<128x256xf32, #tpu.memory_space<hbm>>) target_semaphore(%arg8 : memref<!tpu.dma_semaphore, #tpu.memory_space<semaphore_mem>>)
    %dma_wait3A_550 = arith.constant 1 : i32
    %dma_wait3A_551 = arith.constant 0 : i32
    %dma_wait3A_552 = arith.constant 0 : i32
    %dma_wait3A_553 = tpu.memref_slice %arg6[%dma_wait3A_550, %dma_wait3A_551, %dma_wait3A_552] : memref<2x128x256xf32, #tpu.memory_space<vmem>> -> memref<1x128x256xf32, #tpu.memory_space<vmem>>
    %dma_wait3A_554 = tpu.memref_squeeze %dma_wait3A_553 : memref<1x128x256xf32, #tpu.memory_space<vmem>> -> memref<128x256xf32, #tpu.memory_space<vmem>>
    %dma_wait3A_555 = arith.constant 0 : i32
    %dma_wait3A_556 = tpu.memref_slice %arg4[%add3A_536, %dma_wait3A_555] : memref<49152x256xf32, #tpu.memory_space<hbm>> -> memref<128x256xf32, #tpu.memory_space<hbm>>
    %dma_wait3A_557 = arith.constant 0 : i32
    %dma_wait3A_558 = tpu.memref_slice %arg4[%add3A_536, %dma_wait3A_557] : memref<49152x256xf32, #tpu.memory_space<hbm>> -> memref<128x256xf32, #tpu.memory_space<hbm>>
    %dma_wait3A_559 = arith.constant 0 : i32
    %dma_wait3A_560 = arith.constant 0 : i32
    %dma_wait3A_561 = tpu.memref_slice %arg6[%dma_wait3A_550, %dma_wait3A_559, %dma_wait3A_560] : memref<2x128x256xf32, #tpu.memory_space<vmem>> -> memref<1x128x256xf32, #tpu.memory_space<vmem>>
    %dma_wait3A_562 = tpu.memref_squeeze %dma_wait3A_561 : memref<1x128x256xf32, #tpu.memory_space<vmem>> -> memref<128x256xf32, #tpu.memory_space<vmem>>
    tpu.wait_dma2 semaphore(%arg8 : memref<!tpu.dma_semaphore, #tpu.memory_space<semaphore_mem>>) src(%dma_wait3A_562 : memref<128x256xf32, #tpu.memory_space<vmem>>) dst(%dma_wait3A_558 : memref<128x256xf32, #tpu.memory_space<hbm>>)
    %add3A_563 = arith.constant 1408 : i32
    %add3A_564 = arith.addi %mul3A_2, %add3A_563 : i32
    %run_scoped3A_565 = arith.constant 1 : i32
    "tpu.region"() ({
      %run_scoped3A_658 = tpu.sem_alloc : memref<!tpu.dma_semaphore, #tpu.memory_space<semaphore_mem>>
      %dma_start3A_659 = arith.constant 0 : i32
      %dma_start3A_660 = tpu.memref_slice %arg5[%run_scoped3A_565, %dma_start3A_659] : memref<2x128xi32, #tpu.memory_space<vmem>> -> memref<1x128xi32, #tpu.memory_space<vmem>>
      %dma_start3A_661 = tpu.memref_squeeze %dma_start3A_660 : memref<1x128xi32, #tpu.memory_space<vmem>> -> memref<128xi32, #tpu.memory_space<vmem>>
      %dma_start3A_662 = tpu.memref_slice %arg3[%add3A_564] : memref<49152xi32, #tpu.memory_space<hbm>> -> memref<128xi32, #tpu.memory_space<hbm>>
      %dma_start3A_663 = arith.constant 0 : i32
      %dma_start3A_664 = tpu.memref_slice %arg5[%run_scoped3A_565, %dma_start3A_663] : memref<2x128xi32, #tpu.memory_space<vmem>> -> memref<1x128xi32, #tpu.memory_space<vmem>>
      %dma_start3A_665 = tpu.memref_squeeze %dma_start3A_664 : memref<1x128xi32, #tpu.memory_space<vmem>> -> memref<128xi32, #tpu.memory_space<vmem>>
      %dma_start3A_666 = tpu.memref_slice %arg3[%add3A_564] : memref<49152xi32, #tpu.memory_space<hbm>> -> memref<128xi32, #tpu.memory_space<hbm>>
      tpu.enqueue_dma source(%dma_start3A_666 : memref<128xi32, #tpu.memory_space<hbm>>) target(%dma_start3A_665 : memref<128xi32, #tpu.memory_space<vmem>>) target_semaphore(%run_scoped3A_658 : memref<!tpu.dma_semaphore, #tpu.memory_space<semaphore_mem>>)
      %dma_wait3A_667 = arith.constant 0 : i32
      %dma_wait3A_668 = tpu.memref_slice %arg5[%run_scoped3A_565, %dma_wait3A_667] : memref<2x128xi32, #tpu.memory_space<vmem>> -> memref<1x128xi32, #tpu.memory_space<vmem>>
      %dma_wait3A_669 = tpu.memref_squeeze %dma_wait3A_668 : memref<1x128xi32, #tpu.memory_space<vmem>> -> memref<128xi32, #tpu.memory_space<vmem>>
      %dma_wait3A_670 = tpu.memref_slice %arg3[%add3A_564] : memref<49152xi32, #tpu.memory_space<hbm>> -> memref<128xi32, #tpu.memory_space<hbm>>
      %dma_wait3A_671 = arith.constant 0 : i32
      %dma_wait3A_672 = tpu.memref_slice %arg5[%run_scoped3A_565, %dma_wait3A_671] : memref<2x128xi32, #tpu.memory_space<vmem>> -> memref<1x128xi32, #tpu.memory_space<vmem>>
      %dma_wait3A_673 = tpu.memref_squeeze %dma_wait3A_672 : memref<1x128xi32, #tpu.memory_space<vmem>> -> memref<128xi32, #tpu.memory_space<vmem>>
      %dma_wait3A_674 = tpu.memref_slice %arg3[%add3A_564] : memref<49152xi32, #tpu.memory_space<hbm>> -> memref<128xi32, #tpu.memory_space<hbm>>
      tpu.wait_dma2 semaphore(%run_scoped3A_658 : memref<!tpu.dma_semaphore, #tpu.memory_space<semaphore_mem>>) src(%dma_wait3A_674 : memref<128xi32, #tpu.memory_space<hbm>>) dst(%dma_wait3A_673 : memref<128xi32, #tpu.memory_space<vmem>>)
      tpu.yield
    }) : () -> ()
    %dma_start3A_566 = arith.constant 1 : i32
    %dma_start3A_567 = arith.constant 1 : i32
    %dma_start3A_568 = arith.constant 0 : i32
    %dma_start3A_569 = arith.constant 0 : i32
    %dma_start3A_570 = tpu.memref_slice %arg6[%dma_start3A_567, %dma_start3A_568, %dma_start3A_569] : memref<2x128x256xf32, #tpu.memory_space<vmem>> -> memref<1x128x256xf32, #tpu.memory_space<vmem>>
    %dma_start3A_571 = tpu.memref_squeeze %dma_start3A_570 : memref<1x128x256xf32, #tpu.memory_space<vmem>> -> memref<128x256xf32, #tpu.memory_space<vmem>>
    %dma_start3A_572 = arith.constant 0 : i32
    %dma_start3A_573 = tpu.memref_slice %arg5[%dma_start3A_566, %dma_start3A_572] : memref<2x128xi32, #tpu.memory_space<vmem>> -> memref<1x128xi32, #tpu.memory_space<vmem>>
    %dma_start3A_574 = tpu.memref_squeeze %dma_start3A_573 : memref<1x128xi32, #tpu.memory_space<vmem>> -> memref<128xi32, #tpu.memory_space<vmem>>
    %dma_start3A_575 = arith.constant 0 : i32
    %dma_start3A_576 = arith.constant 0 : i32
    %dma_start3A_577 = tpu.memref_slice %arg2[%dma_start3A_575, %dma_start3A_576] : memref<4096x256xf32, #tpu.memory_space<hbm>> -> memref<4096x256xf32, #tpu.memory_space<hbm>>
    tpu.enqueue_indirect_dma source(%dma_start3A_577 : memref<4096x256xf32, #tpu.memory_space<hbm>>) target(%dma_start3A_571 : memref<128x256xf32, #tpu.memory_space<vmem>>) offsets(%dma_start3A_574 : memref<128xi32, #tpu.memory_space<vmem>>) semaphore(%arg7 : memref<!tpu.dma_semaphore, #tpu.memory_space<semaphore_mem>>)
    %dma_wait3A_578 = arith.constant 0 : i32
    %dma_wait3A_579 = arith.constant 0 : i32
    %dma_wait3A_580 = arith.constant 0 : i32
    %dma_wait3A_581 = arith.constant 0 : i32
    %dma_wait3A_582 = tpu.memref_slice %arg6[%dma_wait3A_579, %dma_wait3A_580, %dma_wait3A_581] : memref<2x128x256xf32, #tpu.memory_space<vmem>> -> memref<1x128x256xf32, #tpu.memory_space<vmem>>
    %dma_wait3A_583 = tpu.memref_squeeze %dma_wait3A_582 : memref<1x128x256xf32, #tpu.memory_space<vmem>> -> memref<128x256xf32, #tpu.memory_space<vmem>>
    %dma_wait3A_584 = arith.constant 0 : i32
    %dma_wait3A_585 = tpu.memref_slice %arg5[%dma_wait3A_578, %dma_wait3A_584] : memref<2x128xi32, #tpu.memory_space<vmem>> -> memref<1x128xi32, #tpu.memory_space<vmem>>
    %dma_wait3A_586 = tpu.memref_squeeze %dma_wait3A_585 : memref<1x128xi32, #tpu.memory_space<vmem>> -> memref<128xi32, #tpu.memory_space<vmem>>
    %dma_wait3A_587 = arith.constant 0 : i32
    %dma_wait3A_588 = arith.constant 0 : i32
    %dma_wait3A_589 = tpu.memref_slice %arg2[%dma_wait3A_587, %dma_wait3A_588] : memref<4096x256xf32, #tpu.memory_space<hbm>> -> memref<4096x256xf32, #tpu.memory_space<hbm>>
    tpu.wait_indirect_dma semaphore(%arg7 : memref<!tpu.dma_semaphore, #tpu.memory_space<semaphore_mem>>) src(%dma_wait3A_589 : memref<4096x256xf32, #tpu.memory_space<hbm>>) dst(%dma_wait3A_583 : memref<128x256xf32, #tpu.memory_space<vmem>>)
    %add3A_590 = arith.constant 1280 : i32
    %add3A_591 = arith.addi %mul3A_2, %add3A_590 : i32
    %dma_start3A_592 = arith.constant 0 : i32
    %dma_start3A_593 = arith.constant 0 : i32
    %dma_start3A_594 = arith.constant 0 : i32
    %dma_start3A_595 = tpu.memref_slice %arg6[%dma_start3A_592, %dma_start3A_593, %dma_start3A_594] : memref<2x128x256xf32, #tpu.memory_space<vmem>> -> memref<1x128x256xf32, #tpu.memory_space<vmem>>
    %dma_start3A_596 = tpu.memref_squeeze %dma_start3A_595 : memref<1x128x256xf32, #tpu.memory_space<vmem>> -> memref<128x256xf32, #tpu.memory_space<vmem>>
    %dma_start3A_597 = arith.constant 0 : i32
    %dma_start3A_598 = tpu.memref_slice %arg4[%add3A_591, %dma_start3A_597] : memref<49152x256xf32, #tpu.memory_space<hbm>> -> memref<128x256xf32, #tpu.memory_space<hbm>>
    %dma_start3A_599 = arith.constant 0 : i32
    %dma_start3A_600 = tpu.memref_slice %arg4[%add3A_591, %dma_start3A_599] : memref<49152x256xf32, #tpu.memory_space<hbm>> -> memref<128x256xf32, #tpu.memory_space<hbm>>
    %dma_start3A_601 = arith.constant 0 : i32
    %dma_start3A_602 = arith.constant 0 : i32
    %dma_start3A_603 = tpu.memref_slice %arg6[%dma_start3A_592, %dma_start3A_601, %dma_start3A_602] : memref<2x128x256xf32, #tpu.memory_space<vmem>> -> memref<1x128x256xf32, #tpu.memory_space<vmem>>
    %dma_start3A_604 = tpu.memref_squeeze %dma_start3A_603 : memref<1x128x256xf32, #tpu.memory_space<vmem>> -> memref<128x256xf32, #tpu.memory_space<vmem>>
    tpu.enqueue_dma source(%dma_start3A_604 : memref<128x256xf32, #tpu.memory_space<vmem>>) target(%dma_start3A_600 : memref<128x256xf32, #tpu.memory_space<hbm>>) target_semaphore(%arg8 : memref<!tpu.dma_semaphore, #tpu.memory_space<semaphore_mem>>)
    %dma_wait3A_605 = arith.constant 1 : i32
    %dma_wait3A_606 = arith.constant 1 : i32
    %dma_wait3A_607 = arith.constant 0 : i32
    %dma_wait3A_608 = arith.constant 0 : i32
    %dma_wait3A_609 = tpu.memref_slice %arg6[%dma_wait3A_606, %dma_wait3A_607, %dma_wait3A_608] : memref<2x128x256xf32, #tpu.memory_space<vmem>> -> memref<1x128x256xf32, #tpu.memory_space<vmem>>
    %dma_wait3A_610 = tpu.memref_squeeze %dma_wait3A_609 : memref<1x128x256xf32, #tpu.memory_space<vmem>> -> memref<128x256xf32, #tpu.memory_space<vmem>>
    %dma_wait3A_611 = arith.constant 0 : i32
    %dma_wait3A_612 = tpu.memref_slice %arg5[%dma_wait3A_605, %dma_wait3A_611] : memref<2x128xi32, #tpu.memory_space<vmem>> -> memref<1x128xi32, #tpu.memory_space<vmem>>
    %dma_wait3A_613 = tpu.memref_squeeze %dma_wait3A_612 : memref<1x128xi32, #tpu.memory_space<vmem>> -> memref<128xi32, #tpu.memory_space<vmem>>
    %dma_wait3A_614 = arith.constant 0 : i32
    %dma_wait3A_615 = arith.constant 0 : i32
    %dma_wait3A_616 = tpu.memref_slice %arg2[%dma_wait3A_614, %dma_wait3A_615] : memref<4096x256xf32, #tpu.memory_space<hbm>> -> memref<4096x256xf32, #tpu.memory_space<hbm>>
    tpu.wait_indirect_dma semaphore(%arg7 : memref<!tpu.dma_semaphore, #tpu.memory_space<semaphore_mem>>) src(%dma_wait3A_616 : memref<4096x256xf32, #tpu.memory_space<hbm>>) dst(%dma_wait3A_610 : memref<128x256xf32, #tpu.memory_space<vmem>>)
    %add3A_617 = arith.constant 1408 : i32
    %add3A_618 = arith.addi %mul3A_2, %add3A_617 : i32
    %dma_start3A_619 = arith.constant 1 : i32
    %dma_start3A_620 = arith.constant 0 : i32
    %dma_start3A_621 = arith.constant 0 : i32
    %dma_start3A_622 = tpu.memref_slice %arg6[%dma_start3A_619, %dma_start3A_620, %dma_start3A_621] : memref<2x128x256xf32, #tpu.memory_space<vmem>> -> memref<1x128x256xf32, #tpu.memory_space<vmem>>
    %dma_start3A_623 = tpu.memref_squeeze %dma_start3A_622 : memref<1x128x256xf32, #tpu.memory_space<vmem>> -> memref<128x256xf32, #tpu.memory_space<vmem>>
    %dma_start3A_624 = arith.constant 0 : i32
    %dma_start3A_625 = tpu.memref_slice %arg4[%add3A_618, %dma_start3A_624] : memref<49152x256xf32, #tpu.memory_space<hbm>> -> memref<128x256xf32, #tpu.memory_space<hbm>>
    %dma_start3A_626 = arith.constant 0 : i32
    %dma_start3A_627 = tpu.memref_slice %arg4[%add3A_618, %dma_start3A_626] : memref<49152x256xf32, #tpu.memory_space<hbm>> -> memref<128x256xf32, #tpu.memory_space<hbm>>
    %dma_start3A_628 = arith.constant 0 : i32
    %dma_start3A_629 = arith.constant 0 : i32
    %dma_start3A_630 = tpu.memref_slice %arg6[%dma_start3A_619, %dma_start3A_628, %dma_start3A_629] : memref<2x128x256xf32, #tpu.memory_space<vmem>> -> memref<1x128x256xf32, #tpu.memory_space<vmem>>
    %dma_start3A_631 = tpu.memref_squeeze %dma_start3A_630 : memref<1x128x256xf32, #tpu.memory_space<vmem>> -> memref<128x256xf32, #tpu.memory_space<vmem>>
    tpu.enqueue_dma source(%dma_start3A_631 : memref<128x256xf32, #tpu.memory_space<vmem>>) target(%dma_start3A_627 : memref<128x256xf32, #tpu.memory_space<hbm>>) target_semaphore(%arg8 : memref<!tpu.dma_semaphore, #tpu.memory_space<semaphore_mem>>)
    %dma_wait3A_632 = arith.constant 0 : i32
    %dma_wait3A_633 = arith.constant 0 : i32
    %dma_wait3A_634 = arith.constant 0 : i32
    %dma_wait3A_635 = tpu.memref_slice %arg6[%dma_wait3A_632, %dma_wait3A_633, %dma_wait3A_634] : memref<2x128x256xf32, #tpu.memory_space<vmem>> -> memref<1x128x256xf32, #tpu.memory_space<vmem>>
    %dma_wait3A_636 = tpu.memref_squeeze %dma_wait3A_635 : memref<1x128x256xf32, #tpu.memory_space<vmem>> -> memref<128x256xf32, #tpu.memory_space<vmem>>
    %dma_wait3A_637 = arith.constant 0 : i32
    %dma_wait3A_638 = tpu.memref_slice %arg4[%add3A_591, %dma_wait3A_637] : memref<49152x256xf32, #tpu.memory_space<hbm>> -> memref<128x256xf32, #tpu.memory_space<hbm>>
    %dma_wait3A_639 = arith.constant 0 : i32
    %dma_wait3A_640 = tpu.memref_slice %arg4[%add3A_591, %dma_wait3A_639] : memref<49152x256xf32, #tpu.memory_space<hbm>> -> memref<128x256xf32, #tpu.memory_space<hbm>>
    %dma_wait3A_641 = arith.constant 0 : i32
    %dma_wait3A_642 = arith.constant 0 : i32
    %dma_wait3A_643 = tpu.memref_slice %arg6[%dma_wait3A_632, %dma_wait3A_641, %dma_wait3A_642] : memref<2x128x256xf32, #tpu.memory_space<vmem>> -> memref<1x128x256xf32, #tpu.memory_space<vmem>>
    %dma_wait3A_644 = tpu.memref_squeeze %dma_wait3A_643 : memref<1x128x256xf32, #tpu.memory_space<vmem>> -> memref<128x256xf32, #tpu.memory_space<vmem>>
    tpu.wait_dma2 semaphore(%arg8 : memref<!tpu.dma_semaphore, #tpu.memory_space<semaphore_mem>>) src(%dma_wait3A_644 : memref<128x256xf32, #tpu.memory_space<vmem>>) dst(%dma_wait3A_640 : memref<128x256xf32, #tpu.memory_space<hbm>>)
    %dma_wait3A_645 = arith.constant 1 : i32
    %dma_wait3A_646 = arith.constant 0 : i32
    %dma_wait3A_647 = arith.constant 0 : i32
    %dma_wait3A_648 = tpu.memref_slice %arg6[%dma_wait3A_645, %dma_wait3A_646, %dma_wait3A_647] : memref<2x128x256xf32, #tpu.memory_space<vmem>> -> memref<1x128x256xf32, #tpu.memory_space<vmem>>
    %dma_wait3A_649 = tpu.memref_squeeze %dma_wait3A_648 : memref<1x128x256xf32, #tpu.memory_space<vmem>> -> memref<128x256xf32, #tpu.memory_space<vmem>>
    %dma_wait3A_650 = arith.constant 0 : i32
    %dma_wait3A_651 = tpu.memref_slice %arg4[%add3A_618, %dma_wait3A_650] : memref<49152x256xf32, #tpu.memory_space<hbm>> -> memref<128x256xf32, #tpu.memory_space<hbm>>
    %dma_wait3A_652 = arith.constant 0 : i32
    %dma_wait3A_653 = tpu.memref_slice %arg4[%add3A_618, %dma_wait3A_652] : memref<49152x256xf32, #tpu.memory_space<hbm>> -> memref<128x256xf32, #tpu.memory_space<hbm>>
    %dma_wait3A_654 = arith.constant 0 : i32
    %dma_wait3A_655 = arith.constant 0 : i32
    %dma_wait3A_656 = tpu.memref_slice %arg6[%dma_wait3A_645, %dma_wait3A_654, %dma_wait3A_655] : memref<2x128x256xf32, #tpu.memory_space<vmem>> -> memref<1x128x256xf32, #tpu.memory_space<vmem>>
    %dma_wait3A_657 = tpu.memref_squeeze %dma_wait3A_656 : memref<1x128x256xf32, #tpu.memory_space<vmem>> -> memref<128x256xf32, #tpu.memory_space<vmem>>
    tpu.wait_dma2 semaphore(%arg8 : memref<!tpu.dma_semaphore, #tpu.memory_space<semaphore_mem>>) src(%dma_wait3A_657 : memref<128x256xf32, #tpu.memory_space<vmem>>) dst(%dma_wait3A_653 : memref<128x256xf32, #tpu.memory_space<hbm>>)
    return
  }
}

module attributes {stable_mosaic.version = 14 : i64} {
  func.func @_knn_body(%arg0: i32, %arg1: memref<1024x4xf32, #tpu.memory_space<vmem>>, %arg2: memref<4x4096xf32, #tpu.memory_space<vmem>>, %arg3: memref<1024x3xi32, #tpu.memory_space<vmem>>, %arg4: memref<1024x3xf32, #tpu.memory_space<vmem>>) attributes {dimension_semantics = [#tpu.dimension_semantics<arbitrary>], iteration_bounds = array<i64: 16>, scalar_prefetch = 0 : i64, scratch_operands = 0 : i64, tpu.core_type = #tpu.core_type<tc>, window_params = [{transform_indices = @transform_0, window_bounds = array<i64: 1024, 4>}, {pipeline_mode = #tpu.pipeline_mode<synchronous>, transform_indices = @transform_1, window_bounds = array<i64: 4, 4096>}, {transform_indices = @transform_2, window_bounds = array<i64: 1024, 3>}, {transform_indices = @transform_3, window_bounds = array<i64: 1024, 3>}]} {
    %get3A = arith.constant 0 : index
    %get3A_0 = arith.constant 0 : index
    %get3A_1 = vector.load %arg1[%get3A, %get3A_0] : memref<1024x4xf32, #tpu.memory_space<vmem>>, vector<1024x4xf32>
    %slice3A = vector.extract_strided_slice %get3A_1 {offsets = [0, 0], sizes = [1024, 3], strides = [1, 1]} : vector<1024x4xf32> to vector<1024x3xf32>
    %get3A_2 = arith.constant 0 : index
    %get3A_3 = arith.constant 0 : index
    %get3A_4 = vector.load %arg2[%get3A_2, %get3A_3] : memref<4x4096xf32, #tpu.memory_space<vmem>>, vector<4x4096xf32>
    %slice3A_5 = vector.extract_strided_slice %get3A_4 {offsets = [0, 0], sizes = [3, 4096], strides = [1, 1]} : vector<4x4096xf32> to vector<3x4096xf32>
    %get3A_6 = arith.constant 0 : index
    %get3A_7 = arith.constant 0 : index
    %get3A_8 = vector.load %arg2[%get3A_6, %get3A_7] : memref<4x4096xf32, #tpu.memory_space<vmem>>, vector<4x4096xf32>
    %slice3A_9 = vector.extract_strided_slice %get3A_8 {offsets = [3, 0], sizes = [1, 4096], strides = [1, 1]} : vector<4x4096xf32> to vector<1x4096xf32>
    %dot_general3A = arith.constant dense<0.000000e+00> : vector<1024x4096xf32>
    %dot_general3A_10 = tpu.matmul %slice3A, %slice3A_5, %dot_general3A {dimension_numbers = #tpu.dot_dimension_numbers<[1], [0], [0], [1], [0, 0, 1, 1], [], []>, transpose_lhs_hint = false} : vector<1024x3xf32>, vector<3x4096xf32>, vector<1024x4096xf32> -> vector<1024x4096xf32>
    %mul3A = arith.mulf %slice3A, %slice3A : vector<1024x3xf32>
    %reduce_sum3A = arith.constant dense<0.000000e+00> : vector<1024xf32>
    %reduce_sum3A_11 = vector.multi_reduction <add>, %mul3A, %reduce_sum3A [1] : vector<1024x3xf32> to vector<1024xf32>
    %broadcast_in_dim3A = vector.shape_cast %reduce_sum3A_11 : vector<1024xf32> to vector<1024x1xf32>
    %iota3A = tpu.iota {dimensions = array<i32: 1>} : vector<1024x256xi32>
    %slice3A_12 = vector.extract_strided_slice %dot_general3A_10 {offsets = [0, 0], sizes = [1024, 256], strides = [1, 1]} : vector<1024x4096xf32> to vector<1024x256xf32>
    %slice3A_13 = vector.extract_strided_slice %slice3A_9 {offsets = [0, 0], sizes = [1, 256], strides = [1, 1]} : vector<1x4096xf32> to vector<1x256xf32>
    %add3A = vector.broadcast %slice3A_13 : vector<1x256xf32> to vector<1024x256xf32>
    %add3A_14 = arith.addf %slice3A_12, %add3A : vector<1024x256xf32>
    %add3A_15 = vector.broadcast %broadcast_in_dim3A : vector<1024x1xf32> to vector<1024x256xf32>
    %add3A_16 = arith.addf %add3A_14, %add3A_15 : vector<1024x256xf32>
    %bitcast_convert_type3A = tpu.bitcast %add3A_16 : vector<1024x256xf32> -> vector<1024x256xi32>
    %and3A = arith.constant -16 : i32
    %and3A_17 = vector.broadcast %and3A : i32 to vector<1024x256xi32>
    %and3A_18 = arith.andi %bitcast_convert_type3A, %and3A_17 : vector<1024x256xi32>
    %or3A = arith.constant 0 : i32
    %or3A_19 = vector.broadcast %or3A : i32 to vector<1024x256xi32>
    %or3A_20 = arith.ori %and3A_18, %or3A_19 : vector<1024x256xi32>
    %bitcast_convert_type3A_21 = tpu.bitcast %or3A_20 : vector<1024x256xi32> -> vector<1024x256xf32>
    %broadcast_in_dim3A_22 = arith.constant 0x7F800000 : f32
    %broadcast_in_dim3A_23 = vector.broadcast %broadcast_in_dim3A_22 : f32 to vector<1024x256xf32>
    %slice3A_24 = vector.extract_strided_slice %dot_general3A_10 {offsets = [0, 256], sizes = [1024, 256], strides = [1, 1]} : vector<1024x4096xf32> to vector<1024x256xf32>
    %slice3A_25 = vector.extract_strided_slice %slice3A_9 {offsets = [0, 256], sizes = [1, 256], strides = [1, 1]} : vector<1x4096xf32> to vector<1x256xf32>
    %add3A_26 = vector.broadcast %slice3A_25 : vector<1x256xf32> to vector<1024x256xf32>
    %add3A_27 = arith.addf %slice3A_24, %add3A_26 : vector<1024x256xf32>
    %add3A_28 = vector.broadcast %broadcast_in_dim3A : vector<1024x1xf32> to vector<1024x256xf32>
    %add3A_29 = arith.addf %add3A_27, %add3A_28 : vector<1024x256xf32>
    %bitcast_convert_type3A_30 = tpu.bitcast %add3A_29 : vector<1024x256xf32> -> vector<1024x256xi32>
    %and3A_31 = arith.constant -16 : i32
    %and3A_32 = vector.broadcast %and3A_31 : i32 to vector<1024x256xi32>
    %and3A_33 = arith.andi %bitcast_convert_type3A_30, %and3A_32 : vector<1024x256xi32>
    %or3A_34 = arith.constant 1 : i32
    %or3A_35 = vector.broadcast %or3A_34 : i32 to vector<1024x256xi32>
    %or3A_36 = arith.ori %and3A_33, %or3A_35 : vector<1024x256xi32>
    %bitcast_convert_type3A_37 = tpu.bitcast %or3A_36 : vector<1024x256xi32> -> vector<1024x256xf32>
    %max3A = arith.maximumf %bitcast_convert_type3A_37, %bitcast_convert_type3A_21 : vector<1024x256xf32>
    %min3A = arith.minimumf %bitcast_convert_type3A_37, %bitcast_convert_type3A_21 : vector<1024x256xf32>
    %max3A_38 = arith.maximumf %max3A, %broadcast_in_dim3A_23 : vector<1024x256xf32>
    %min3A_39 = arith.minimumf %max3A, %broadcast_in_dim3A_23 : vector<1024x256xf32>
    %min3A_40 = arith.minimumf %max3A_38, %broadcast_in_dim3A_23 : vector<1024x256xf32>
    %slice3A_41 = vector.extract_strided_slice %dot_general3A_10 {offsets = [0, 512], sizes = [1024, 256], strides = [1, 1]} : vector<1024x4096xf32> to vector<1024x256xf32>
    %slice3A_42 = vector.extract_strided_slice %slice3A_9 {offsets = [0, 512], sizes = [1, 256], strides = [1, 1]} : vector<1x4096xf32> to vector<1x256xf32>
    %add3A_43 = vector.broadcast %slice3A_42 : vector<1x256xf32> to vector<1024x256xf32>
    %add3A_44 = arith.addf %slice3A_41, %add3A_43 : vector<1024x256xf32>
    %add3A_45 = vector.broadcast %broadcast_in_dim3A : vector<1024x1xf32> to vector<1024x256xf32>
    %add3A_46 = arith.addf %add3A_44, %add3A_45 : vector<1024x256xf32>
    %bitcast_convert_type3A_47 = tpu.bitcast %add3A_46 : vector<1024x256xf32> -> vector<1024x256xi32>
    %and3A_48 = arith.constant -16 : i32
    %and3A_49 = vector.broadcast %and3A_48 : i32 to vector<1024x256xi32>
    %and3A_50 = arith.andi %bitcast_convert_type3A_47, %and3A_49 : vector<1024x256xi32>
    %or3A_51 = arith.constant 2 : i32
    %or3A_52 = vector.broadcast %or3A_51 : i32 to vector<1024x256xi32>
    %or3A_53 = arith.ori %and3A_50, %or3A_52 : vector<1024x256xi32>
    %bitcast_convert_type3A_54 = tpu.bitcast %or3A_53 : vector<1024x256xi32> -> vector<1024x256xf32>
    %max3A_55 = arith.maximumf %bitcast_convert_type3A_54, %min3A : vector<1024x256xf32>
    %min3A_56 = arith.minimumf %bitcast_convert_type3A_54, %min3A : vector<1024x256xf32>
    %max3A_57 = arith.maximumf %max3A_55, %min3A_39 : vector<1024x256xf32>
    %min3A_58 = arith.minimumf %max3A_55, %min3A_39 : vector<1024x256xf32>
    %min3A_59 = arith.minimumf %max3A_57, %min3A_40 : vector<1024x256xf32>
    %slice3A_60 = vector.extract_strided_slice %dot_general3A_10 {offsets = [0, 768], sizes = [1024, 256], strides = [1, 1]} : vector<1024x4096xf32> to vector<1024x256xf32>
    %slice3A_61 = vector.extract_strided_slice %slice3A_9 {offsets = [0, 768], sizes = [1, 256], strides = [1, 1]} : vector<1x4096xf32> to vector<1x256xf32>
    %add3A_62 = vector.broadcast %slice3A_61 : vector<1x256xf32> to vector<1024x256xf32>
    %add3A_63 = arith.addf %slice3A_60, %add3A_62 : vector<1024x256xf32>
    %add3A_64 = vector.broadcast %broadcast_in_dim3A : vector<1024x1xf32> to vector<1024x256xf32>
    %add3A_65 = arith.addf %add3A_63, %add3A_64 : vector<1024x256xf32>
    %bitcast_convert_type3A_66 = tpu.bitcast %add3A_65 : vector<1024x256xf32> -> vector<1024x256xi32>
    %and3A_67 = arith.constant -16 : i32
    %and3A_68 = vector.broadcast %and3A_67 : i32 to vector<1024x256xi32>
    %and3A_69 = arith.andi %bitcast_convert_type3A_66, %and3A_68 : vector<1024x256xi32>
    %or3A_70 = arith.constant 3 : i32
    %or3A_71 = vector.broadcast %or3A_70 : i32 to vector<1024x256xi32>
    %or3A_72 = arith.ori %and3A_69, %or3A_71 : vector<1024x256xi32>
    %bitcast_convert_type3A_73 = tpu.bitcast %or3A_72 : vector<1024x256xi32> -> vector<1024x256xf32>
    %max3A_74 = arith.maximumf %bitcast_convert_type3A_73, %min3A_56 : vector<1024x256xf32>
    %min3A_75 = arith.minimumf %bitcast_convert_type3A_73, %min3A_56 : vector<1024x256xf32>
    %max3A_76 = arith.maximumf %max3A_74, %min3A_58 : vector<1024x256xf32>
    %min3A_77 = arith.minimumf %max3A_74, %min3A_58 : vector<1024x256xf32>
    %min3A_78 = arith.minimumf %max3A_76, %min3A_59 : vector<1024x256xf32>
    %slice3A_79 = vector.extract_strided_slice %dot_general3A_10 {offsets = [0, 1024], sizes = [1024, 256], strides = [1, 1]} : vector<1024x4096xf32> to vector<1024x256xf32>
    %slice3A_80 = vector.extract_strided_slice %slice3A_9 {offsets = [0, 1024], sizes = [1, 256], strides = [1, 1]} : vector<1x4096xf32> to vector<1x256xf32>
    %add3A_81 = vector.broadcast %slice3A_80 : vector<1x256xf32> to vector<1024x256xf32>
    %add3A_82 = arith.addf %slice3A_79, %add3A_81 : vector<1024x256xf32>
    %add3A_83 = vector.broadcast %broadcast_in_dim3A : vector<1024x1xf32> to vector<1024x256xf32>
    %add3A_84 = arith.addf %add3A_82, %add3A_83 : vector<1024x256xf32>
    %bitcast_convert_type3A_85 = tpu.bitcast %add3A_84 : vector<1024x256xf32> -> vector<1024x256xi32>
    %and3A_86 = arith.constant -16 : i32
    %and3A_87 = vector.broadcast %and3A_86 : i32 to vector<1024x256xi32>
    %and3A_88 = arith.andi %bitcast_convert_type3A_85, %and3A_87 : vector<1024x256xi32>
    %or3A_89 = arith.constant 4 : i32
    %or3A_90 = vector.broadcast %or3A_89 : i32 to vector<1024x256xi32>
    %or3A_91 = arith.ori %and3A_88, %or3A_90 : vector<1024x256xi32>
    %bitcast_convert_type3A_92 = tpu.bitcast %or3A_91 : vector<1024x256xi32> -> vector<1024x256xf32>
    %max3A_93 = arith.maximumf %bitcast_convert_type3A_92, %min3A_75 : vector<1024x256xf32>
    %min3A_94 = arith.minimumf %bitcast_convert_type3A_92, %min3A_75 : vector<1024x256xf32>
    %max3A_95 = arith.maximumf %max3A_93, %min3A_77 : vector<1024x256xf32>
    %min3A_96 = arith.minimumf %max3A_93, %min3A_77 : vector<1024x256xf32>
    %min3A_97 = arith.minimumf %max3A_95, %min3A_78 : vector<1024x256xf32>
    %slice3A_98 = vector.extract_strided_slice %dot_general3A_10 {offsets = [0, 1280], sizes = [1024, 256], strides = [1, 1]} : vector<1024x4096xf32> to vector<1024x256xf32>
    %slice3A_99 = vector.extract_strided_slice %slice3A_9 {offsets = [0, 1280], sizes = [1, 256], strides = [1, 1]} : vector<1x4096xf32> to vector<1x256xf32>
    %add3A_100 = vector.broadcast %slice3A_99 : vector<1x256xf32> to vector<1024x256xf32>
    %add3A_101 = arith.addf %slice3A_98, %add3A_100 : vector<1024x256xf32>
    %add3A_102 = vector.broadcast %broadcast_in_dim3A : vector<1024x1xf32> to vector<1024x256xf32>
    %add3A_103 = arith.addf %add3A_101, %add3A_102 : vector<1024x256xf32>
    %bitcast_convert_type3A_104 = tpu.bitcast %add3A_103 : vector<1024x256xf32> -> vector<1024x256xi32>
    %and3A_105 = arith.constant -16 : i32
    %and3A_106 = vector.broadcast %and3A_105 : i32 to vector<1024x256xi32>
    %and3A_107 = arith.andi %bitcast_convert_type3A_104, %and3A_106 : vector<1024x256xi32>
    %or3A_108 = arith.constant 5 : i32
    %or3A_109 = vector.broadcast %or3A_108 : i32 to vector<1024x256xi32>
    %or3A_110 = arith.ori %and3A_107, %or3A_109 : vector<1024x256xi32>
    %bitcast_convert_type3A_111 = tpu.bitcast %or3A_110 : vector<1024x256xi32> -> vector<1024x256xf32>
    %max3A_112 = arith.maximumf %bitcast_convert_type3A_111, %min3A_94 : vector<1024x256xf32>
    %min3A_113 = arith.minimumf %bitcast_convert_type3A_111, %min3A_94 : vector<1024x256xf32>
    %max3A_114 = arith.maximumf %max3A_112, %min3A_96 : vector<1024x256xf32>
    %min3A_115 = arith.minimumf %max3A_112, %min3A_96 : vector<1024x256xf32>
    %min3A_116 = arith.minimumf %max3A_114, %min3A_97 : vector<1024x256xf32>
    %slice3A_117 = vector.extract_strided_slice %dot_general3A_10 {offsets = [0, 1536], sizes = [1024, 256], strides = [1, 1]} : vector<1024x4096xf32> to vector<1024x256xf32>
    %slice3A_118 = vector.extract_strided_slice %slice3A_9 {offsets = [0, 1536], sizes = [1, 256], strides = [1, 1]} : vector<1x4096xf32> to vector<1x256xf32>
    %add3A_119 = vector.broadcast %slice3A_118 : vector<1x256xf32> to vector<1024x256xf32>
    %add3A_120 = arith.addf %slice3A_117, %add3A_119 : vector<1024x256xf32>
    %add3A_121 = vector.broadcast %broadcast_in_dim3A : vector<1024x1xf32> to vector<1024x256xf32>
    %add3A_122 = arith.addf %add3A_120, %add3A_121 : vector<1024x256xf32>
    %bitcast_convert_type3A_123 = tpu.bitcast %add3A_122 : vector<1024x256xf32> -> vector<1024x256xi32>
    %and3A_124 = arith.constant -16 : i32
    %and3A_125 = vector.broadcast %and3A_124 : i32 to vector<1024x256xi32>
    %and3A_126 = arith.andi %bitcast_convert_type3A_123, %and3A_125 : vector<1024x256xi32>
    %or3A_127 = arith.constant 6 : i32
    %or3A_128 = vector.broadcast %or3A_127 : i32 to vector<1024x256xi32>
    %or3A_129 = arith.ori %and3A_126, %or3A_128 : vector<1024x256xi32>
    %bitcast_convert_type3A_130 = tpu.bitcast %or3A_129 : vector<1024x256xi32> -> vector<1024x256xf32>
    %max3A_131 = arith.maximumf %bitcast_convert_type3A_130, %min3A_113 : vector<1024x256xf32>
    %min3A_132 = arith.minimumf %bitcast_convert_type3A_130, %min3A_113 : vector<1024x256xf32>
    %max3A_133 = arith.maximumf %max3A_131, %min3A_115 : vector<1024x256xf32>
    %min3A_134 = arith.minimumf %max3A_131, %min3A_115 : vector<1024x256xf32>
    %min3A_135 = arith.minimumf %max3A_133, %min3A_116 : vector<1024x256xf32>
    %slice3A_136 = vector.extract_strided_slice %dot_general3A_10 {offsets = [0, 1792], sizes = [1024, 256], strides = [1, 1]} : vector<1024x4096xf32> to vector<1024x256xf32>
    %slice3A_137 = vector.extract_strided_slice %slice3A_9 {offsets = [0, 1792], sizes = [1, 256], strides = [1, 1]} : vector<1x4096xf32> to vector<1x256xf32>
    %add3A_138 = vector.broadcast %slice3A_137 : vector<1x256xf32> to vector<1024x256xf32>
    %add3A_139 = arith.addf %slice3A_136, %add3A_138 : vector<1024x256xf32>
    %add3A_140 = vector.broadcast %broadcast_in_dim3A : vector<1024x1xf32> to vector<1024x256xf32>
    %add3A_141 = arith.addf %add3A_139, %add3A_140 : vector<1024x256xf32>
    %bitcast_convert_type3A_142 = tpu.bitcast %add3A_141 : vector<1024x256xf32> -> vector<1024x256xi32>
    %and3A_143 = arith.constant -16 : i32
    %and3A_144 = vector.broadcast %and3A_143 : i32 to vector<1024x256xi32>
    %and3A_145 = arith.andi %bitcast_convert_type3A_142, %and3A_144 : vector<1024x256xi32>
    %or3A_146 = arith.constant 7 : i32
    %or3A_147 = vector.broadcast %or3A_146 : i32 to vector<1024x256xi32>
    %or3A_148 = arith.ori %and3A_145, %or3A_147 : vector<1024x256xi32>
    %bitcast_convert_type3A_149 = tpu.bitcast %or3A_148 : vector<1024x256xi32> -> vector<1024x256xf32>
    %max3A_150 = arith.maximumf %bitcast_convert_type3A_149, %min3A_132 : vector<1024x256xf32>
    %min3A_151 = arith.minimumf %bitcast_convert_type3A_149, %min3A_132 : vector<1024x256xf32>
    %max3A_152 = arith.maximumf %max3A_150, %min3A_134 : vector<1024x256xf32>
    %min3A_153 = arith.minimumf %max3A_150, %min3A_134 : vector<1024x256xf32>
    %min3A_154 = arith.minimumf %max3A_152, %min3A_135 : vector<1024x256xf32>
    %slice3A_155 = vector.extract_strided_slice %dot_general3A_10 {offsets = [0, 2048], sizes = [1024, 256], strides = [1, 1]} : vector<1024x4096xf32> to vector<1024x256xf32>
    %slice3A_156 = vector.extract_strided_slice %slice3A_9 {offsets = [0, 2048], sizes = [1, 256], strides = [1, 1]} : vector<1x4096xf32> to vector<1x256xf32>
    %add3A_157 = vector.broadcast %slice3A_156 : vector<1x256xf32> to vector<1024x256xf32>
    %add3A_158 = arith.addf %slice3A_155, %add3A_157 : vector<1024x256xf32>
    %add3A_159 = vector.broadcast %broadcast_in_dim3A : vector<1024x1xf32> to vector<1024x256xf32>
    %add3A_160 = arith.addf %add3A_158, %add3A_159 : vector<1024x256xf32>
    %bitcast_convert_type3A_161 = tpu.bitcast %add3A_160 : vector<1024x256xf32> -> vector<1024x256xi32>
    %and3A_162 = arith.constant -16 : i32
    %and3A_163 = vector.broadcast %and3A_162 : i32 to vector<1024x256xi32>
    %and3A_164 = arith.andi %bitcast_convert_type3A_161, %and3A_163 : vector<1024x256xi32>
    %or3A_165 = arith.constant 8 : i32
    %or3A_166 = vector.broadcast %or3A_165 : i32 to vector<1024x256xi32>
    %or3A_167 = arith.ori %and3A_164, %or3A_166 : vector<1024x256xi32>
    %bitcast_convert_type3A_168 = tpu.bitcast %or3A_167 : vector<1024x256xi32> -> vector<1024x256xf32>
    %max3A_169 = arith.maximumf %bitcast_convert_type3A_168, %min3A_151 : vector<1024x256xf32>
    %min3A_170 = arith.minimumf %bitcast_convert_type3A_168, %min3A_151 : vector<1024x256xf32>
    %max3A_171 = arith.maximumf %max3A_169, %min3A_153 : vector<1024x256xf32>
    %min3A_172 = arith.minimumf %max3A_169, %min3A_153 : vector<1024x256xf32>
    %min3A_173 = arith.minimumf %max3A_171, %min3A_154 : vector<1024x256xf32>
    %slice3A_174 = vector.extract_strided_slice %dot_general3A_10 {offsets = [0, 2304], sizes = [1024, 256], strides = [1, 1]} : vector<1024x4096xf32> to vector<1024x256xf32>
    %slice3A_175 = vector.extract_strided_slice %slice3A_9 {offsets = [0, 2304], sizes = [1, 256], strides = [1, 1]} : vector<1x4096xf32> to vector<1x256xf32>
    %add3A_176 = vector.broadcast %slice3A_175 : vector<1x256xf32> to vector<1024x256xf32>
    %add3A_177 = arith.addf %slice3A_174, %add3A_176 : vector<1024x256xf32>
    %add3A_178 = vector.broadcast %broadcast_in_dim3A : vector<1024x1xf32> to vector<1024x256xf32>
    %add3A_179 = arith.addf %add3A_177, %add3A_178 : vector<1024x256xf32>
    %bitcast_convert_type3A_180 = tpu.bitcast %add3A_179 : vector<1024x256xf32> -> vector<1024x256xi32>
    %and3A_181 = arith.constant -16 : i32
    %and3A_182 = vector.broadcast %and3A_181 : i32 to vector<1024x256xi32>
    %and3A_183 = arith.andi %bitcast_convert_type3A_180, %and3A_182 : vector<1024x256xi32>
    %or3A_184 = arith.constant 9 : i32
    %or3A_185 = vector.broadcast %or3A_184 : i32 to vector<1024x256xi32>
    %or3A_186 = arith.ori %and3A_183, %or3A_185 : vector<1024x256xi32>
    %bitcast_convert_type3A_187 = tpu.bitcast %or3A_186 : vector<1024x256xi32> -> vector<1024x256xf32>
    %max3A_188 = arith.maximumf %bitcast_convert_type3A_187, %min3A_170 : vector<1024x256xf32>
    %min3A_189 = arith.minimumf %bitcast_convert_type3A_187, %min3A_170 : vector<1024x256xf32>
    %max3A_190 = arith.maximumf %max3A_188, %min3A_172 : vector<1024x256xf32>
    %min3A_191 = arith.minimumf %max3A_188, %min3A_172 : vector<1024x256xf32>
    %min3A_192 = arith.minimumf %max3A_190, %min3A_173 : vector<1024x256xf32>
    %slice3A_193 = vector.extract_strided_slice %dot_general3A_10 {offsets = [0, 2560], sizes = [1024, 256], strides = [1, 1]} : vector<1024x4096xf32> to vector<1024x256xf32>
    %slice3A_194 = vector.extract_strided_slice %slice3A_9 {offsets = [0, 2560], sizes = [1, 256], strides = [1, 1]} : vector<1x4096xf32> to vector<1x256xf32>
    %add3A_195 = vector.broadcast %slice3A_194 : vector<1x256xf32> to vector<1024x256xf32>
    %add3A_196 = arith.addf %slice3A_193, %add3A_195 : vector<1024x256xf32>
    %add3A_197 = vector.broadcast %broadcast_in_dim3A : vector<1024x1xf32> to vector<1024x256xf32>
    %add3A_198 = arith.addf %add3A_196, %add3A_197 : vector<1024x256xf32>
    %bitcast_convert_type3A_199 = tpu.bitcast %add3A_198 : vector<1024x256xf32> -> vector<1024x256xi32>
    %and3A_200 = arith.constant -16 : i32
    %and3A_201 = vector.broadcast %and3A_200 : i32 to vector<1024x256xi32>
    %and3A_202 = arith.andi %bitcast_convert_type3A_199, %and3A_201 : vector<1024x256xi32>
    %or3A_203 = arith.constant 10 : i32
    %or3A_204 = vector.broadcast %or3A_203 : i32 to vector<1024x256xi32>
    %or3A_205 = arith.ori %and3A_202, %or3A_204 : vector<1024x256xi32>
    %bitcast_convert_type3A_206 = tpu.bitcast %or3A_205 : vector<1024x256xi32> -> vector<1024x256xf32>
    %max3A_207 = arith.maximumf %bitcast_convert_type3A_206, %min3A_189 : vector<1024x256xf32>
    %min3A_208 = arith.minimumf %bitcast_convert_type3A_206, %min3A_189 : vector<1024x256xf32>
    %max3A_209 = arith.maximumf %max3A_207, %min3A_191 : vector<1024x256xf32>
    %min3A_210 = arith.minimumf %max3A_207, %min3A_191 : vector<1024x256xf32>
    %min3A_211 = arith.minimumf %max3A_209, %min3A_192 : vector<1024x256xf32>
    %slice3A_212 = vector.extract_strided_slice %dot_general3A_10 {offsets = [0, 2816], sizes = [1024, 256], strides = [1, 1]} : vector<1024x4096xf32> to vector<1024x256xf32>
    %slice3A_213 = vector.extract_strided_slice %slice3A_9 {offsets = [0, 2816], sizes = [1, 256], strides = [1, 1]} : vector<1x4096xf32> to vector<1x256xf32>
    %add3A_214 = vector.broadcast %slice3A_213 : vector<1x256xf32> to vector<1024x256xf32>
    %add3A_215 = arith.addf %slice3A_212, %add3A_214 : vector<1024x256xf32>
    %add3A_216 = vector.broadcast %broadcast_in_dim3A : vector<1024x1xf32> to vector<1024x256xf32>
    %add3A_217 = arith.addf %add3A_215, %add3A_216 : vector<1024x256xf32>
    %bitcast_convert_type3A_218 = tpu.bitcast %add3A_217 : vector<1024x256xf32> -> vector<1024x256xi32>
    %and3A_219 = arith.constant -16 : i32
    %and3A_220 = vector.broadcast %and3A_219 : i32 to vector<1024x256xi32>
    %and3A_221 = arith.andi %bitcast_convert_type3A_218, %and3A_220 : vector<1024x256xi32>
    %or3A_222 = arith.constant 11 : i32
    %or3A_223 = vector.broadcast %or3A_222 : i32 to vector<1024x256xi32>
    %or3A_224 = arith.ori %and3A_221, %or3A_223 : vector<1024x256xi32>
    %bitcast_convert_type3A_225 = tpu.bitcast %or3A_224 : vector<1024x256xi32> -> vector<1024x256xf32>
    %max3A_226 = arith.maximumf %bitcast_convert_type3A_225, %min3A_208 : vector<1024x256xf32>
    %min3A_227 = arith.minimumf %bitcast_convert_type3A_225, %min3A_208 : vector<1024x256xf32>
    %max3A_228 = arith.maximumf %max3A_226, %min3A_210 : vector<1024x256xf32>
    %min3A_229 = arith.minimumf %max3A_226, %min3A_210 : vector<1024x256xf32>
    %min3A_230 = arith.minimumf %max3A_228, %min3A_211 : vector<1024x256xf32>
    %slice3A_231 = vector.extract_strided_slice %dot_general3A_10 {offsets = [0, 3072], sizes = [1024, 256], strides = [1, 1]} : vector<1024x4096xf32> to vector<1024x256xf32>
    %slice3A_232 = vector.extract_strided_slice %slice3A_9 {offsets = [0, 3072], sizes = [1, 256], strides = [1, 1]} : vector<1x4096xf32> to vector<1x256xf32>
    %add3A_233 = vector.broadcast %slice3A_232 : vector<1x256xf32> to vector<1024x256xf32>
    %add3A_234 = arith.addf %slice3A_231, %add3A_233 : vector<1024x256xf32>
    %add3A_235 = vector.broadcast %broadcast_in_dim3A : vector<1024x1xf32> to vector<1024x256xf32>
    %add3A_236 = arith.addf %add3A_234, %add3A_235 : vector<1024x256xf32>
    %bitcast_convert_type3A_237 = tpu.bitcast %add3A_236 : vector<1024x256xf32> -> vector<1024x256xi32>
    %and3A_238 = arith.constant -16 : i32
    %and3A_239 = vector.broadcast %and3A_238 : i32 to vector<1024x256xi32>
    %and3A_240 = arith.andi %bitcast_convert_type3A_237, %and3A_239 : vector<1024x256xi32>
    %or3A_241 = arith.constant 12 : i32
    %or3A_242 = vector.broadcast %or3A_241 : i32 to vector<1024x256xi32>
    %or3A_243 = arith.ori %and3A_240, %or3A_242 : vector<1024x256xi32>
    %bitcast_convert_type3A_244 = tpu.bitcast %or3A_243 : vector<1024x256xi32> -> vector<1024x256xf32>
    %max3A_245 = arith.maximumf %bitcast_convert_type3A_244, %min3A_227 : vector<1024x256xf32>
    %min3A_246 = arith.minimumf %bitcast_convert_type3A_244, %min3A_227 : vector<1024x256xf32>
    %max3A_247 = arith.maximumf %max3A_245, %min3A_229 : vector<1024x256xf32>
    %min3A_248 = arith.minimumf %max3A_245, %min3A_229 : vector<1024x256xf32>
    %min3A_249 = arith.minimumf %max3A_247, %min3A_230 : vector<1024x256xf32>
    %slice3A_250 = vector.extract_strided_slice %dot_general3A_10 {offsets = [0, 3328], sizes = [1024, 256], strides = [1, 1]} : vector<1024x4096xf32> to vector<1024x256xf32>
    %slice3A_251 = vector.extract_strided_slice %slice3A_9 {offsets = [0, 3328], sizes = [1, 256], strides = [1, 1]} : vector<1x4096xf32> to vector<1x256xf32>
    %add3A_252 = vector.broadcast %slice3A_251 : vector<1x256xf32> to vector<1024x256xf32>
    %add3A_253 = arith.addf %slice3A_250, %add3A_252 : vector<1024x256xf32>
    %add3A_254 = vector.broadcast %broadcast_in_dim3A : vector<1024x1xf32> to vector<1024x256xf32>
    %add3A_255 = arith.addf %add3A_253, %add3A_254 : vector<1024x256xf32>
    %bitcast_convert_type3A_256 = tpu.bitcast %add3A_255 : vector<1024x256xf32> -> vector<1024x256xi32>
    %and3A_257 = arith.constant -16 : i32
    %and3A_258 = vector.broadcast %and3A_257 : i32 to vector<1024x256xi32>
    %and3A_259 = arith.andi %bitcast_convert_type3A_256, %and3A_258 : vector<1024x256xi32>
    %or3A_260 = arith.constant 13 : i32
    %or3A_261 = vector.broadcast %or3A_260 : i32 to vector<1024x256xi32>
    %or3A_262 = arith.ori %and3A_259, %or3A_261 : vector<1024x256xi32>
    %bitcast_convert_type3A_263 = tpu.bitcast %or3A_262 : vector<1024x256xi32> -> vector<1024x256xf32>
    %max3A_264 = arith.maximumf %bitcast_convert_type3A_263, %min3A_246 : vector<1024x256xf32>
    %min3A_265 = arith.minimumf %bitcast_convert_type3A_263, %min3A_246 : vector<1024x256xf32>
    %max3A_266 = arith.maximumf %max3A_264, %min3A_248 : vector<1024x256xf32>
    %min3A_267 = arith.minimumf %max3A_264, %min3A_248 : vector<1024x256xf32>
    %min3A_268 = arith.minimumf %max3A_266, %min3A_249 : vector<1024x256xf32>
    %slice3A_269 = vector.extract_strided_slice %dot_general3A_10 {offsets = [0, 3584], sizes = [1024, 256], strides = [1, 1]} : vector<1024x4096xf32> to vector<1024x256xf32>
    %slice3A_270 = vector.extract_strided_slice %slice3A_9 {offsets = [0, 3584], sizes = [1, 256], strides = [1, 1]} : vector<1x4096xf32> to vector<1x256xf32>
    %add3A_271 = vector.broadcast %slice3A_270 : vector<1x256xf32> to vector<1024x256xf32>
    %add3A_272 = arith.addf %slice3A_269, %add3A_271 : vector<1024x256xf32>
    %add3A_273 = vector.broadcast %broadcast_in_dim3A : vector<1024x1xf32> to vector<1024x256xf32>
    %add3A_274 = arith.addf %add3A_272, %add3A_273 : vector<1024x256xf32>
    %bitcast_convert_type3A_275 = tpu.bitcast %add3A_274 : vector<1024x256xf32> -> vector<1024x256xi32>
    %and3A_276 = arith.constant -16 : i32
    %and3A_277 = vector.broadcast %and3A_276 : i32 to vector<1024x256xi32>
    %and3A_278 = arith.andi %bitcast_convert_type3A_275, %and3A_277 : vector<1024x256xi32>
    %or3A_279 = arith.constant 14 : i32
    %or3A_280 = vector.broadcast %or3A_279 : i32 to vector<1024x256xi32>
    %or3A_281 = arith.ori %and3A_278, %or3A_280 : vector<1024x256xi32>
    %bitcast_convert_type3A_282 = tpu.bitcast %or3A_281 : vector<1024x256xi32> -> vector<1024x256xf32>
    %max3A_283 = arith.maximumf %bitcast_convert_type3A_282, %min3A_265 : vector<1024x256xf32>
    %min3A_284 = arith.minimumf %bitcast_convert_type3A_282, %min3A_265 : vector<1024x256xf32>
    %max3A_285 = arith.maximumf %max3A_283, %min3A_267 : vector<1024x256xf32>
    %min3A_286 = arith.minimumf %max3A_283, %min3A_267 : vector<1024x256xf32>
    %min3A_287 = arith.minimumf %max3A_285, %min3A_268 : vector<1024x256xf32>
    %slice3A_288 = vector.extract_strided_slice %dot_general3A_10 {offsets = [0, 3840], sizes = [1024, 256], strides = [1, 1]} : vector<1024x4096xf32> to vector<1024x256xf32>
    %slice3A_289 = vector.extract_strided_slice %slice3A_9 {offsets = [0, 3840], sizes = [1, 256], strides = [1, 1]} : vector<1x4096xf32> to vector<1x256xf32>
    %add3A_290 = vector.broadcast %slice3A_289 : vector<1x256xf32> to vector<1024x256xf32>
    %add3A_291 = arith.addf %slice3A_288, %add3A_290 : vector<1024x256xf32>
    %add3A_292 = vector.broadcast %broadcast_in_dim3A : vector<1024x1xf32> to vector<1024x256xf32>
    %add3A_293 = arith.addf %add3A_291, %add3A_292 : vector<1024x256xf32>
    %bitcast_convert_type3A_294 = tpu.bitcast %add3A_293 : vector<1024x256xf32> -> vector<1024x256xi32>
    %and3A_295 = arith.constant -16 : i32
    %and3A_296 = vector.broadcast %and3A_295 : i32 to vector<1024x256xi32>
    %and3A_297 = arith.andi %bitcast_convert_type3A_294, %and3A_296 : vector<1024x256xi32>
    %or3A_298 = arith.constant 15 : i32
    %or3A_299 = vector.broadcast %or3A_298 : i32 to vector<1024x256xi32>
    %or3A_300 = arith.ori %and3A_297, %or3A_299 : vector<1024x256xi32>
    %bitcast_convert_type3A_301 = tpu.bitcast %or3A_300 : vector<1024x256xi32> -> vector<1024x256xf32>
    %max3A_302 = arith.maximumf %bitcast_convert_type3A_301, %min3A_284 : vector<1024x256xf32>
    %min3A_303 = arith.minimumf %bitcast_convert_type3A_301, %min3A_284 : vector<1024x256xf32>
    %max3A_304 = arith.maximumf %max3A_302, %min3A_286 : vector<1024x256xf32>
    %min3A_305 = arith.minimumf %max3A_302, %min3A_286 : vector<1024x256xf32>
    %min3A_306 = arith.minimumf %max3A_304, %min3A_287 : vector<1024x256xf32>
    %reduce_min3A = arith.constant dense<0x7F800000> : vector<1024xf32>
    %reduce_min3A_307 = vector.multi_reduction <minimumf>, %min3A_303, %reduce_min3A [1] : vector<1024x256xf32> to vector<1024xf32>
    %broadcast_in_dim3A_308 = vector.shape_cast %reduce_min3A_307 : vector<1024xf32> to vector<1024x1xf32>
    %eq3A = vector.broadcast %broadcast_in_dim3A_308 : vector<1024x1xf32> to vector<1024x256xf32>
    %eq3A_309 = arith.cmpf oeq, %min3A_303, %eq3A : vector<1024x256xf32>
    %jit3A = arith.constant 256 : i32
    %broadcast_in_dim3A_310 = vector.broadcast %jit3A : i32 to vector<1024x256xi32>
    %select_n3A = arith.select %eq3A_309, %iota3A, %broadcast_in_dim3A_310 : vector<1024x256xi1>, vector<1024x256xi32>
    %reduce_min3A_311 = arith.constant dense<2147483647> : vector<1024xi32>
    %reduce_min3A_312 = vector.multi_reduction <minsi>, %select_n3A, %reduce_min3A_311 [1] : vector<1024x256xi32> to vector<1024xi32>
    %broadcast_in_dim3A_313 = vector.shape_cast %reduce_min3A_312 : vector<1024xi32> to vector<1024x1xi32>
    %eq3A_314 = vector.broadcast %broadcast_in_dim3A_308 : vector<1024x1xf32> to vector<1024x256xf32>
    %eq3A_315 = arith.cmpf oeq, %min3A_303, %eq3A_314 : vector<1024x256xf32>
    %eq3A_316 = vector.broadcast %broadcast_in_dim3A_313 : vector<1024x1xi32> to vector<1024x256xi32>
    %eq3A_317 = arith.cmpi eq, %iota3A, %eq3A_316 : vector<1024x256xi32>
    %and3A_318 = arith.andi %eq3A_315, %eq3A_317 : vector<1024x256xi1>
    %jit3A_319 = arith.constant 0x7F800000 : f32
    %broadcast_in_dim3A_320 = vector.broadcast %jit3A_319 : f32 to vector<1024x256xf32>
    %select_n3A_321 = arith.select %and3A_318, %broadcast_in_dim3A_320, %min3A_303 : vector<1024x256xi1>, vector<1024x256xf32>
    %min3A_322 = arith.minimumf %select_n3A_321, %min3A_305 : vector<1024x256xf32>
    %reduce_min3A_323 = arith.constant dense<0x7F800000> : vector<1024xf32>
    %reduce_min3A_324 = vector.multi_reduction <minimumf>, %min3A_322, %reduce_min3A_323 [1] : vector<1024x256xf32> to vector<1024xf32>
    %broadcast_in_dim3A_325 = vector.shape_cast %reduce_min3A_324 : vector<1024xf32> to vector<1024x1xf32>
    %eq3A_326 = vector.broadcast %broadcast_in_dim3A_325 : vector<1024x1xf32> to vector<1024x256xf32>
    %eq3A_327 = arith.cmpf oeq, %select_n3A_321, %eq3A_326 : vector<1024x256xf32>
    %eq3A_328 = vector.broadcast %broadcast_in_dim3A_325 : vector<1024x1xf32> to vector<1024x256xf32>
    %eq3A_329 = arith.cmpf oeq, %min3A_305, %eq3A_328 : vector<1024x256xf32>
    %jit3A_330 = arith.constant 256 : i32
    %broadcast_in_dim3A_331 = vector.broadcast %jit3A_330 : i32 to vector<1024x256xi32>
    %select_n3A_332 = arith.select %eq3A_327, %iota3A, %broadcast_in_dim3A_331 : vector<1024x256xi1>, vector<1024x256xi32>
    %jit3A_333 = arith.constant 256 : i32
    %broadcast_in_dim3A_334 = vector.broadcast %jit3A_333 : i32 to vector<1024x256xi32>
    %select_n3A_335 = arith.select %eq3A_329, %iota3A, %broadcast_in_dim3A_334 : vector<1024x256xi1>, vector<1024x256xi32>
    %min3A_336 = arith.minsi %select_n3A_332, %select_n3A_335 : vector<1024x256xi32>
    %reduce_min3A_337 = arith.constant dense<2147483647> : vector<1024xi32>
    %reduce_min3A_338 = vector.multi_reduction <minsi>, %min3A_336, %reduce_min3A_337 [1] : vector<1024x256xi32> to vector<1024xi32>
    %broadcast_in_dim3A_339 = vector.shape_cast %reduce_min3A_338 : vector<1024xi32> to vector<1024x1xi32>
    %eq3A_340 = vector.broadcast %broadcast_in_dim3A_339 : vector<1024x1xi32> to vector<1024x256xi32>
    %eq3A_341 = arith.cmpi eq, %iota3A, %eq3A_340 : vector<1024x256xi32>
    %and3A_342 = arith.andi %eq3A_327, %eq3A_341 : vector<1024x256xi1>
    %jit3A_343 = arith.constant 0x7F800000 : f32
    %broadcast_in_dim3A_344 = vector.broadcast %jit3A_343 : f32 to vector<1024x256xf32>
    %select_n3A_345 = arith.select %and3A_342, %broadcast_in_dim3A_344, %select_n3A_321 : vector<1024x256xi1>, vector<1024x256xf32>
    %and3A_346 = arith.andi %eq3A_329, %eq3A_341 : vector<1024x256xi1>
    %jit3A_347 = arith.constant 0x7F800000 : f32
    %broadcast_in_dim3A_348 = vector.broadcast %jit3A_347 : f32 to vector<1024x256xf32>
    %select_n3A_349 = arith.select %and3A_346, %broadcast_in_dim3A_348, %min3A_305 : vector<1024x256xi1>, vector<1024x256xf32>
    %min3A_350 = arith.minimumf %select_n3A_345, %select_n3A_349 : vector<1024x256xf32>
    %min3A_351 = arith.minimumf %min3A_350, %min3A_306 : vector<1024x256xf32>
    %reduce_min3A_352 = arith.constant dense<0x7F800000> : vector<1024xf32>
    %reduce_min3A_353 = vector.multi_reduction <minimumf>, %min3A_351, %reduce_min3A_352 [1] : vector<1024x256xf32> to vector<1024xf32>
    %broadcast_in_dim3A_354 = vector.shape_cast %reduce_min3A_353 : vector<1024xf32> to vector<1024x1xf32>
    %eq3A_355 = vector.broadcast %broadcast_in_dim3A_354 : vector<1024x1xf32> to vector<1024x256xf32>
    %eq3A_356 = arith.cmpf oeq, %select_n3A_345, %eq3A_355 : vector<1024x256xf32>
    %jit3A_357 = arith.constant 256 : i32
    %broadcast_in_dim3A_358 = vector.broadcast %jit3A_357 : i32 to vector<1024x256xi32>
    %select_n3A_359 = arith.select %eq3A_356, %iota3A, %broadcast_in_dim3A_358 : vector<1024x256xi1>, vector<1024x256xi32>
    %eq3A_360 = vector.broadcast %broadcast_in_dim3A_354 : vector<1024x1xf32> to vector<1024x256xf32>
    %eq3A_361 = arith.cmpf oeq, %select_n3A_349, %eq3A_360 : vector<1024x256xf32>
    %jit3A_362 = arith.constant 256 : i32
    %broadcast_in_dim3A_363 = vector.broadcast %jit3A_362 : i32 to vector<1024x256xi32>
    %select_n3A_364 = arith.select %eq3A_361, %iota3A, %broadcast_in_dim3A_363 : vector<1024x256xi1>, vector<1024x256xi32>
    %min3A_365 = arith.minsi %select_n3A_359, %select_n3A_364 : vector<1024x256xi32>
    %eq3A_366 = vector.broadcast %broadcast_in_dim3A_354 : vector<1024x1xf32> to vector<1024x256xf32>
    %eq3A_367 = arith.cmpf oeq, %min3A_306, %eq3A_366 : vector<1024x256xf32>
    %jit3A_368 = arith.constant 256 : i32
    %broadcast_in_dim3A_369 = vector.broadcast %jit3A_368 : i32 to vector<1024x256xi32>
    %select_n3A_370 = arith.select %eq3A_367, %iota3A, %broadcast_in_dim3A_369 : vector<1024x256xi1>, vector<1024x256xi32>
    %min3A_371 = arith.minsi %min3A_365, %select_n3A_370 : vector<1024x256xi32>
    %reduce_min3A_372 = arith.constant dense<2147483647> : vector<1024xi32>
    %reduce_min3A_373 = vector.multi_reduction <minsi>, %min3A_371, %reduce_min3A_372 [1] : vector<1024x256xi32> to vector<1024xi32>
    %broadcast_in_dim3A_374 = vector.shape_cast %reduce_min3A_373 : vector<1024xi32> to vector<1024x1xi32>
    %bitcast_convert_type3A_375 = tpu.bitcast %broadcast_in_dim3A_308 : vector<1024x1xf32> -> vector<1024x1xi32>
    %and3A_376 = arith.constant 15 : i32
    %and3A_377 = vector.broadcast %and3A_376 : i32 to vector<1024x1xi32>
    %and3A_378 = arith.andi %bitcast_convert_type3A_375, %and3A_377 : vector<1024x1xi32>
    %mul3A_379 = arith.constant 256 : i32
    %mul3A_380 = vector.broadcast %mul3A_379 : i32 to vector<1024x1xi32>
    %mul3A_381 = arith.muli %and3A_378, %mul3A_380 : vector<1024x1xi32>
    %add3A_382 = arith.addi %mul3A_381, %broadcast_in_dim3A_313 : vector<1024x1xi32>
    %and3A_383 = arith.constant -16 : i32
    %and3A_384 = vector.broadcast %and3A_383 : i32 to vector<1024x1xi32>
    %and3A_385 = arith.andi %bitcast_convert_type3A_375, %and3A_384 : vector<1024x1xi32>
    %bitcast_convert_type3A_386 = tpu.bitcast %and3A_385 : vector<1024x1xi32> -> vector<1024x1xf32>
    %bitcast_convert_type3A_387 = tpu.bitcast %broadcast_in_dim3A_325 : vector<1024x1xf32> -> vector<1024x1xi32>
    %and3A_388 = arith.constant 15 : i32
    %and3A_389 = vector.broadcast %and3A_388 : i32 to vector<1024x1xi32>
    %and3A_390 = arith.andi %bitcast_convert_type3A_387, %and3A_389 : vector<1024x1xi32>
    %mul3A_391 = arith.constant 256 : i32
    %mul3A_392 = vector.broadcast %mul3A_391 : i32 to vector<1024x1xi32>
    %mul3A_393 = arith.muli %and3A_390, %mul3A_392 : vector<1024x1xi32>
    %add3A_394 = arith.addi %mul3A_393, %broadcast_in_dim3A_339 : vector<1024x1xi32>
    %and3A_395 = arith.constant -16 : i32
    %and3A_396 = vector.broadcast %and3A_395 : i32 to vector<1024x1xi32>
    %and3A_397 = arith.andi %bitcast_convert_type3A_387, %and3A_396 : vector<1024x1xi32>
    %bitcast_convert_type3A_398 = tpu.bitcast %and3A_397 : vector<1024x1xi32> -> vector<1024x1xf32>
    %bitcast_convert_type3A_399 = tpu.bitcast %broadcast_in_dim3A_354 : vector<1024x1xf32> -> vector<1024x1xi32>
    %and3A_400 = arith.constant 15 : i32
    %and3A_401 = vector.broadcast %and3A_400 : i32 to vector<1024x1xi32>
    %and3A_402 = arith.andi %bitcast_convert_type3A_399, %and3A_401 : vector<1024x1xi32>
    %mul3A_403 = arith.constant 256 : i32
    %mul3A_404 = vector.broadcast %mul3A_403 : i32 to vector<1024x1xi32>
    %mul3A_405 = arith.muli %and3A_402, %mul3A_404 : vector<1024x1xi32>
    %add3A_406 = arith.addi %mul3A_405, %broadcast_in_dim3A_374 : vector<1024x1xi32>
    %and3A_407 = arith.constant -16 : i32
    %and3A_408 = vector.broadcast %and3A_407 : i32 to vector<1024x1xi32>
    %and3A_409 = arith.andi %bitcast_convert_type3A_399, %and3A_408 : vector<1024x1xi32>
    %bitcast_convert_type3A_410 = tpu.bitcast %and3A_409 : vector<1024x1xi32> -> vector<1024x1xf32>
    %max3A_411 = arith.constant 0.000000e+00 : f32
    %max3A_412 = vector.broadcast %max3A_411 : f32 to vector<1024x1xf32>
    %max3A_413 = arith.maximumf %bitcast_convert_type3A_386, %max3A_412 : vector<1024x1xf32>
    %sqrt3A = math.sqrt %max3A_413 : vector<1024x1xf32>
    %add3A_414 = arith.constant 9.99999993E-9 : f32
    %add3A_415 = vector.broadcast %add3A_414 : f32 to vector<1024x1xf32>
    %add3A_416 = arith.addf %sqrt3A, %add3A_415 : vector<1024x1xf32>
    %div3A = arith.constant 1.000000e+00 : f32
    %div3A_417 = vector.broadcast %div3A : f32 to vector<1024x1xf32>
    %div3A_418 = arith.divf %div3A_417, %add3A_416 : vector<1024x1xf32>
    %max3A_419 = arith.constant 0.000000e+00 : f32
    %max3A_420 = vector.broadcast %max3A_419 : f32 to vector<1024x1xf32>
    %max3A_421 = arith.maximumf %bitcast_convert_type3A_398, %max3A_420 : vector<1024x1xf32>
    %sqrt3A_422 = math.sqrt %max3A_421 : vector<1024x1xf32>
    %add3A_423 = arith.constant 9.99999993E-9 : f32
    %add3A_424 = vector.broadcast %add3A_423 : f32 to vector<1024x1xf32>
    %add3A_425 = arith.addf %sqrt3A_422, %add3A_424 : vector<1024x1xf32>
    %div3A_426 = arith.constant 1.000000e+00 : f32
    %div3A_427 = vector.broadcast %div3A_426 : f32 to vector<1024x1xf32>
    %div3A_428 = arith.divf %div3A_427, %add3A_425 : vector<1024x1xf32>
    %max3A_429 = arith.constant 0.000000e+00 : f32
    %max3A_430 = vector.broadcast %max3A_429 : f32 to vector<1024x1xf32>
    %max3A_431 = arith.maximumf %bitcast_convert_type3A_410, %max3A_430 : vector<1024x1xf32>
    %sqrt3A_432 = math.sqrt %max3A_431 : vector<1024x1xf32>
    %add3A_433 = arith.constant 9.99999993E-9 : f32
    %add3A_434 = vector.broadcast %add3A_433 : f32 to vector<1024x1xf32>
    %add3A_435 = arith.addf %sqrt3A_432, %add3A_434 : vector<1024x1xf32>
    %div3A_436 = arith.constant 1.000000e+00 : f32
    %div3A_437 = vector.broadcast %div3A_436 : f32 to vector<1024x1xf32>
    %div3A_438 = arith.divf %div3A_437, %add3A_435 : vector<1024x1xf32>
    %add3A_439 = arith.addf %div3A_418, %div3A_428 : vector<1024x1xf32>
    %add3A_440 = arith.addf %add3A_439, %div3A_438 : vector<1024x1xf32>
    %concatenate3A = tpu.concatenate %add3A_382, %add3A_394, %add3A_406 in 1 : vector<1024x1xi32>, vector<1024x1xi32>, vector<1024x1xi32> -> vector<1024x3xi32>
    %swap3A = arith.constant 0 : index
    %swap3A_441 = arith.constant 0 : index
    %swap3A_442 = vector.load %arg3[%swap3A, %swap3A_441] : memref<1024x3xi32, #tpu.memory_space<vmem>>, vector<1024x3xi32>
    tpu.vector_store %arg3[%swap3A, %swap3A_441], %concatenate3A {strides = array<i32>} : memref<1024x3xi32, #tpu.memory_space<vmem>>, vector<1024x3xi32>,
    %div3A_443 = arith.divf %div3A_418, %add3A_440 : vector<1024x1xf32>
    %div3A_444 = arith.divf %div3A_428, %add3A_440 : vector<1024x1xf32>
    %div3A_445 = arith.divf %div3A_438, %add3A_440 : vector<1024x1xf32>
    %concatenate3A_446 = tpu.concatenate %div3A_443, %div3A_444, %div3A_445 in 1 : vector<1024x1xf32>, vector<1024x1xf32>, vector<1024x1xf32> -> vector<1024x3xf32>
    %swap3A_447 = arith.constant 0 : index
    %swap3A_448 = arith.constant 0 : index
    %swap3A_449 = vector.load %arg4[%swap3A_447, %swap3A_448] : memref<1024x3xf32, #tpu.memory_space<vmem>>, vector<1024x3xf32>
    tpu.vector_store %arg4[%swap3A_447, %swap3A_448], %concatenate3A_446 {strides = array<i32>} : memref<1024x3xf32, #tpu.memory_space<vmem>>, vector<1024x3xf32>,
    return
  }
  func.func @transform_0(%arg0: i32) -> (i32, i32) {
    %c0_i32 = arith.constant 0 : i32
    %c0_i32_0 = arith.constant 0 : i32
    return %arg0, %c0_i32 : i32, i32
  }
  func.func @transform_1(%arg0: i32) -> (i32, i32) {
    %c0_i32 = arith.constant 0 : i32
    %c0_i32_0 = arith.constant 0 : i32
    %c0_i32_1 = arith.constant 0 : i32
    return %c0_i32, %c0_i32_0 : i32, i32
  }
  func.func @transform_2(%arg0: i32) -> (i32, i32) {
    %c0_i32 = arith.constant 0 : i32
    %c0_i32_0 = arith.constant 0 : i32
    return %arg0, %c0_i32 : i32, i32
  }
  func.func @transform_3(%arg0: i32) -> (i32, i32) {
    %c0_i32 = arith.constant 0 : i32
    %c0_i32_0 = arith.constant 0 : i32
    return %arg0, %c0_i32 : i32, i32
  }
}

module attributes {stable_mosaic.version = 14 : i64} {
  func.func @_p2_body(%arg0: memref<4096x256xf32, #tpu.memory_space<vmem>>, %arg1: memref<256x256xf32, #tpu.memory_space<vmem>>, %arg2: memref<1x256xf32, #tpu.memory_space<vmem>>, %arg3: memref<1x256xf32, #tpu.memory_space<vmem>>, %arg4: memref<1x256xf32, #tpu.memory_space<vmem>>, %arg5: memref<4096x256xf32, #tpu.memory_space<vmem>>) attributes {dimension_semantics = [], scalar_prefetch = 0 : i64, scratch_operands = 0 : i64, tpu.core_type = #tpu.core_type<tc>} {
    %get3A = arith.constant 0 : index
    %get3A_0 = arith.constant 0 : index
    %get3A_1 = vector.load %arg0[%get3A, %get3A_0] : memref<4096x256xf32, #tpu.memory_space<vmem>>, vector<4096x256xf32>
    %get3A_2 = arith.constant 0 : index
    %get3A_3 = arith.constant 0 : index
    %get3A_4 = vector.load %arg1[%get3A_2, %get3A_3] : memref<256x256xf32, #tpu.memory_space<vmem>>, vector<256x256xf32>
    %dot_general3A = arith.constant dense<0.000000e+00> : vector<4096x256xf32>
    %dot_general3A_5 = tpu.matmul %get3A_1, %get3A_4, %dot_general3A {dimension_numbers = #tpu.dot_dimension_numbers<[1], [0], [0], [1], [0, 0, 1, 1], [], []>, transpose_lhs_hint = false} : vector<4096x256xf32>, vector<256x256xf32>, vector<4096x256xf32> -> vector<4096x256xf32>
    %get3A_6 = arith.constant 0 : index
    %get3A_7 = arith.constant 0 : index
    %get3A_8 = vector.load %arg2[%get3A_6, %get3A_7] : memref<1x256xf32, #tpu.memory_space<vmem>>, vector<1x256xf32>
    %add3A = vector.broadcast %get3A_8 : vector<1x256xf32> to vector<4096x256xf32>
    %add3A_9 = arith.addf %dot_general3A_5, %add3A : vector<4096x256xf32>
    %reduce_sum3A = arith.constant dense<0.000000e+00> : vector<256xf32>
    %reduce_sum3A_10 = vector.multi_reduction <add>, %add3A_9, %reduce_sum3A [0] : vector<4096x256xf32> to vector<256xf32>
    %broadcast_in_dim3A = vector.shape_cast %reduce_sum3A_10 : vector<256xf32> to vector<1x256xf32>
    %div3A = arith.constant 4.096000e+03 : f32
    %div3A_11 = vector.broadcast %div3A : f32 to vector<1x256xf32>
    %div3A_12 = arith.divf %broadcast_in_dim3A, %div3A_11 : vector<1x256xf32>
    %mul3A = arith.mulf %add3A_9, %add3A_9 : vector<4096x256xf32>
    %reduce_sum3A_13 = arith.constant dense<0.000000e+00> : vector<256xf32>
    %reduce_sum3A_14 = vector.multi_reduction <add>, %mul3A, %reduce_sum3A_13 [0] : vector<4096x256xf32> to vector<256xf32>
    %broadcast_in_dim3A_15 = vector.shape_cast %reduce_sum3A_14 : vector<256xf32> to vector<1x256xf32>
    %div3A_16 = arith.constant 4.096000e+03 : f32
    %div3A_17 = vector.broadcast %div3A_16 : f32 to vector<1x256xf32>
    %div3A_18 = arith.divf %broadcast_in_dim3A_15, %div3A_17 : vector<1x256xf32>
    %mul3A_19 = arith.mulf %div3A_12, %div3A_12 : vector<1x256xf32>
    %sub3A = arith.subf %div3A_18, %mul3A_19 : vector<1x256xf32>
    %sub3A_20 = vector.broadcast %div3A_12 : vector<1x256xf32> to vector<4096x256xf32>
    %sub3A_21 = arith.subf %add3A_9, %sub3A_20 : vector<4096x256xf32>
    %get3A_22 = arith.constant 0 : index
    %get3A_23 = arith.constant 0 : index
    %get3A_24 = vector.load %arg3[%get3A_22, %get3A_23] : memref<1x256xf32, #tpu.memory_space<vmem>>, vector<1x256xf32>
    %add3A_25 = arith.constant 9.99999974E-6 : f32
    %add3A_26 = vector.broadcast %add3A_25 : f32 to vector<1x256xf32>
    %add3A_27 = arith.addf %sub3A, %add3A_26 : vector<1x256xf32>
    %rsqrt3A = math.rsqrt %add3A_27 : vector<1x256xf32>
    %mul3A_28 = arith.mulf %get3A_24, %rsqrt3A : vector<1x256xf32>
    %mul3A_29 = vector.broadcast %mul3A_28 : vector<1x256xf32> to vector<4096x256xf32>
    %mul3A_30 = arith.mulf %sub3A_21, %mul3A_29 : vector<4096x256xf32>
    %get3A_31 = arith.constant 0 : index
    %get3A_32 = arith.constant 0 : index
    %get3A_33 = vector.load %arg4[%get3A_31, %get3A_32] : memref<1x256xf32, #tpu.memory_space<vmem>>, vector<1x256xf32>
    %add3A_34 = vector.broadcast %get3A_33 : vector<1x256xf32> to vector<4096x256xf32>
    %add3A_35 = arith.addf %mul3A_30, %add3A_34 : vector<4096x256xf32>
    %swap3A = arith.constant 0 : index
    %swap3A_36 = arith.constant 0 : index
    %swap3A_37 = vector.load %arg5[%swap3A, %swap3A_36] : memref<4096x256xf32, #tpu.memory_space<vmem>>, vector<4096x256xf32>
    tpu.vector_store %arg5[%swap3A, %swap3A_36], %add3A_35 {strides = array<i32>} : memref<4096x256xf32, #tpu.memory_space<vmem>>, vector<4096x256xf32>,
    return
  }
}

module attributes {stable_mosaic.version = 14 : i64} {
  func.func @_xstat_body(%arg0: i32, %arg1: memref<2048x128xf32, #tpu.memory_space<vmem>>, %arg2: memref<1x128xf32, #tpu.memory_space<vmem>>, %arg3: memref<128x128xf32, #tpu.memory_space<vmem>>) attributes {dimension_semantics = [#tpu.dimension_semantics<arbitrary>], iteration_bounds = array<i64: 8>, scalar_prefetch = 0 : i64, scratch_operands = 0 : i64, tpu.core_type = #tpu.core_type<tc>, window_params = [{transform_indices = @transform_0, window_bounds = array<i64: 2048, 128>}, {pipeline_mode = #tpu.pipeline_mode<synchronous>, transform_indices = @transform_1, window_bounds = array<i64: 1, 128>}, {pipeline_mode = #tpu.pipeline_mode<synchronous>, transform_indices = @transform_2, window_bounds = array<i64: 128, 128>}]} {
    %get3A = arith.constant 0 : index
    %get3A_0 = arith.constant 0 : index
    %get3A_1 = vector.load %arg1[%get3A, %get3A_0] : memref<2048x128xf32, #tpu.memory_space<vmem>>, vector<2048x128xf32>
    %eq3A = arith.constant 0 : i32
    %eq3A_2 = arith.cmpi eq, %arg0, %eq3A : i32
    %convert_element_type3A = arith.extui %eq3A_2 : i1 to i32
    %cond3A = arith.constant 0 : i32
    %cond3A_3 = arith.cmpi ne, %convert_element_type3A, %cond3A : i32
    scf.if %cond3A_3 {
      %broadcast_in_dim3A_18 = arith.constant 0.000000e+00 : f32
      %broadcast_in_dim3A_19 = vector.broadcast %broadcast_in_dim3A_18 : f32 to vector<1x128xf32>
      %swap3A_20 = arith.constant 0 : index
      %swap3A_21 = arith.constant 0 : index
      %swap3A_22 = vector.load %arg2[%swap3A_20, %swap3A_21] : memref<1x128xf32, #tpu.memory_space<vmem>>, vector<1x128xf32>
      tpu.vector_store %arg2[%swap3A_20, %swap3A_21], %broadcast_in_dim3A_19 {strides = array<i32>} : memref<1x128xf32, #tpu.memory_space<vmem>>, vector<1x128xf32>,
      %broadcast_in_dim3A_23 = arith.constant 0.000000e+00 : f32
      %broadcast_in_dim3A_24 = vector.broadcast %broadcast_in_dim3A_23 : f32 to vector<128x128xf32>
      %swap3A_25 = arith.constant 0 : index
      %swap3A_26 = arith.constant 0 : index
      %swap3A_27 = vector.load %arg3[%swap3A_25, %swap3A_26] : memref<128x128xf32, #tpu.memory_space<vmem>>, vector<128x128xf32>
      tpu.vector_store %arg3[%swap3A_25, %swap3A_26], %broadcast_in_dim3A_24 {strides = array<i32>} : memref<128x128xf32, #tpu.memory_space<vmem>>, vector<128x128xf32>,
    } else {
    }
    %get3A_4 = arith.constant 0 : index
    %get3A_5 = arith.constant 0 : index
    %get3A_6 = vector.load %arg2[%get3A_4, %get3A_5] : memref<1x128xf32, #tpu.memory_space<vmem>>, vector<1x128xf32>
    %reduce_sum3A = arith.constant dense<0.000000e+00> : vector<128xf32>
    %reduce_sum3A_7 = vector.multi_reduction <add>, %get3A_1, %reduce_sum3A [0] : vector<2048x128xf32> to vector<128xf32>
    %broadcast_in_dim3A = vector.shape_cast %reduce_sum3A_7 : vector<128xf32> to vector<1x128xf32>
    %add3A = arith.addf %get3A_6, %broadcast_in_dim3A : vector<1x128xf32>
    %swap3A = arith.constant 0 : index
    %swap3A_8 = arith.constant 0 : index
    %swap3A_9 = vector.load %arg2[%swap3A, %swap3A_8] : memref<1x128xf32, #tpu.memory_space<vmem>>, vector<1x128xf32>
    tpu.vector_store %arg2[%swap3A, %swap3A_8], %add3A {strides = array<i32>} : memref<1x128xf32, #tpu.memory_space<vmem>>, vector<1x128xf32>,
    %get3A_10 = arith.constant 0 : index
    %get3A_11 = arith.constant 0 : index
    %get3A_12 = vector.load %arg3[%get3A_10, %get3A_11] : memref<128x128xf32, #tpu.memory_space<vmem>>, vector<128x128xf32>
    %dot_general3A = arith.constant dense<0.000000e+00> : vector<128x128xf32>
    %dot_general3A_13 = tpu.matmul %get3A_1, %get3A_1, %dot_general3A {dimension_numbers = #tpu.dot_dimension_numbers<[0], [0], [1], [1], [0, 1, 1, 1], [], []>, transpose_lhs_hint = false} : vector<2048x128xf32>, vector<2048x128xf32>, vector<128x128xf32> -> vector<128x128xf32>
    %add3A_14 = arith.addf %get3A_12, %dot_general3A_13 : vector<128x128xf32>
    %swap3A_15 = arith.constant 0 : index
    %swap3A_16 = arith.constant 0 : index
    %swap3A_17 = vector.load %arg3[%swap3A_15, %swap3A_16] : memref<128x128xf32, #tpu.memory_space<vmem>>, vector<128x128xf32>
    tpu.vector_store %arg3[%swap3A_15, %swap3A_16], %add3A_14 {strides = array<i32>} : memref<128x128xf32, #tpu.memory_space<vmem>>, vector<128x128xf32>,
    return
  }
  func.func @transform_0(%arg0: i32) -> (i32, i32) {
    %c0_i32 = arith.constant 0 : i32
    %c0_i32_0 = arith.constant 0 : i32
    return %arg0, %c0_i32 : i32, i32
  }
  func.func @transform_1(%arg0: i32) -> (i32, i32) {
    %c0_i32 = arith.constant 0 : i32
    %c0_i32_0 = arith.constant 0 : i32
    %c0_i32_1 = arith.constant 0 : i32
    return %c0_i32, %c0_i32_0 : i32, i32
  }
  func.func @transform_2(%arg0: i32) -> (i32, i32) {
    %c0_i32 = arith.constant 0 : i32
    %c0_i32_0 = arith.constant 0 : i32
    %c0_i32_1 = arith.constant 0 : i32
    return %c0_i32, %c0_i32_0 : i32, i32
  }
}

module attributes {stable_mosaic.version = 14 : i64} {
  func.func @_mlp_body(%arg0: i32, %arg1: memref<2048x128xf32, #tpu.memory_space<vmem>>, %arg2: memref<3x2048x256xf32, #tpu.memory_space<vmem>>, %arg3: memref<2048x3xf32, #tpu.memory_space<vmem>>, %arg4: memref<128x256xf32, #tpu.memory_space<vmem>>, %arg5: memref<256x256xf32, #tpu.memory_space<vmem>>, %arg6: memref<1x256xf32, #tpu.memory_space<vmem>>, %arg7: memref<1x256xf32, #tpu.memory_space<vmem>>, %arg8: memref<1x256xf32, #tpu.memory_space<vmem>>, %arg9: memref<2048x256xf32, #tpu.memory_space<vmem>>, %arg10: memref<1x256xf32, #tpu.memory_space<vmem>>, %arg11: memref<1x256xf32, #tpu.memory_space<vmem>>) attributes {dimension_semantics = [#tpu.dimension_semantics<arbitrary>], iteration_bounds = array<i64: 8>, scalar_prefetch = 0 : i64, scratch_operands = 0 : i64, tpu.core_type = #tpu.core_type<tc>, window_params = [{transform_indices = @transform_0, window_bounds = array<i64: 2048, 128>}, {transform_indices = @transform_1, window_bounds = array<i64: 3, 2048, 256>}, {transform_indices = @transform_2, window_bounds = array<i64: 2048, 3>}, {pipeline_mode = #tpu.pipeline_mode<synchronous>, transform_indices = @transform_3, window_bounds = array<i64: 128, 256>}, {pipeline_mode = #tpu.pipeline_mode<synchronous>, transform_indices = @transform_4, window_bounds = array<i64: 256, 256>}, {pipeline_mode = #tpu.pipeline_mode<synchronous>, transform_indices = @transform_5, window_bounds = array<i64: 1, 256>}, {pipeline_mode = #tpu.pipeline_mode<synchronous>, transform_indices = @transform_6, window_bounds = array<i64: 1, 256>}, {pipeline_mode = #tpu.pipeline_mode<synchronous>, transform_indices = @transform_7, window_bounds = array<i64: 1, 256>}, {transform_indices = @transform_8, window_bounds = array<i64: 2048, 256>}, {pipeline_mode = #tpu.pipeline_mode<synchronous>, transform_indices = @transform_9, window_bounds = array<i64: 1, 256>}, {pipeline_mode = #tpu.pipeline_mode<synchronous>, transform_indices = @transform_10, window_bounds = array<i64: 1, 256>}]} {
    %get3A = arith.constant 0 : index
    %get3A_0 = arith.constant 0 : index
    %get3A_1 = arith.constant 0 : index
    %get3A_2 = vector.load %arg2[%get3A, %get3A_0, %get3A_1] : memref<3x2048x256xf32, #tpu.memory_space<vmem>>, vector<3x2048x256xf32>
    %get3A_3 = arith.constant 0 : index
    %get3A_4 = arith.constant 0 : index
    %get3A_5 = vector.load %arg3[%get3A_3, %get3A_4] : memref<2048x3xf32, #tpu.memory_space<vmem>>, vector<2048x3xf32>
    %slice3A = vector.extract_strided_slice %get3A_2 {offsets = [0, 0, 0], sizes = [1, 2048, 256], strides = [1, 1, 1]} : vector<3x2048x256xf32> to vector<1x2048x256xf32>
    %squeeze3A = vector.shape_cast %slice3A : vector<1x2048x256xf32> to vector<2048x256xf32>
    %slice3A_6 = vector.extract_strided_slice %get3A_5 {offsets = [0, 0], sizes = [2048, 1], strides = [1, 1]} : vector<2048x3xf32> to vector<2048x1xf32>
    %mul3A = vector.broadcast %slice3A_6 : vector<2048x1xf32> to vector<2048x256xf32>
    %mul3A_7 = arith.mulf %squeeze3A, %mul3A : vector<2048x256xf32>
    %slice3A_8 = vector.extract_strided_slice %get3A_2 {offsets = [1, 0, 0], sizes = [1, 2048, 256], strides = [1, 1, 1]} : vector<3x2048x256xf32> to vector<1x2048x256xf32>
    %squeeze3A_9 = vector.shape_cast %slice3A_8 : vector<1x2048x256xf32> to vector<2048x256xf32>
    %slice3A_10 = vector.extract_strided_slice %get3A_5 {offsets = [0, 1], sizes = [2048, 1], strides = [1, 1]} : vector<2048x3xf32> to vector<2048x1xf32>
    %mul3A_11 = vector.broadcast %slice3A_10 : vector<2048x1xf32> to vector<2048x256xf32>
    %mul3A_12 = arith.mulf %squeeze3A_9, %mul3A_11 : vector<2048x256xf32>
    %add3A = arith.addf %mul3A_7, %mul3A_12 : vector<2048x256xf32>
    %slice3A_13 = vector.extract_strided_slice %get3A_2 {offsets = [2, 0, 0], sizes = [1, 2048, 256], strides = [1, 1, 1]} : vector<3x2048x256xf32> to vector<1x2048x256xf32>
    %squeeze3A_14 = vector.shape_cast %slice3A_13 : vector<1x2048x256xf32> to vector<2048x256xf32>
    %slice3A_15 = vector.extract_strided_slice %get3A_5 {offsets = [0, 2], sizes = [2048, 1], strides = [1, 1]} : vector<2048x3xf32> to vector<2048x1xf32>
    %mul3A_16 = vector.broadcast %slice3A_15 : vector<2048x1xf32> to vector<2048x256xf32>
    %mul3A_17 = arith.mulf %squeeze3A_14, %mul3A_16 : vector<2048x256xf32>
    %add3A_18 = arith.addf %add3A, %mul3A_17 : vector<2048x256xf32>
    %get3A_19 = arith.constant 0 : index
    %get3A_20 = arith.constant 0 : index
    %get3A_21 = vector.load %arg1[%get3A_19, %get3A_20] : memref<2048x128xf32, #tpu.memory_space<vmem>>, vector<2048x128xf32>
    %get3A_22 = arith.constant 0 : index
    %get3A_23 = arith.constant 0 : index
    %get3A_24 = vector.load %arg4[%get3A_22, %get3A_23] : memref<128x256xf32, #tpu.memory_space<vmem>>, vector<128x256xf32>
    %dot_general3A = arith.constant dense<0.000000e+00> : vector<2048x256xf32>
    %dot_general3A_25 = tpu.matmul %get3A_21, %get3A_24, %dot_general3A {dimension_numbers = #tpu.dot_dimension_numbers<[1], [0], [0], [1], [0, 0, 1, 1], [], []>, transpose_lhs_hint = false} : vector<2048x128xf32>, vector<128x256xf32>, vector<2048x256xf32> -> vector<2048x256xf32>
    %get3A_26 = arith.constant 0 : index
    %get3A_27 = arith.constant 0 : index
    %get3A_28 = vector.load %arg6[%get3A_26, %get3A_27] : memref<1x256xf32, #tpu.memory_space<vmem>>, vector<1x256xf32>
    %mul3A_29 = vector.broadcast %get3A_28 : vector<1x256xf32> to vector<2048x256xf32>
    %mul3A_30 = arith.mulf %dot_general3A_25, %mul3A_29 : vector<2048x256xf32>
    %get3A_31 = arith.constant 0 : index
    %get3A_32 = arith.constant 0 : index
    %get3A_33 = vector.load %arg7[%get3A_31, %get3A_32] : memref<1x256xf32, #tpu.memory_space<vmem>>, vector<1x256xf32>
    %add3A_34 = vector.broadcast %get3A_33 : vector<1x256xf32> to vector<2048x256xf32>
    %add3A_35 = arith.addf %mul3A_30, %add3A_34 : vector<2048x256xf32>
    %add3A_36 = arith.addf %add3A_18, %add3A_35 : vector<2048x256xf32>
    %max3A = arith.constant 0.000000e+00 : f32
    %max3A_37 = vector.broadcast %max3A : f32 to vector<2048x256xf32>
    %max3A_38 = arith.maximumf %add3A_36, %max3A_37 : vector<2048x256xf32>
    %get3A_39 = arith.constant 0 : index
    %get3A_40 = arith.constant 0 : index
    %get3A_41 = vector.load %arg5[%get3A_39, %get3A_40] : memref<256x256xf32, #tpu.memory_space<vmem>>, vector<256x256xf32>
    %dot_general3A_42 = arith.constant dense<0.000000e+00> : vector<2048x256xf32>
    %dot_general3A_43 = tpu.matmul %max3A_38, %get3A_41, %dot_general3A_42 {dimension_numbers = #tpu.dot_dimension_numbers<[1], [0], [0], [1], [0, 0, 1, 1], [], []>, transpose_lhs_hint = false} : vector<2048x256xf32>, vector<256x256xf32>, vector<2048x256xf32> -> vector<2048x256xf32>
    %get3A_44 = arith.constant 0 : index
    %get3A_45 = arith.constant 0 : index
    %get3A_46 = vector.load %arg8[%get3A_44, %get3A_45] : memref<1x256xf32, #tpu.memory_space<vmem>>, vector<1x256xf32>
    %add3A_47 = vector.broadcast %get3A_46 : vector<1x256xf32> to vector<2048x256xf32>
    %add3A_48 = arith.addf %dot_general3A_43, %add3A_47 : vector<2048x256xf32>
    %swap3A = arith.constant 0 : index
    %swap3A_49 = arith.constant 0 : index
    %swap3A_50 = vector.load %arg9[%swap3A, %swap3A_49] : memref<2048x256xf32, #tpu.memory_space<vmem>>, vector<2048x256xf32>
    tpu.vector_store %arg9[%swap3A, %swap3A_49], %add3A_48 {strides = array<i32>} : memref<2048x256xf32, #tpu.memory_space<vmem>>, vector<2048x256xf32>,
    %eq3A = arith.constant 0 : i32
    %eq3A_51 = arith.cmpi eq, %arg0, %eq3A : i32
    %convert_element_type3A = arith.extui %eq3A_51 : i1 to i32
    %cond3A = arith.constant 0 : i32
    %cond3A_52 = arith.cmpi ne, %convert_element_type3A, %cond3A : i32
    scf.if %cond3A_52 {
      %broadcast_in_dim3A_72 = arith.constant 0.000000e+00 : f32
      %broadcast_in_dim3A_73 = vector.broadcast %broadcast_in_dim3A_72 : f32 to vector<1x256xf32>
      %swap3A_74 = arith.constant 0 : index
      %swap3A_75 = arith.constant 0 : index
      %swap3A_76 = vector.load %arg10[%swap3A_74, %swap3A_75] : memref<1x256xf32, #tpu.memory_space<vmem>>, vector<1x256xf32>
      tpu.vector_store %arg10[%swap3A_74, %swap3A_75], %broadcast_in_dim3A_73 {strides = array<i32>} : memref<1x256xf32, #tpu.memory_space<vmem>>, vector<1x256xf32>,
      %broadcast_in_dim3A_77 = arith.constant 0.000000e+00 : f32
      %broadcast_in_dim3A_78 = vector.broadcast %broadcast_in_dim3A_77 : f32 to vector<1x256xf32>
      %swap3A_79 = arith.constant 0 : index
      %swap3A_80 = arith.constant 0 : index
      %swap3A_81 = vector.load %arg11[%swap3A_79, %swap3A_80] : memref<1x256xf32, #tpu.memory_space<vmem>>, vector<1x256xf32>
      tpu.vector_store %arg11[%swap3A_79, %swap3A_80], %broadcast_in_dim3A_78 {strides = array<i32>} : memref<1x256xf32, #tpu.memory_space<vmem>>, vector<1x256xf32>,
    } else {
    }
    %get3A_53 = arith.constant 0 : index
    %get3A_54 = arith.constant 0 : index
    %get3A_55 = vector.load %arg10[%get3A_53, %get3A_54] : memref<1x256xf32, #tpu.memory_space<vmem>>, vector<1x256xf32>
    %reduce_sum3A = arith.constant dense<0.000000e+00> : vector<256xf32>
    %reduce_sum3A_56 = vector.multi_reduction <add>, %add3A_48, %reduce_sum3A [0] : vector<2048x256xf32> to vector<256xf32>
    %broadcast_in_dim3A = vector.shape_cast %reduce_sum3A_56 : vector<256xf32> to vector<1x256xf32>
    %add3A_57 = arith.addf %get3A_55, %broadcast_in_dim3A : vector<1x256xf32>
    %swap3A_58 = arith.constant 0 : index
    %swap3A_59 = arith.constant 0 : index
    %swap3A_60 = vector.load %arg10[%swap3A_58, %swap3A_59] : memref<1x256xf32, #tpu.memory_space<vmem>>, vector<1x256xf32>
    tpu.vector_store %arg10[%swap3A_58, %swap3A_59], %add3A_57 {strides = array<i32>} : memref<1x256xf32, #tpu.memory_space<vmem>>, vector<1x256xf32>,
    %get3A_61 = arith.constant 0 : index
    %get3A_62 = arith.constant 0 : index
    %get3A_63 = vector.load %arg11[%get3A_61, %get3A_62] : memref<1x256xf32, #tpu.memory_space<vmem>>, vector<1x256xf32>
    %mul3A_64 = arith.mulf %add3A_48, %add3A_48 : vector<2048x256xf32>
    %reduce_sum3A_65 = arith.constant dense<0.000000e+00> : vector<256xf32>
    %reduce_sum3A_66 = vector.multi_reduction <add>, %mul3A_64, %reduce_sum3A_65 [0] : vector<2048x256xf32> to vector<256xf32>
    %broadcast_in_dim3A_67 = vector.shape_cast %reduce_sum3A_66 : vector<256xf32> to vector<1x256xf32>
    %add3A_68 = arith.addf %get3A_63, %broadcast_in_dim3A_67 : vector<1x256xf32>
    %swap3A_69 = arith.constant 0 : index
    %swap3A_70 = arith.constant 0 : index
    %swap3A_71 = vector.load %arg11[%swap3A_69, %swap3A_70] : memref<1x256xf32, #tpu.memory_space<vmem>>, vector<1x256xf32>
    tpu.vector_store %arg11[%swap3A_69, %swap3A_70], %add3A_68 {strides = array<i32>} : memref<1x256xf32, #tpu.memory_space<vmem>>, vector<1x256xf32>,
    return
  }
  func.func @transform_0(%arg0: i32) -> (i32, i32) {
    %c0_i32 = arith.constant 0 : i32
    %c0_i32_0 = arith.constant 0 : i32
    return %arg0, %c0_i32 : i32, i32
  }
  func.func @transform_1(%arg0: i32) -> (i32, i32, i32) {
    %c0_i32 = arith.constant 0 : i32
    %c0_i32_0 = arith.constant 0 : i32
    %c0_i32_1 = arith.constant 0 : i32
    return %c0_i32, %arg0, %c0_i32_0 : i32, i32, i32
  }
  func.func @transform_2(%arg0: i32) -> (i32, i32) {
    %c0_i32 = arith.constant 0 : i32
    %c0_i32_0 = arith.constant 0 : i32
    return %arg0, %c0_i32 : i32, i32
  }
  func.func @transform_3(%arg0: i32) -> (i32, i32) {
    %c0_i32 = arith.constant 0 : i32
    %c0_i32_0 = arith.constant 0 : i32
    %c0_i32_1 = arith.constant 0 : i32
    return %c0_i32, %c0_i32_0 : i32, i32
  }
  func.func @transform_4(%arg0: i32) -> (i32, i32) {
    %c0_i32 = arith.constant 0 : i32
    %c0_i32_0 = arith.constant 0 : i32
    %c0_i32_1 = arith.constant 0 : i32
    return %c0_i32, %c0_i32_0 : i32, i32
  }
  func.func @transform_5(%arg0: i32) -> (i32, i32) {
    %c0_i32 = arith.constant 0 : i32
    %c0_i32_0 = arith.constant 0 : i32
    %c0_i32_1 = arith.constant 0 : i32
    return %c0_i32, %c0_i32_0 : i32, i32
  }
  func.func @transform_6(%arg0: i32) -> (i32, i32) {
    %c0_i32 = arith.constant 0 : i32
    %c0_i32_0 = arith.constant 0 : i32
    %c0_i32_1 = arith.constant 0 : i32
    return %c0_i32, %c0_i32_0 : i32, i32
  }
  func.func @transform_7(%arg0: i32) -> (i32, i32) {
    %c0_i32 = arith.constant 0 : i32
    %c0_i32_0 = arith.constant 0 : i32
    %c0_i32_1 = arith.constant 0 : i32
    return %c0_i32, %c0_i32_0 : i32, i32
  }
  func.func @transform_8(%arg0: i32) -> (i32, i32) {
    %c0_i32 = arith.constant 0 : i32
    %c0_i32_0 = arith.constant 0 : i32
    return %arg0, %c0_i32 : i32, i32
  }
  func.func @transform_9(%arg0: i32) -> (i32, i32) {
    %c0_i32 = arith.constant 0 : i32
    %c0_i32_0 = arith.constant 0 : i32
    %c0_i32_1 = arith.constant 0 : i32
    return %c0_i32, %c0_i32_0 : i32, i32
  }
  func.func @transform_10(%arg0: i32) -> (i32, i32) {
    %c0_i32 = arith.constant 0 : i32
    %c0_i32_0 = arith.constant 0 : i32
    %c0_i32_1 = arith.constant 0 : i32
    return %c0_i32, %c0_i32_0 : i32, i32
  }
}

module attributes {stable_mosaic.version = 14 : i64} {
  func.func @_finish_body(%arg0: i32, %arg1: memref<2048x256xf32, #tpu.memory_space<vmem>>, %arg2: memref<1x256xf32, #tpu.memory_space<vmem>>, %arg3: memref<1x256xf32, #tpu.memory_space<vmem>>, %arg4: memref<2048x256xf32, #tpu.memory_space<vmem>>) attributes {dimension_semantics = [#tpu.dimension_semantics<arbitrary>], iteration_bounds = array<i64: 8>, scalar_prefetch = 0 : i64, scratch_operands = 0 : i64, tpu.core_type = #tpu.core_type<tc>, window_params = [{transform_indices = @transform_0, window_bounds = array<i64: 2048, 256>}, {pipeline_mode = #tpu.pipeline_mode<synchronous>, transform_indices = @transform_1, window_bounds = array<i64: 1, 256>}, {pipeline_mode = #tpu.pipeline_mode<synchronous>, transform_indices = @transform_2, window_bounds = array<i64: 1, 256>}, {transform_indices = @transform_3, window_bounds = array<i64: 2048, 256>}]} {
    %get3A = arith.constant 0 : index
    %get3A_0 = arith.constant 0 : index
    %get3A_1 = vector.load %arg1[%get3A, %get3A_0] : memref<2048x256xf32, #tpu.memory_space<vmem>>, vector<2048x256xf32>
    %get3A_2 = arith.constant 0 : index
    %get3A_3 = arith.constant 0 : index
    %get3A_4 = vector.load %arg2[%get3A_2, %get3A_3] : memref<1x256xf32, #tpu.memory_space<vmem>>, vector<1x256xf32>
    %mul3A = vector.broadcast %get3A_4 : vector<1x256xf32> to vector<2048x256xf32>
    %mul3A_5 = arith.mulf %get3A_1, %mul3A : vector<2048x256xf32>
    %get3A_6 = arith.constant 0 : index
    %get3A_7 = arith.constant 0 : index
    %get3A_8 = vector.load %arg3[%get3A_6, %get3A_7] : memref<1x256xf32, #tpu.memory_space<vmem>>, vector<1x256xf32>
    %add3A = vector.broadcast %get3A_8 : vector<1x256xf32> to vector<2048x256xf32>
    %add3A_9 = arith.addf %mul3A_5, %add3A : vector<2048x256xf32>
    %max3A = arith.constant 0.000000e+00 : f32
    %max3A_10 = vector.broadcast %max3A : f32 to vector<2048x256xf32>
    %max3A_11 = arith.maximumf %add3A_9, %max3A_10 : vector<2048x256xf32>
    %swap3A = arith.constant 0 : index
    %swap3A_12 = arith.constant 0 : index
    %swap3A_13 = vector.load %arg4[%swap3A, %swap3A_12] : memref<2048x256xf32, #tpu.memory_space<vmem>>, vector<2048x256xf32>
    tpu.vector_store %arg4[%swap3A, %swap3A_12], %max3A_11 {strides = array<i32>} : memref<2048x256xf32, #tpu.memory_space<vmem>>, vector<2048x256xf32>,
    return
  }
  func.func @transform_0(%arg0: i32) -> (i32, i32) {
    %c0_i32 = arith.constant 0 : i32
    %c0_i32_0 = arith.constant 0 : i32
    return %arg0, %c0_i32 : i32, i32
  }
  func.func @transform_1(%arg0: i32) -> (i32, i32) {
    %c0_i32 = arith.constant 0 : i32
    %c0_i32_0 = arith.constant 0 : i32
    %c0_i32_1 = arith.constant 0 : i32
    return %c0_i32, %c0_i32_0 : i32, i32
  }
  func.func @transform_2(%arg0: i32) -> (i32, i32) {
    %c0_i32 = arith.constant 0 : i32
    %c0_i32_0 = arith.constant 0 : i32
    %c0_i32_1 = arith.constant 0 : i32
    return %c0_i32, %c0_i32_0 : i32, i32
  }
  func.func @transform_3(%arg0: i32) -> (i32, i32) {
    %c0_i32 = arith.constant 0 : i32
    %c0_i32_0 = arith.constant 0 : i32
    return %arg0, %c0_i32 : i32, i32
  }
}

</mosaic_0001>

<sc_bundles>
// kernel: kernel.8.cloned.1.call-start
scs
__scs_entry_jumppad:
0x0: {  	(pc) =	sbr.rel $0x88, $3  }
0x1: {  	(tag) =	ssettag $0x0;
	lr =	simm.s32 $0x1  }
0x2: {  	[smem:$0x3F91] =	sst lr;
	_ =	strace $0xD0000000  }
0x3: {  	_ = 	snop  }
0x4: {  	_ = 	snop  }
0x5: {  	_ = 	snop  }
0x6: {  	_ = 	snop  }
0x7: {  	_ = 	snop  }
__scs_overlays_trampoline_lowered:
0x8: {  	[smem:$0x3FA0] =	sst s0  }
0x9: {  	[smem:$0x3FA1] =	sst s1  }
0xa: {  	[smem:$0x3FA2] =	sst s2  }
0xb: {  	[smem:$0x3FA3] =	sst s3  }
0xc: {  	[smem:$0x3FA4] =	sst s4  }
0xd: {  	[smem:$0x3FA5] =	sst s5  }
0xe: {  	[smem:$0x3FA6] =	sst s6  }
0xf: {  	[smem:$0x3FA7] =	sst s7  }
0x10: {  	[smem:$0x3FA8] =	sst s8  }
0x11: {  	[smem:$0x3FA9] =	sst s9;
	s0 =	simm.s32 @!p0 $0x0  }
0x12: {  	s1 =	sld [smem:$0x3F8F];
	s0 =	simm.s32 @p0 $0x1  }
0x13: {  	[smem:$0x3FAA] =	sst s0;
	s0 =	simm.s32 @!p1 $0x0  }
0x14: {  	s2 =	sld [smem:$0x3F8E];
	s0 =	simm.s32 @p1 $0x1  }
0x15: {  	[smem:$0x3FAB] =	sst s0;
	s0 =	simm.s32 @!p2 $0x0  }
0x16: {  	s3 =	sld [smem:$0x3FDB];
	s0 =	simm.s32 @p2 $0x1  }
0x17: {  	s4 =	simm.s32 $0x1BF5;
	[smem:$0x3FAD] =	sst s0  }
0x18: {  	s0 =	sld [smem:$0x3F90];
	_ =	swait.ge [sflag:s4], $0x0  }
0x19: {  	s7 =	sld [smem:$0x3F91]  }
0x1a: {  	s8 =	sadd.s32 $0xFFFFE003, lr  }
0x1b: {  	s9 =	sadd.s32 $0xFFFFFEF7, lr;
	s5 =	simm.s32 $0xFFFFFFFF;
	p2 =	slt.u32 s8, $0xFFFFF086  }
0x1c: {  	p1 =	slt.u32 s9, $0xF7A;
	s5 =	simm.s32 @!p2 $0x0  }
0x1d: {  	s5 =	simm.s32 @p1 $0x1;
	p0 =	seq.s32 s7, s2  }
0x1e: {  	s7 =	smul.u32 @!p0 $0xF7A, s2;
	p2 =	seq.s32 @!p0 s5, $0x0  }
0x1f: {  	s9 =	smul.u32 $0xF7A, s1;
	s8 =	simm.s32 @!p0 $0x1BF5;
	p2 =	por !p2, p0  }
0x20: {  	[sflag:s8] =	ssyncset.s32 @!p0 $0xFFFFF086;
	s6 =	sadd.s32 @!p0 s3, s7;
	s7 =	simm.s32 @!p0 $0x108  }
0x21: {  	s3 =	sadd.s32 s3, s9;
	s6 =	sadd.s32 @!p0 $0x88, s6;
	s7 =	simm.s32 @p2 $0x1082  }
0x22: {  	[simem:s7], [sflag:s8] =	dma.local @!p0 [hbm:s6], $0xF7A  }
0x23: {  	s9 =	sor.u32 $0xD0000000, s2;
	s6 =	simm.s32 $0x108;
	_ =	swait.ge @!p0 [sflag:s8], $0x0  }
0x24: {  	s3 =	sadd.s32 $0x88, s3;
	s6 =	simm.s32 @!p1 $0x1082;
	[sflag:s4] =	ssyncset.s32 $0xFFFFF086  }
0x25: {  	[simem:s6], [sflag:s4] =	dma.local [hbm:s3], $0xF7A  }
0x26: {  	[smem:$0x3F91] =	sst s1;
	(tag) =	ssettag s2;
	_ =	strace s9  }
0x27: {  	s1 =	sld [smem:$0x3FA1]  }
0x28: {  	s2 =	sld [smem:$0x3FA2]  }
0x29: {  	s4 =	sld [smem:$0x3FA4]  }
0x2a: {  	p0 =	seq.s32 s5, $0x0;
	s5 =	sld [smem:$0x3FA5]  }
0x2b: {  	s6 =	sld [smem:$0x3FA6]  }
0x2c: {  	s7 =	sld [smem:$0x3FA7]  }
0x2d: {  	s3 =	simm.s32 $0x108;
	s8 =	sld [smem:$0x3FA8]  }
0x2e: {  	s3 =	simm.s32 @!p0 $0x1082;
	s9 =	sld [smem:$0x3FA9]  }
0x2f: {  	lr =	sadd.s32 s0, s3;
	s0 =	sld [smem:$0x3FA0]  }
0x30: {  	s3 =	sld [smem:$0x3FA3]  }
0x31: {  	[smem:$0x3FAC] =	sst s10  }
0x32: {  	s10 =	sld [smem:$0x3FAA];
	_ =	sdelay $0x3  }
0x33: {  	p0 =	seq.s32 s10, $0x1;
	s10 =	sld [smem:$0x3FAC];
	_ =	sdelay $0x3  }
0x34: {  	[smem:$0x3FAC] =	sst s10  }
0x35: {  	s10 =	sld [smem:$0x3FAB];
	_ =	sdelay $0x3  }
0x36: {  	p1 =	seq.s32 s10, $0x1;
	s10 =	sld [smem:$0x3FAC];
	_ =	sdelay $0x3  }
0x37: {  	[smem:$0x3FAC] =	sst s10  }
0x38: {  	s10 =	sld [smem:$0x3FAD]  }
0x39: {  	_ = 	snop;
	(pc) =	sbr.ind lr, $3  }
0x3a: {  	_ = 	snop  }
0x3b: {  	_ = 	snop  }
0x3c: {  	p2 =	seq.s32 s10, $0x1;
	s10 =	sld [smem:$0x3FAC]  }
0x3d: {  	_ =	shalt  }
0x3e: {  	_ =	shalt  }
0x3f: {  	_ =	shalt  }
0x40: {  	_ =	shalt  }
0x41: {  	_ =	shalt  }
0x42: {  	_ =	shalt  }
0x43: {  	_ =	shalt  }
0x44: {  	_ =	shalt  }
0x45: {  	_ =	shalt  }
0x46: {  	_ =	shalt  }
0x47: {  	_ =	shalt  }
0x48: {  	_ =	shalt  }
0x49: {  	_ =	shalt  }
0x4a: {  	_ =	shalt  }
0x4b: {  	_ =	shalt  }
0x4c: {  	_ =	shalt  }
0x4d: {  	_ =	shalt  }
0x4e: {  	_ =	shalt  }
0x4f: {  	_ =	shalt  }
0x50: {  	_ =	shalt  }
0x51: {  	_ =	shalt  }
0x52: {  	_ =	shalt  }
0x53: {  	_ =	shalt  }
0x54: {  	_ =	shalt  }
0x55: {  	_ =	shalt  }
0x56: {  	_ =	shalt  }
0x57: {  	_ =	shalt  }
0x58: {  	_ =	shalt  }
0x59: {  	_ =	shalt  }
0x5a: {  	_ =	shalt  }
0x5b: {  	_ =	shalt  }
0x5c: {  	_ =	shalt  }
0x5d: {  	_ =	shalt  }
0x5e: {  	_ =	shalt  }
0x5f: {  	_ =	shalt  }
0x60: {  	_ =	shalt  }
0x61: {  	_ =	shalt  }
0x62: {  	_ =	shalt  }
0x63: {  	_ =	shalt  }
0x64: {  	_ =	shalt  }
0x65: {  	_ =	shalt  }
0x66: {  	_ =	shalt  }
0x67: {  	_ =	shalt  }
0x68: {  	_ =	shalt  }
0x69: {  	_ =	shalt  }
0x6a: {  	_ =	shalt  }
0x6b: {  	_ =	shalt  }
0x6c: {  	_ =	shalt  }
0x6d: {  	_ =	shalt  }
0x6e: {  	_ =	shalt  }
0x6f: {  	_ =	shalt  }
0x70: {  	_ =	shalt  }
0x71: {  	_ =	shalt  }
0x72: {  	_ =	shalt  }
0x73: {  	_ =	shalt  }
0x74: {  	_ =	shalt  }
0x75: {  	_ =	shalt  }
0x76: {  	_ =	shalt  }
0x77: {  	_ =	shalt  }
0x78: {  	_ =	shalt  }
0x79: {  	_ =	shalt  }
0x7a: {  	_ =	shalt  }
0x7b: {  	_ =	shalt  }
0x7c: {  	_ =	shalt  }
0x7d: {  	_ =	shalt  }
0x7e: {  	_ =	shalt  }
0x7f: {  	_ =	shalt  }
0x80: {  	_ =	shalt  }
0x81: {  	_ =	shalt  }
0x82: {  	_ =	shalt  }
0x83: {  	_ =	shalt  }
0x84: {  	_ =	shalt  }
0x85: {  	_ =	shalt  }
0x86: {  	_ =	shalt  }
0x87: {  	_ =	shalt  }
.Lfunc_end0:
.L_simem_size_0:
called_computation_lowered:
.L_overlay_start_0:
0x88: {  	s2 =	sld [smem:$0x3FD9]  }
0x89: {  	s3 =	sld [smem:$0x3FFE];
	_ =	sdelay $0x1  }
0x8a: {  	s1 =	srdreg.scid  }
0x8b: {  	s0 =	sand.u32 $0x1, s1  }
0x8c: {  	s16 =	sshll.u32 s0, $0xA;
	s2 =	sadd.s32 s3, s2  }
0x8d: {  	s2 =	sadd.s32 s2, s16  }
0x8e: {  	[smem:$0x3FB8] =	sst s2  }
0x8f: {  	_ = 	snop  }
0x90: {  	(tm) =	ssettm $0x1  }
0x91: {  	s17 =	sld [smem:$0x3FFB];
	_ =	sdelay $0x3  }
0x92: {  	_ =	strace s17  }
0x93: {  	s2 =	sld [smem:$0x3FFC];
	_ =	sdelay $0x3  }
0x94: {  	_ =	strace s2  }
0x95: {  	s2 =	sld [smem:$0x3FFD];
	_ =	sdelay $0x3  }
0x96: {  	_ =	strace s2  }
0x97: {  	_ =	strace $0x8FFFFFFF  }
0x98: {  	s18 =	sld [smem:$0x3FDB];
	_ =	sdelay $0x1  }
0x99: {  	s19 =	simm.s32 $_scs_section_size  }
0x9a: {  	s4 =	simm.s32 $_size__tile_overlayer_lowered;
	s5 =	simm.s32 $_tile_overlayer_lowered  }
0x9b: {  	s22 =	simm.s32 $0x1BFF;
	s21 =	sshll.u32 s5, $0x1;
	s2 =	sadd.s32 s19, s18  }
0x9c: {  	s6 =	simm.s32 $0x0;
	s20 =	sshll.u32 s4, $0x1;
	s4 =	sadd.s32 s21, s2  }
0x9d: {  	[timem:s6], [sflag:s22] =	dma.local [hbm:s4], s20  }
0x9e: {  	_ =	swait.ge [sflag:s22], s20  }
0x9f: {  	s3 =	ssub.s32 $0x0, s20;
	[sflag:s22] =	ssyncset.done $0x0  }
0xa0: {  	[sflag:s22] =	ssyncadd.s32 s3;
	_ =	sdelay $0x1  }
0xa1: {  	s23 =	simm.s32 $0x1B8B  }
0xa2: {  	_ =	swait.ge [sflag:s23], $0x1  }
0xa3: {  	[sflag:s23] =	ssyncset.done $0x0  }
0xa4: {  	s25 =	simm.s32 $0x1B8E;
	s24 =	sld [smem:$0x3FFE];
	[sflag:s23] =	ssyncadd.s32 $0xFFFFFFFF  }
0xa5: {  	s26 =	simm.s32 $execute0_lowered;
	[smem:$0x3FD2] =	sst s25  }
0xa6: {  	s4 =	sshll.u32 s26, $0x1;
	_ =	strace $0x80000046;
	[dreg:$0x1] =	wrdreg $0xFFFFFFFF  }
0xa7: {  	s28 =	simm.s32 $_size_execute0_lowered;
	s2 =	sadd.s32 s2, s4;
	[dreg:$0x0] =	wrdreg $0x0  }
0xa8: {  	s4 =	sshll.u32 s28, $0x1;
	[dreg:$0x2] =	wrdreg s2  }
0xa9: {  	[dreg:$0x3] =	wrdreg s4  }
0xaa: {  	[dreg:$0x4] =	wrdreg $0xC0  }
0xab: {  	_ =	task [dreg:s6], $0x5FFFF  }
0xac: {  	[dreg:$0x1] =	wrdreg $0xFFFFFFFF  }
0xad: {  	[dreg:$0x0] =	wrdreg $0x60  }
0xae: {  	[dreg:$0x2] =	wrdreg s24  }
0xaf: {  	[dreg:$0x3] =	wrdreg $0x9  }
0xb0: {  	_ =	task.clear_ibuf [dreg:s6], $0x4FFFF;
	_ =	strace $0x90000046  }
0xb1: {  	s29 =	simm.s32 $0x9;
	_ =	strace $0x80000048  }
0xb2: {  	_ =	swait.ge [sflag:s29], $0x1  }
0xb3: {  	[sflag:s29] =	ssyncadd.s32 $0xFFFFFFFF  }
0xb4: {  	_ =	strace $0x90000048  }
0xb5: {  	_ =	sfence  }
0xb6: {  	s30 =	sld [smem:$0x0];
	_ =	sdelay $0x2  }
0xb7: {  	s31 =	sshll.u32 s1, $0xD;
	s1 =	sshrl.u32 s1, $0x2  }
0xb8: {  	s3 =	sand.u32 $0x4000, s31;
	s1 =	sadd.s32 s1, s30  }
0xb9: {  	s0 =	sor.u32 s3, s0;
	s1 =	sshll.u32 s1, $0x11  }
0xba: {  	s0 =	sor.u32 s1, s0  }
0xbb: {  	s0 =	sadd.s32 $0x8F2B, s0  }
0xbc: {  	[sflag:s0] =	ssyncadd.remote.s32 $0x1  }
0xbd: {  	_ =	sfence.sel $0xFFFF  }
0xbe: {  	[dreg:$0x0] =	wrdreg $0xFFFFFFFF;
	(pc) =	sbr.abs _section_cstart, $3  }
0xbf: {  	[dreg:$0x1] =	wrdreg $0xFFFFFFFF  }
0xc0: {  	_ =	task.clear_ibuf [dreg:s6], $0x2FFFF;
	_ =	strace $0x9FFFFFFF  }
0xc1: {  	(tm) =	ssettm $0x7FFFFFFF  }
tec
execute0_lowered:
.L_overlay_start_1:
0x0: {  	(tag) =	ssettag $0x1  }
0x1: {  	s1 =	srdreg.scid;
	s2 =	stileid.u32  }
0x2: {  	s5 =	sand.u32 $0x1, s1;
	s11 =	sshll.u32 s2, $0x1  }
0x3: {  	s0 =	rddreg [dreg:$0x0];
	s1 =	sor.u32 s5, s11  }
0x4: {  	s2 =	simm.s32 $0x0;
	s3 =	sadd.s32 $0x3000, s0;
	s4 =	smul.u32 $0x600, s1  }
0x5: {  	[smem:$0x7FF] =	sst s2;
	s5 =	ssub.s32 $0x2, s5;
	s9 =	smul.u32 $0xC000, s1  }
0x6: {  	_ =	strace $0x80000047;
	s1 =	sadd.s32 $0x24800, s0;
	s6 =	sshrl.u32 s4, $0x3  }
0x7: {  	s7 =	sor.u32 $0x80, s4;
	s13 =	sadd.s32 s1, s9;
	s14 =	sor.u32 $0x100, s4  }
0x8: {  	s16 =	sor.u32 $0x180, s4;
	s22 =	sadd.s32 $0x200, s4;
	s25 =	sadd.s32 $0x280, s4  }
0x9: {  	s31 =	sadd.s32 $0x300, s4;
	s11 =	sadd.s32 $0x380, s4;
	s6 =	sadd.s32 s3, s6  }
0xa: {  	s8 =	sshrl.u32 s7, $0x3;
	[dreg:$0x4] =	wrdreg s13;
	s15 =	sshrl.u32 s14, $0x3  }
0xb: {  	s7 =	sshll.u32 s7, $0x5;
	s18 =	sshrl.u32 s16, $0x3;
	s20 =	sshll.u32 s14, $0x5  }
0xc: {  	s23 =	sshrl.u32 s22, $0x3;
	s24 =	sshll.u32 s16, $0x5;
	s28 =	sshrl.u32 s25, $0x3  }
0xd: {  	s10 =	sshll.u32 s25, $0x5;
	s13 =	sshrl.u32 s11, $0x3;
	s16 =	sadd.s32 $0x400, s4  }
0xe: {  	s25 =	sshrl.u32 s5, $0x1;
	[dreg:$0x2] =	wrdreg s6;
	s12 =	sadd.s32 s3, s8  }
0xf: {  	s6 =	sadd.s32 s3, s15;
	s17 =	sadd.s32 s1, s7;
	[dreg:$0x3] =	wrdreg s12  }
0x10: {  	s19 =	sadd.s32 s3, s18;
	s21 =	sadd.s32 s1, s20;
	[dreg:$0x5] =	wrdreg s6  }
0x11: {  	s26 =	sadd.s32 s1, s24;
	s29 =	sadd.s32 s3, s28;
	[dreg:$0x6] =	wrdreg s17  }
0x12: {  	s7 =	sshll.u32 s22, $0x5;
	s8 =	sshrl.u32 s31, $0x3;
	[dreg:$0x7] =	wrdreg s19  }
0x13: {  	s14 =	sadd.s32 s3, s13;
	s18 =	sshll.u32 s11, $0x5;
	[dreg:$0x8] =	wrdreg s21  }
0x14: {  	s24 =	sadd.s32 $0x500, s4;
	s5 =	ssub.s32 s5, s25;
	[dreg:$0xa] =	wrdreg s26  }
0x15: {  	s13 =	simm.s32 $0x1;
	s6 =	sadd.s32 s3, s23;
	[dreg:$0xb] =	wrdreg s29  }
0x16: {  	s30 =	sadd.s32 s1, s7;
	s12 =	sadd.s32 s1, s10;
	[dreg:$0xf] =	wrdreg s14  }
0x17: {  	s7 =	sshll.u32 s31, $0x5;
	s17 =	sshrl.u32 s16, $0x3;
	[dreg:$0x9] =	wrdreg s6  }
0x18: {  	s19 =	sadd.s32 $0x480, s4;
	s20 =	sadd.s32 s1, s18;
	[dreg:$0xc] =	wrdreg s30  }
0x19: {  	s26 =	sshrl.u32 s24, $0x3;
	s4 =	sadd.s32 $0x580, s4;
	[dreg:$0xe] =	wrdreg s12  }
0x1a: {  	s14 =	simm.s32 $0x2;
	s6 =	sadd.s32 s3, s8;
	[dreg:$0x12] =	wrdreg s20  }
0x1b: {  	s15 =	sadd.s32 s1, s7;
	s21 =	sshrl.u32 s19, $0x3;
	[dreg:$0xd] =	wrdreg s6  }
0x1c: {  	s7 =	sshll.u32 s16, $0x5;
	[dreg:$0x10] =	wrdreg s15;
	s6 =	sadd.s32 s3, s17  }
0x1d: {  	s9 =	sshll.u32 s19, $0x5;
	s22 =	sadd.s32 s3, s21;
	[dreg:$0x11] =	wrdreg s6  }
0x1e: {  	s29 =	sshrl.u32 s4, $0x3;
	s23 =	sadd.s32 s1, s7;
	[dreg:$0x13] =	wrdreg s22  }
0x1f: {  	s30 =	sshll.u32 s24, $0x5;
	s28 =	sadd.s32 s1, s9;
	[dreg:$0x14] =	wrdreg s23  }
0x20: {  	s4 =	sshll.u32 s4, $0x5;
	s31 =	sadd.s32 s1, s30;
	[dreg:$0x16] =	wrdreg s28  }
0x21: {  	s16 =	simm.s32 $0x100;
	s1 =	sadd.s32 s1, s4;
	[dreg:$0x18] =	wrdreg s31  }
0x22: {  	v2 =	vlaneseq.u32;
	s4 =	smax.u32 s5, $0x1;
	s6 =	sadd.s32 s3, s26;
	[dreg:$0x19] =	wrdreg s1  }
0x23: {  	vm0 =	vmmov $0xffff;
	v1 =	vshrl.u32 v2, $0x3;
	s5 =	simm.s32 $0x3;
	s3 =	sadd.s32 s3, s29;
	[dreg:$0x15] =	wrdreg s6  }
0x24: {  	v0 =	vand.u32 $0x7, v2;
	v2 =	vor.u32 $0x8, v2;
	v1 =	vmul.u32 $0x8, v1;
	s23 =	simm.s32 $0x8100;
	[dreg:$0x17] =	wrdreg s3;
	s3 =	sadd.s32 $0x4800, s0  }
.LBB2_1:
0x25: {  	s15 =	rddreg [dreg:$0x2]  }
0x26: {  	[tilespmem:s2], [sflag:$0x3] =	stream.linear.gather [hbm4b:s15+s2], $0x80, $0x38;
	[tilespmem:$0x10100] =	vst v63  }
0x27: {  	_ =	swait.ge [sflag:s5], $0x80  }
0x28: {  	[sflag:s5] =	ssyncset.done $0x0  }
0x29: {  	[sflag:s5] =	ssyncadd.s32 $0xFFFFFF80  }
0x2a: {  	v3 =	vld [tilespmem:$0x0];
	_ =	sdelay $0x4  }
0x2b: {  	v4 =	vshll.u32 v3, $0x1  }
0x2c: {  	v3 =	vand.u32 $0x7, v3;
	v4 =	vand.u32 $0xFFFFFFF0, v4  }
0x2d: {  	v3 =	vor.u32 v3, v4  }
0x2e: {  	v4 =	vperm.xlane v3, v0;
	_ =	sdelay $0x1  }
0x2f: {  	v3 =	vperm.xlane v3, v2;
	v4 =	vadd.s32 v1, v4;
	_ =	sdelay $0x1  }
0x30: {  	v3 =	vadd.s32 v1, v3;
	_ =	sdelay $0x2  }
0x31: {  	[tilespmem:s16], [sflag:$0x1] =	stream.indirect_vreg.gather [hbm4b:s3+s2], $0x80, v4, vm0, $0xb8;
	[tilespmem:$0x10100] =	vst v63  }
0x32: {  	s0 =	simm.s32 $0x900  }
0x33: {  	[tilespmem:s0], [sflag:$0x1] =	stream.indirect_vreg.gather [hbm4b:s3+s2], $0x80, v3, vm0, $0xb8;
	[tilespmem:$0x10100] =	vst v63  }
0x34: {  	v3 =	vld [tilespmem:$0x10];
	_ =	sdelay $0x4  }
0x35: {  	v25 =	vshll.u32 v3, $0x1  }
0x36: {  	v3 =	vand.u32 $0x7, v3;
	v4 =	vand.u32 $0xFFFFFFF0, v25  }
0x37: {  	v3 =	vor.u32 v3, v4  }
0x38: {  	v4 =	vperm.xlane v3, v0;
	_ =	sdelay $0x1  }
0x39: {  	v3 =	vperm.xlane v3, v2;
	v4 =	vadd.s32 v1, v4;
	_ =	sdelay $0x1  }
0x3a: {  	v3 =	vadd.s32 v1, v3;
	_ =	sdelay $0x1  }
0x3b: {  	s28 =	simm.s32 $0x1100  }
0x3c: {  	[tilespmem:s28], [sflag:$0x1] =	stream.indirect_vreg.gather [hbm4b:s3+s2], $0x80, v4, vm0, $0xb8;
	[tilespmem:$0x10100] =	vst v63  }
0x3d: {  	s29 =	simm.s32 $0x1900  }
0x3e: {  	[tilespmem:s29], [sflag:$0x1] =	stream.indirect_vreg.gather [hbm4b:s3+s2], $0x80, v3, vm0, $0xb8;
	[tilespmem:$0x10100] =	vst v63  }
0x3f: {  	v3 =	vld [tilespmem:$0x20];
	_ =	sdelay $0x4  }
0x40: {  	v26 =	vshll.u32 v3, $0x1  }
0x41: {  	v3 =	vand.u32 $0x7, v3;
	v4 =	vand.u32 $0xFFFFFFF0, v26  }
0x42: {  	v3 =	vor.u32 v3, v4  }
0x43: {  	v4 =	vperm.xlane v3, v0;
	_ =	sdelay $0x1  }
0x44: {  	v3 =	vperm.xlane v3, v2;
	v4 =	vadd.s32 v1, v4;
	_ =	sdelay $0x1  }
0x45: {  	v3 =	vadd.s32 v1, v3;
	_ =	sdelay $0x1  }
0x46: {  	s30 =	simm.s32 $0x2100  }
0x47: {  	[tilespmem:s30], [sflag:$0x1] =	stream.indirect_vreg.gather [hbm4b:s3+s2], $0x80, v4, vm0, $0xb8;
	[tilespmem:$0x10100] =	vst v63  }
0x48: {  	s31 =	simm.s32 $0x2900  }
0x49: {  	[tilespmem:s31], [sflag:$0x1] =	stream.indirect_vreg.gather [hbm4b:s3+s2], $0x80, v3, vm0, $0xb8;
	[tilespmem:$0x10100] =	vst v63  }
0x4a: {  	v3 =	vld [tilespmem:$0x30];
	_ =	sdelay $0x4  }
0x4b: {  	v27 =	vshll.u32 v3, $0x1  }
0x4c: {  	v3 =	vand.u32 $0x7, v3;
	v4 =	vand.u32 $0xFFFFFFF0, v27  }
0x4d: {  	v3 =	vor.u32 v3, v4  }
0x4e: {  	v4 =	vperm.xlane v3, v0;
	_ =	sdelay $0x1  }
0x4f: {  	v3 =	vperm.xlane v3, v2;
	v4 =	vadd.s32 v1, v4;
	_ =	sdelay $0x1  }
0x50: {  	v3 =	vadd.s32 v1, v3;
	_ =	sdelay $0x1  }
0x51: {  	s7 =	simm.s32 $0x3100  }
0x52: {  	[tilespmem:s7], [sflag:$0x1] =	stream.indirect_vreg.gather [hbm4b:s3+s2], $0x80, v4, vm0, $0xb8;
	[tilespmem:$0x10100] =	vst v63  }
0x53: {  	s8 =	simm.s32 $0x3900  }
0x54: {  	[tilespmem:s8], [sflag:$0x1] =	stream.indirect_vreg.gather [hbm4b:s3+s2], $0x80, v3, vm0, $0xb8;
	[tilespmem:$0x10100] =	vst v63  }
0x55: {  	v3 =	vld [tilespmem:$0x40];
	_ =	sdelay $0x4  }
0x56: {  	v28 =	vshll.u32 v3, $0x1  }
0x57: {  	v3 =	vand.u32 $0x7, v3;
	v4 =	vand.u32 $0xFFFFFFF0, v28  }
0x58: {  	v3 =	vor.u32 v3, v4  }
0x59: {  	v4 =	vperm.xlane v3, v0;
	_ =	sdelay $0x1  }
0x5a: {  	v3 =	vperm.xlane v3, v2;
	v4 =	vadd.s32 v1, v4;
	_ =	sdelay $0x1  }
0x5b: {  	v3 =	vadd.s32 v1, v3;
	_ =	sdelay $0x1  }
0x5c: {  	s9 =	simm.s32 $0x4100  }
0x5d: {  	[tilespmem:s9], [sflag:$0x1] =	stream.indirect_vreg.gather [hbm4b:s3+s2], $0x80, v4, vm0, $0xb8;
	[tilespmem:$0x10100] =	vst v63  }
0x5e: {  	s10 =	simm.s32 $0x4900  }
0x5f: {  	[tilespmem:s10], [sflag:$0x1] =	stream.indirect_vreg.gather [hbm4b:s3+s2], $0x80, v3, vm0, $0xb8;
	[tilespmem:$0x10100] =	vst v63  }
0x60: {  	v3 =	vld [tilespmem:$0x50];
	_ =	sdelay $0x4  }
0x61: {  	v29 =	vshll.u32 v3, $0x1  }
0x62: {  	v3 =	vand.u32 $0x7, v3;
	v4 =	vand.u32 $0xFFFFFFF0, v29  }
0x63: {  	v3 =	vor.u32 v3, v4  }
0x64: {  	v4 =	vperm.xlane v3, v0;
	_ =	sdelay $0x1  }
0x65: {  	v3 =	vperm.xlane v3, v2;
	v4 =	vadd.s32 v1, v4;
	_ =	sdelay $0x1  }
0x66: {  	v3 =	vadd.s32 v1, v3;
	_ =	sdelay $0x1  }
0x67: {  	s11 =	simm.s32 $0x5100  }
0x68: {  	[tilespmem:s11], [sflag:$0x1] =	stream.indirect_vreg.gather [hbm4b:s3+s2], $0x80, v4, vm0, $0xb8;
	[tilespmem:$0x10100] =	vst v63  }
0x69: {  	s12 =	simm.s32 $0x5900  }
0x6a: {  	[tilespmem:s12], [sflag:$0x1] =	stream.indirect_vreg.gather [hbm4b:s3+s2], $0x80, v3, vm0, $0xb8;
	[tilespmem:$0x10100] =	vst v63  }
0x6b: {  	v3 =	vld [tilespmem:$0x60];
	_ =	sdelay $0x4  }
0x6c: {  	v30 =	vshll.u32 v3, $0x1  }
0x6d: {  	v3 =	vand.u32 $0x7, v3;
	v4 =	vand.u32 $0xFFFFFFF0, v30  }
0x6e: {  	v3 =	vor.u32 v3, v4  }
0x6f: {  	v4 =	vperm.xlane v3, v0;
	_ =	sdelay $0x1  }
0x70: {  	v3 =	vperm.xlane v3, v2;
	v4 =	vadd.s32 v1, v4;
	_ =	sdelay $0x1  }
0x71: {  	v3 =	vadd.s32 v1, v3;
	_ =	sdelay $0x1  }
0x72: {  	s15 =	simm.s32 $0x6100  }
0x73: {  	[tilespmem:s15], [sflag:$0x1] =	stream.indirect_vreg.gather [hbm4b:s3+s2], $0x80, v4, vm0, $0xb8;
	[tilespmem:$0x10100] =	vst v63  }
0x74: {  	s17 =	simm.s32 $0x6900  }
0x75: {  	[tilespmem:s17], [sflag:$0x1] =	stream.indirect_vreg.gather [hbm4b:s3+s2], $0x80, v3, vm0, $0xb8;
	[tilespmem:$0x10100] =	vst v63  }
0x76: {  	v3 =	vld [tilespmem:$0x70];
	_ =	sdelay $0x4  }
0x77: {  	v31 =	vshll.u32 v3, $0x1  }
0x78: {  	v3 =	vand.u32 $0x7, v3;
	v4 =	vand.u32 $0xFFFFFFF0, v31  }
0x79: {  	v3 =	vor.u32 v3, v4  }
0x7a: {  	v4 =	vperm.xlane v3, v0;
	_ =	sdelay $0x1  }
0x7b: {  	v3 =	vperm.xlane v3, v2;
	v4 =	vadd.s32 v1, v4;
	_ =	sdelay $0x1  }
0x7c: {  	v3 =	vadd.s32 v1, v3;
	_ =	sdelay $0x1  }
0x7d: {  	s18 =	simm.s32 $0x7100  }
0x7e: {  	[tilespmem:s18], [sflag:$0x1] =	stream.indirect_vreg.gather [hbm4b:s3+s2], $0x80, v4, vm0, $0xb8;
	[tilespmem:$0x10100] =	vst v63  }
0x7f: {  	s20 =	simm.s32 $0x7900  }
0x80: {  	[tilespmem:s20], [sflag:$0x1] =	stream.indirect_vreg.gather [hbm4b:s3+s2], $0x80, v3, vm0, $0xb8;
	[tilespmem:$0x10100] =	vst v63  }
0x81: {  	s21 =	simm.s32 $0x80;
	s19 =	rddreg [dreg:$0x3]  }
0x82: {  	[tilespmem:s21], [sflag:$0x3] =	stream.linear.gather [hbm4b:s19+s2], $0x80, $0x38;
	[tilespmem:$0x10100] =	vst v63  }
0x83: {  	_ =	swait.ge [sflag:s5], $0x80  }
0x84: {  	[sflag:s5] =	ssyncset.done $0x0  }
0x85: {  	[sflag:s5] =	ssyncadd.s32 $0xFFFFFF80  }
0x86: {  	v3 =	vld [tilespmem:$0x80];
	_ =	sdelay $0x4  }
0x87: {  	v32 =	vshll.u32 v3, $0x1  }
0x88: {  	v3 =	vand.u32 $0x7, v3;
	v4 =	vand.u32 $0xFFFFFFF0, v32  }
0x89: {  	v3 =	vor.u32 v3, v4  }
0x8a: {  	v4 =	vperm.xlane v3, v0;
	_ =	sdelay $0x1  }
0x8b: {  	v3 =	vperm.xlane v3, v2;
	v4 =	vadd.s32 v1, v4;
	_ =	sdelay $0x1  }
0x8c: {  	v3 =	vadd.s32 v1, v3;
	_ =	sdelay $0x2  }
0x8d: {  	[tilespmem:s23], [sflag:$0x1] =	stream.indirect_vreg.gather [hbm4b:s3+s2], $0x80, v4, vm0, $0xb8;
	[tilespmem:$0x10100] =	vst v63  }
0x8e: {  	s25 =	simm.s32 $0x8900  }
0x8f: {  	[tilespmem:s25], [sflag:$0x1] =	stream.indirect_vreg.gather [hbm4b:s3+s2], $0x80, v3, vm0, $0xb8;
	[tilespmem:$0x10100] =	vst v63  }
0x90: {  	v3 =	vld [tilespmem:$0x90];
	_ =	sdelay $0x4  }
0x91: {  	v33 =	vshll.u32 v3, $0x1  }
0x92: {  	v3 =	vand.u32 $0x7, v3;
	v4 =	vand.u32 $0xFFFFFFF0, v33  }
0x93: {  	v3 =	vor.u32 v3, v4  }
0x94: {  	v4 =	vperm.xlane v3, v0;
	_ =	sdelay $0x1  }
0x95: {  	v3 =	vperm.xlane v3, v2;
	v4 =	vadd.s32 v1, v4;
	_ =	sdelay $0x1  }
0x96: {  	v3 =	vadd.s32 v1, v3;
	_ =	sdelay $0x1  }
0x97: {  	s28 =	simm.s32 $0x9100  }
0x98: {  	[tilespmem:s28], [sflag:$0x1] =	stream.indirect_vreg.gather [hbm4b:s3+s2], $0x80, v4, vm0, $0xb8;
	[tilespmem:$0x10100] =	vst v63  }
0x99: {  	s30 =	simm.s32 $0x9900  }
0x9a: {  	[tilespmem:s30], [sflag:$0x1] =	stream.indirect_vreg.gather [hbm4b:s3+s2], $0x80, v3, vm0, $0xb8;
	[tilespmem:$0x10100] =	vst v63  }
0x9b: {  	v3 =	vld [tilespmem:$0xA0];
	_ =	sdelay $0x4  }
0x9c: {  	v34 =	vshll.u32 v3, $0x1  }
0x9d: {  	v3 =	vand.u32 $0x7, v3;
	v4 =	vand.u32 $0xFFFFFFF0, v34  }
0x9e: {  	v3 =	vor.u32 v3, v4  }
0x9f: {  	v4 =	vperm.xlane v3, v0;
	_ =	sdelay $0x1  }
0xa0: {  	v3 =	vperm.xlane v3, v2;
	v4 =	vadd.s32 v1, v4;
	_ =	sdelay $0x1  }
0xa1: {  	v3 =	vadd.s32 v1, v3;
	_ =	sdelay $0x1  }
0xa2: {  	s31 =	simm.s32 $0xA100  }
0xa3: {  	[tilespmem:s31], [sflag:$0x1] =	stream.indirect_vreg.gather [hbm4b:s3+s2], $0x80, v4, vm0, $0xb8;
	[tilespmem:$0x10100] =	vst v63  }
0xa4: {  	s7 =	simm.s32 $0xA900  }
0xa5: {  	[tilespmem:s7], [sflag:$0x1] =	stream.indirect_vreg.gather [hbm4b:s3+s2], $0x80, v3, vm0, $0xb8;
	[tilespmem:$0x10100] =	vst v63  }
0xa6: {  	v3 =	vld [tilespmem:$0xB0];
	_ =	sdelay $0x4  }
0xa7: {  	v35 =	vshll.u32 v3, $0x1  }
0xa8: {  	v3 =	vand.u32 $0x7, v3;
	v4 =	vand.u32 $0xFFFFFFF0, v35  }
0xa9: {  	v3 =	vor.u32 v3, v4  }
0xaa: {  	v4 =	vperm.xlane v3, v0;
	_ =	sdelay $0x1  }
0xab: {  	v3 =	vperm.xlane v3, v2;
	v4 =	vadd.s32 v1, v4;
	_ =	sdelay $0x1  }
0xac: {  	v3 =	vadd.s32 v1, v3;
	_ =	sdelay $0x1  }
0xad: {  	s8 =	simm.s32 $0xB100  }
0xae: {  	[tilespmem:s8], [sflag:$0x1] =	stream.indirect_vreg.gather [hbm4b:s3+s2], $0x80, v4, vm0, $0xb8;
	[tilespmem:$0x10100] =	vst v63  }
0xaf: {  	s9 =	simm.s32 $0xB900  }
0xb0: {  	[tilespmem:s9], [sflag:$0x1] =	stream.indirect_vreg.gather [hbm4b:s3+s2], $0x80, v3, vm0, $0xb8;
	[tilespmem:$0x10100] =	vst v63  }
0xb1: {  	v3 =	vld [tilespmem:$0xC0];
	_ =	sdelay $0x4  }
0xb2: {  	v36 =	vshll.u32 v3, $0x1  }
0xb3: {  	v3 =	vand.u32 $0x7, v3;
	v4 =	vand.u32 $0xFFFFFFF0, v36  }
0xb4: {  	v3 =	vor.u32 v3, v4  }
0xb5: {  	v4 =	vperm.xlane v3, v0;
	_ =	sdelay $0x1  }
0xb6: {  	v3 =	vperm.xlane v3, v2;
	v4 =	vadd.s32 v1, v4;
	_ =	sdelay $0x1  }
0xb7: {  	v3 =	vadd.s32 v1, v3;
	_ =	sdelay $0x1  }
0xb8: {  	s10 =	simm.s32 $0xC100  }
0xb9: {  	[tilespmem:s10], [sflag:$0x1] =	stream.indirect_vreg.gather [hbm4b:s3+s2], $0x80, v4, vm0, $0xb8;
	[tilespmem:$0x10100] =	vst v63  }
0xba: {  	s12 =	simm.s32 $0xC900  }
0xbb: {  	[tilespmem:s12], [sflag:$0x1] =	stream.indirect_vreg.gather [hbm4b:s3+s2], $0x80, v3, vm0, $0xb8;
	[tilespmem:$0x10100] =	vst v63  }
0xbc: {  	v3 =	vld [tilespmem:$0xD0];
	_ =	sdelay $0x4  }
0xbd: {  	v37 =	vshll.u32 v3, $0x1  }
0xbe: {  	v3 =	vand.u32 $0x7, v3;
	v4 =	vand.u32 $0xFFFFFFF0, v37  }
0xbf: {  	v3 =	vor.u32 v3, v4  }
0xc0: {  	v4 =	vperm.xlane v3, v0;
	_ =	sdelay $0x1  }
0xc1: {  	v3 =	vperm.xlane v3, v2;
	v4 =	vadd.s32 v1, v4;
	_ =	sdelay $0x1  }
0xc2: {  	v3 =	vadd.s32 v1, v3;
	_ =	sdelay $0x1  }
0xc3: {  	s17 =	simm.s32 $0xD100  }
0xc4: {  	[tilespmem:s17], [sflag:$0x1] =	stream.indirect_vreg.gather [hbm4b:s3+s2], $0x80, v4, vm0, $0xb8;
	[tilespmem:$0x10100] =	vst v63  }
0xc5: {  	s20 =	simm.s32 $0xD900  }
0xc6: {  	[tilespmem:s20], [sflag:$0x1] =	stream.indirect_vreg.gather [hbm4b:s3+s2], $0x80, v3, vm0, $0xb8;
	[tilespmem:$0x10100] =	vst v63  }
0xc7: {  	v3 =	vld [tilespmem:$0xE0];
	_ =	sdelay $0x4  }
0xc8: {  	v38 =	vshll.u32 v3, $0x1  }
0xc9: {  	v3 =	vand.u32 $0x7, v3;
	v4 =	vand.u32 $0xFFFFFFF0, v38  }
0xca: {  	v3 =	vor.u32 v3, v4  }
0xcb: {  	v4 =	vperm.xlane v3, v0;
	_ =	sdelay $0x1  }
0xcc: {  	v3 =	vperm.xlane v3, v2;
	v4 =	vadd.s32 v1, v4;
	_ =	sdelay $0x1  }
0xcd: {  	v3 =	vadd.s32 v1, v3;
	_ =	sdelay $0x1  }
0xce: {  	s21 =	simm.s32 $0xE100  }
0xcf: {  	[tilespmem:s21], [sflag:$0x1] =	stream.indirect_vreg.gather [hbm4b:s3+s2], $0x80, v4, vm0, $0xb8;
	[tilespmem:$0x10100] =	vst v63  }
0xd0: {  	s25 =	simm.s32 $0xE900  }
0xd1: {  	[tilespmem:s25], [sflag:$0x1] =	stream.indirect_vreg.gather [hbm4b:s3+s2], $0x80, v3, vm0, $0xb8;
	[tilespmem:$0x10100] =	vst v63  }
0xd2: {  	v3 =	vld [tilespmem:$0xF0];
	_ =	sdelay $0x4  }
0xd3: {  	v39 =	vshll.u32 v3, $0x1  }
0xd4: {  	v3 =	vand.u32 $0x7, v3;
	v4 =	vand.u32 $0xFFFFFFF0, v39  }
0xd5: {  	v3 =	vor.u32 v3, v4  }
0xd6: {  	v4 =	vperm.xlane v3, v0;
	_ =	sdelay $0x1  }
0xd7: {  	v3 =	vperm.xlane v3, v2;
	v4 =	vadd.s32 v1, v4;
	_ =	sdelay $0x1  }
0xd8: {  	v3 =	vadd.s32 v1, v3;
	_ =	sdelay $0x1  }
0xd9: {  	s28 =	simm.s32 $0xF100  }
0xda: {  	[tilespmem:s28], [sflag:$0x1] =	stream.indirect_vreg.gather [hbm4b:s3+s2], $0x80, v4, vm0, $0xb8;
	[tilespmem:$0x10100] =	vst v63  }
0xdb: {  	s30 =	simm.s32 $0xF900  }
0xdc: {  	[tilespmem:s30], [sflag:$0x1] =	stream.indirect_vreg.gather [hbm4b:s3+s2], $0x80, v3, vm0, $0xb8;
	[tilespmem:$0x10100] =	vst v63  }
0xdd: {  	_ =	swait.ge [sflag:s13], $0x8000  }
0xde: {  	[sflag:s13] =	ssyncset.done $0x0  }
0xdf: {  	s31 =	rddreg [dreg:$0x4];
	[sflag:s13] =	ssyncadd.s32 $0xFFFF8000  }
0xe0: {  	[hbm4b:s31+s2] =	stream.linear.scatter [tilespmem:s16], [sflag:$0x2], $0x8000, $0x38;
	[tilespmem:$0x10100] =	vst v63  }
0xe1: {  	_ =	swait.ge [sflag:s14], $0x8000  }
0xe2: {  	[sflag:s14] =	ssyncset.done $0x0  }
0xe3: {  	s0 =	rddreg [dreg:$0x5];
	[sflag:s14] =	ssyncadd.s32 $0xFFFF8000  }
0xe4: {  	[tilespmem:s2], [sflag:$0x3] =	stream.linear.gather [hbm4b:s0+s2], $0x80, $0x38;
	[tilespmem:$0x10100] =	vst v63  }
0xe5: {  	_ =	swait.ge [sflag:s5], $0x80  }
0xe6: {  	[sflag:s5] =	ssyncset.done $0x0  }
0xe7: {  	[sflag:s5] =	ssyncadd.s32 $0xFFFFFF80  }
0xe8: {  	v3 =	vld [tilespmem:$0x0];
	_ =	sdelay $0x4  }
0xe9: {  	v40 =	vshll.u32 v3, $0x1  }
0xea: {  	v3 =	vand.u32 $0x7, v3;
	v4 =	vand.u32 $0xFFFFFFF0, v40  }
0xeb: {  	v3 =	vor.u32 v3, v4  }
0xec: {  	v4 =	vperm.xlane v3, v0;
	_ =	sdelay $0x1  }
0xed: {  	v3 =	vperm.xlane v3, v2;
	v4 =	vadd.s32 v1, v4;
	_ =	sdelay $0x1  }
0xee: {  	v3 =	vadd.s32 v1, v3;
	_ =	sdelay $0x2  }
0xef: {  	[tilespmem:s16], [sflag:$0x1] =	stream.indirect_vreg.gather [hbm4b:s3+s2], $0x80, v4, vm0, $0xb8;
	[tilespmem:$0x10100] =	vst v63  }
0xf0: {  	s24 =	simm.s32 $0x900  }
0xf1: {  	[tilespmem:s24], [sflag:$0x1] =	stream.indirect_vreg.gather [hbm4b:s3+s2], $0x80, v3, vm0, $0xb8;
	[tilespmem:$0x10100] =	vst v63  }
0xf2: {  	v3 =	vld [tilespmem:$0x10];
	_ =	sdelay $0x4  }
0xf3: {  	v41 =	vshll.u32 v3, $0x1  }
0xf4: {  	v3 =	vand.u32 $0x7, v3;
	v4 =	vand.u32 $0xFFFFFFF0, v41  }
0xf5: {  	v3 =	vor.u32 v3, v4  }
0xf6: {  	v4 =	vperm.xlane v3, v0;
	_ =	sdelay $0x1  }
0xf7: {  	v3 =	vperm.xlane v3, v2;
	v4 =	vadd.s32 v1, v4;
	_ =	sdelay $0x1  }
0xf8: {  	v3 =	vadd.s32 v1, v3;
	_ =	sdelay $0x1  }
0xf9: {  	s1 =	simm.s32 $0x1100  }
0xfa: {  	[tilespmem:s1], [sflag:$0x1] =	stream.indirect_vreg.gather [hbm4b:s3+s2], $0x80, v4, vm0, $0xb8;
	[tilespmem:$0x10100] =	vst v63  }
0xfb: {  	s25 =	simm.s32 $0x1900  }
0xfc: {  	[tilespmem:s25], [sflag:$0x1] =	stream.indirect_vreg.gather [hbm4b:s3+s2], $0x80, v3, vm0, $0xb8;
	[tilespmem:$0x10100] =	vst v63  }
0xfd: {  	v3 =	vld [tilespmem:$0x20];
	_ =	sdelay $0x4  }
0xfe: {  	v42 =	vshll.u32 v3, $0x1  }
0xff: {  	v3 =	vand.u32 $0x7, v3;
	v4 =	vand.u32 $0xFFFFFFF0, v42  }
0x100: {  	v3 =	vor.u32 v3, v4  }
0x101: {  	v4 =	vperm.xlane v3, v0;
	_ =	sdelay $0x1  }
0x102: {  	v3 =	vperm.xlane v3, v2;
	v4 =	vadd.s32 v1, v4;
	_ =	sdelay $0x1  }
0x103: {  	v3 =	vadd.s32 v1, v3;
	_ =	sdelay $0x1  }
0x104: {  	s6 =	simm.s32 $0x2100  }
0x105: {  	[tilespmem:s6], [sflag:$0x1] =	stream.indirect_vreg.gather [hbm4b:s3+s2], $0x80, v4, vm0, $0xb8;
	[tilespmem:$0x10100] =	vst v63  }
0x106: {  	s26 =	simm.s32 $0x2900  }
0x107: {  	[tilespmem:s26], [sflag:$0x1] =	stream.indirect_vreg.gather [hbm4b:s3+s2], $0x80, v3, vm0, $0xb8;
	[tilespmem:$0x10100] =	vst v63  }
0x108: {  	v3 =	vld [tilespmem:$0x30];
	_ =	sdelay $0x4  }
0x109: {  	v43 =	vshll.u32 v3, $0x1  }
0x10a: {  	v3 =	vand.u32 $0x7, v3;
	v4 =	vand.u32 $0xFFFFFFF0, v43  }
0x10b: {  	v3 =	vor.u32 v3, v4  }
0x10c: {  	v4 =	vperm.xlane v3, v0;
	_ =	sdelay $0x1  }
0x10d: {  	v3 =	vperm.xlane v3, v2;
	v4 =	vadd.s32 v1, v4;
	_ =	sdelay $0x1  }
0x10e: {  	v3 =	vadd.s32 v1, v3;
	_ =	sdelay $0x1  }
0x10f: {  	s22 =	simm.s32 $0x3100  }
0x110: {  	[tilespmem:s22], [sflag:$0x1] =	stream.indirect_vreg.gather [hbm4b:s3+s2], $0x80, v4, vm0, $0xb8;
	[tilespmem:$0x10100] =	vst v63  }
0x111: {  	s28 =	simm.s32 $0x3900  }
0x112: {  	[tilespmem:s28], [sflag:$0x1] =	stream.indirect_vreg.gather [hbm4b:s3+s2], $0x80, v3, vm0, $0xb8;
	[tilespmem:$0x10100] =	vst v63  }
0x113: {  	v3 =	vld [tilespmem:$0x40];
	_ =	sdelay $0x4  }
0x114: {  	v44 =	vshll.u32 v3, $0x1  }
0x115: {  	v3 =	vand.u32 $0x7, v3;
	v4 =	vand.u32 $0xFFFFFFF0, v44  }
0x116: {  	v3 =	vor.u32 v3, v4  }
0x117: {  	v4 =	vperm.xlane v3, v0;
	_ =	sdelay $0x1  }
0x118: {  	v3 =	vperm.xlane v3, v2;
	v4 =	vadd.s32 v1, v4;
	_ =	sdelay $0x1  }
0x119: {  	v3 =	vadd.s32 v1, v3;
	_ =	sdelay $0x1  }
0x11a: {  	s24 =	simm.s32 $0x4100  }
0x11b: {  	[tilespmem:s24], [sflag:$0x1] =	stream.indirect_vreg.gather [hbm4b:s3+s2], $0x80, v4, vm0, $0xb8;
	[tilespmem:$0x10100] =	vst v63  }
0x11c: {  	s29 =	simm.s32 $0x4900  }
0x11d: {  	[tilespmem:s29], [sflag:$0x1] =	stream.indirect_vreg.gather [hbm4b:s3+s2], $0x80, v3, vm0, $0xb8;
	[tilespmem:$0x10100] =	vst v63  }
0x11e: {  	v3 =	vld [tilespmem:$0x50];
	_ =	sdelay $0x4  }
0x11f: {  	v45 =	vshll.u32 v3, $0x1  }
0x120: {  	v3 =	vand.u32 $0x7, v3;
	v4 =	vand.u32 $0xFFFFFFF0, v45  }
0x121: {  	v3 =	vor.u32 v3, v4  }
0x122: {  	v4 =	vperm.xlane v3, v0;
	_ =	sdelay $0x1  }
0x123: {  	v3 =	vperm.xlane v3, v2;
	v4 =	vadd.s32 v1, v4;
	_ =	sdelay $0x1  }
0x124: {  	v3 =	vadd.s32 v1, v3;
	_ =	sdelay $0x1  }
0x125: {  	s26 =	simm.s32 $0x5100  }
0x126: {  	[tilespmem:s26], [sflag:$0x1] =	stream.indirect_vreg.gather [hbm4b:s3+s2], $0x80, v4, vm0, $0xb8;
	[tilespmem:$0x10100] =	vst v63  }
0x127: {  	s30 =	simm.s32 $0x5900  }
0x128: {  	[tilespmem:s30], [sflag:$0x1] =	stream.indirect_vreg.gather [hbm4b:s3+s2], $0x80, v3, vm0, $0xb8;
	[tilespmem:$0x10100] =	vst v63  }
0x129: {  	v3 =	vld [tilespmem:$0x60];
	_ =	sdelay $0x4  }
0x12a: {  	v46 =	vshll.u32 v3, $0x1  }
0x12b: {  	v3 =	vand.u32 $0x7, v3;
	v4 =	vand.u32 $0xFFFFFFF0, v46  }
0x12c: {  	v3 =	vor.u32 v3, v4  }
0x12d: {  	v4 =	vperm.xlane v3, v0;
	_ =	sdelay $0x1  }
0x12e: {  	v3 =	vperm.xlane v3, v2;
	v4 =	vadd.s32 v1, v4;
	_ =	sdelay $0x1  }
0x12f: {  	v3 =	vadd.s32 v1, v3;
	_ =	sdelay $0x1  }
0x130: {  	s29 =	simm.s32 $0x6100  }
0x131: {  	[tilespmem:s29], [sflag:$0x1] =	stream.indirect_vreg.gather [hbm4b:s3+s2], $0x80, v4, vm0, $0xb8;
	[tilespmem:$0x10100] =	vst v63  }
0x132: {  	s31 =	simm.s32 $0x6900  }
0x133: {  	[tilespmem:s31], [sflag:$0x1] =	stream.indirect_vreg.gather [hbm4b:s3+s2], $0x80, v3, vm0, $0xb8;
	[tilespmem:$0x10100] =	vst v63  }
0x134: {  	v3 =	vld [tilespmem:$0x70];
	_ =	sdelay $0x4  }
0x135: {  	v47 =	vshll.u32 v3, $0x1  }
0x136: {  	v3 =	vand.u32 $0x7, v3;
	v4 =	vand.u32 $0xFFFFFFF0, v47  }
0x137: {  	v3 =	vor.u32 v3, v4  }
0x138: {  	v4 =	vperm.xlane v3, v0;
	_ =	sdelay $0x1  }
0x139: {  	v3 =	vperm.xlane v3, v2;
	v4 =	vadd.s32 v1, v4;
	_ =	sdelay $0x1  }
0x13a: {  	v3 =	vadd.s32 v1, v3;
	_ =	sdelay $0x1  }
0x13b: {  	s21 =	simm.s32 $0x7100  }
0x13c: {  	[tilespmem:s21], [sflag:$0x1] =	stream.indirect_vreg.gather [hbm4b:s3+s2], $0x80, v4, vm0, $0xb8;
	[tilespmem:$0x10100] =	vst v63  }
0x13d: {  	s12 =	simm.s32 $0x7900  }
0x13e: {  	[tilespmem:s12], [sflag:$0x1] =	stream.indirect_vreg.gather [hbm4b:s3+s2], $0x80, v3, vm0, $0xb8;
	[tilespmem:$0x10100] =	vst v63  }
0x13f: {  	_ =	swait.ge [sflag:s13], $0x8000  }
0x140: {  	[sflag:s13] =	ssyncset.done $0x0  }
0x141: {  	s1 =	rddreg [dreg:$0x6];
	[sflag:s13] =	ssyncadd.s32 $0xFFFF8000  }
0x142: {  	[hbm4b:s1+s2] =	stream.linear.scatter [tilespmem:s23], [sflag:$0x2], $0x8000, $0x38;
	[tilespmem:$0x10100] =	vst v63  }
0x143: {  	_ =	swait.ge [sflag:s14], $0x8000  }
0x144: {  	[sflag:s14] =	ssyncset.done $0x0  }
0x145: {  	s1 =	simm.s32 $0x80;
	s6 =	rddreg [dreg:$0x7];
	[sflag:s14] =	ssyncadd.s32 $0xFFFF8000  }
0x146: {  	[tilespmem:s1], [sflag:$0x3] =	stream.linear.gather [hbm4b:s6+s2], $0x80, $0x38;
	[tilespmem:$0x10100] =	vst v63  }
0x147: {  	_ =	swait.ge [sflag:s5], $0x80  }
0x148: {  	[sflag:s5] =	ssyncset.done $0x0  }
0x149: {  	[sflag:s5] =	ssyncadd.s32 $0xFFFFFF80  }
0x14a: {  	v3 =	vld [tilespmem:$0x80];
	_ =	sdelay $0x4  }
0x14b: {  	v48 =	vshll.u32 v3, $0x1  }
0x14c: {  	v3 =	vand.u32 $0x7, v3;
	v4 =	vand.u32 $0xFFFFFFF0, v48  }
0x14d: {  	v3 =	vor.u32 v3, v4  }
0x14e: {  	v4 =	vperm.xlane v3, v0;
	_ =	sdelay $0x1  }
0x14f: {  	v3 =	vperm.xlane v3, v2;
	v4 =	vadd.s32 v1, v4;
	_ =	sdelay $0x1  }
0x150: {  	v3 =	vadd.s32 v1, v3;
	_ =	sdelay $0x2  }
0x151: {  	[tilespmem:s23], [sflag:$0x1] =	stream.indirect_vreg.gather [hbm4b:s3+s2], $0x80, v4, vm0, $0xb8;
	[tilespmem:$0x10100] =	vst v63  }
0x152: {  	s6 =	simm.s32 $0x8900  }
0x153: {  	[tilespmem:s6], [sflag:$0x1] =	stream.indirect_vreg.gather [hbm4b:s3+s2], $0x80, v3, vm0, $0xb8;
	[tilespmem:$0x10100] =	vst v63  }
0x154: {  	v3 =	vld [tilespmem:$0x90];
	_ =	sdelay $0x4  }
0x155: {  	v49 =	vshll.u32 v3, $0x1  }
0x156: {  	v3 =	vand.u32 $0x7, v3;
	v4 =	vand.u32 $0xFFFFFFF0, v49  }
0x157: {  	v3 =	vor.u32 v3, v4  }
0x158: {  	v4 =	vperm.xlane v3, v0;
	_ =	sdelay $0x1  }
0x159: {  	v3 =	vperm.xlane v3, v2;
	v4 =	vadd.s32 v1, v4;
	_ =	sdelay $0x1  }
0x15a: {  	v3 =	vadd.s32 v1, v3;
	_ =	sdelay $0x1  }
0x15b: {  	s0 =	simm.s32 $0x9100  }
0x15c: {  	[tilespmem:s0], [sflag:$0x1] =	stream.indirect_vreg.gather [hbm4b:s3+s2], $0x80, v4, vm0, $0xb8;
	[tilespmem:$0x10100] =	vst v63  }
0x15d: {  	s22 =	simm.s32 $0x9900  }
0x15e: {  	[tilespmem:s22], [sflag:$0x1] =	stream.indirect_vreg.gather [hbm4b:s3+s2], $0x80, v3, vm0, $0xb8;
	[tilespmem:$0x10100] =	vst v63  }
0x15f: {  	v3 =	vld [tilespmem:$0xA0];
	_ =	sdelay $0x4  }
0x160: {  	v50 =	vshll.u32 v3, $0x1  }
0x161: {  	v3 =	vand.u32 $0x7, v3;
	v4 =	vand.u32 $0xFFFFFFF0, v50  }
0x162: {  	v3 =	vor.u32 v3, v4  }
0x163: {  	v4 =	vperm.xlane v3, v0;
	_ =	sdelay $0x1  }
0x164: {  	v3 =	vperm.xlane v3, v2;
	v4 =	vadd.s32 v1, v4;
	_ =	sdelay $0x1  }
0x165: {  	v3 =	vadd.s32 v1, v3;
	_ =	sdelay $0x1  }
0x166: {  	s19 =	simm.s32 $0xA100  }
0x167: {  	[tilespmem:s19], [sflag:$0x1] =	stream.indirect_vreg.gather [hbm4b:s3+s2], $0x80, v4, vm0, $0xb8;
	[tilespmem:$0x10100] =	vst v63  }
0x168: {  	s19 =	simm.s32 $0xA900  }
0x169: {  	[tilespmem:s19], [sflag:$0x1] =	stream.indirect_vreg.gather [hbm4b:s3+s2], $0x80, v3, vm0, $0xb8;
	[tilespmem:$0x10100] =	vst v63  }
0x16a: {  	v3 =	vld [tilespmem:$0xB0];
	_ =	sdelay $0x4  }
0x16b: {  	v51 =	vshll.u32 v3, $0x1  }
0x16c: {  	v3 =	vand.u32 $0x7, v3;
	v4 =	vand.u32 $0xFFFFFFF0, v51  }
0x16d: {  	v3 =	vor.u32 v3, v4  }
0x16e: {  	v4 =	vperm.xlane v3, v0;
	_ =	sdelay $0x1  }
0x16f: {  	v3 =	vperm.xlane v3, v2;
	v4 =	vadd.s32 v1, v4;
	_ =	sdelay $0x1  }
0x170: {  	v3 =	vadd.s32 v1, v3;
	_ =	sdelay $0x1  }
0x171: {  	s18 =	simm.s32 $0xB100  }
0x172: {  	[tilespmem:s18], [sflag:$0x1] =	stream.indirect_vreg.gather [hbm4b:s3+s2], $0x80, v4, vm0, $0xb8;
	[tilespmem:$0x10100] =	vst v63  }
0x173: {  	s11 =	simm.s32 $0xB900  }
0x174: {  	[tilespmem:s11], [sflag:$0x1] =	stream.indirect_vreg.gather [hbm4b:s3+s2], $0x80, v3, vm0, $0xb8;
	[tilespmem:$0x10100] =	vst v63  }
0x175: {  	v3 =	vld [tilespmem:$0xC0];
	_ =	sdelay $0x4  }
0x176: {  	v52 =	vshll.u32 v3, $0x1  }
0x177: {  	v3 =	vand.u32 $0x7, v3;
	v4 =	vand.u32 $0xFFFFFFF0, v52  }
0x178: {  	v3 =	vor.u32 v3, v4  }
0x179: {  	v4 =	vperm.xlane v3, v0;
	_ =	sdelay $0x1  }
0x17a: {  	v3 =	vperm.xlane v3, v2;
	v4 =	vadd.s32 v1, v4;
	_ =	sdelay $0x1  }
0x17b: {  	v3 =	vadd.s32 v1, v3;
	_ =	sdelay $0x1  }
0x17c: {  	s15 =	simm.s32 $0xC100  }
0x17d: {  	[tilespmem:s15], [sflag:$0x1] =	stream.indirect_vreg.gather [hbm4b:s3+s2], $0x80, v4, vm0, $0xb8;
	[tilespmem:$0x10100] =	vst v63  }
0x17e: {  	s7 =	simm.s32 $0xC900  }
0x17f: {  	[tilespmem:s7], [sflag:$0x1] =	stream.indirect_vreg.gather [hbm4b:s3+s2], $0x80, v3, vm0, $0xb8;
	[tilespmem:$0x10100] =	vst v63  }
0x180: {  	v3 =	vld [tilespmem:$0xD0];
	_ =	sdelay $0x4  }
0x181: {  	v53 =	vshll.u32 v3, $0x1  }
0x182: {  	v3 =	vand.u32 $0x7, v3;
	v4 =	vand.u32 $0xFFFFFFF0, v53  }
0x183: {  	v3 =	vor.u32 v3, v4  }
0x184: {  	v4 =	vperm.xlane v3, v0;
	_ =	sdelay $0x1  }
0x185: {  	v3 =	vperm.xlane v3, v2;
	v4 =	vadd.s32 v1, v4;
	_ =	sdelay $0x1  }
0x186: {  	v3 =	vadd.s32 v1, v3;
	_ =	sdelay $0x1  }
0x187: {  	s15 =	simm.s32 $0xD100  }
0x188: {  	[tilespmem:s15], [sflag:$0x1] =	stream.indirect_vreg.gather [hbm4b:s3+s2], $0x80, v4, vm0, $0xb8;
	[tilespmem:$0x10100] =	vst v63  }
0x189: {  	s8 =	simm.s32 $0xD900  }
0x18a: {  	[tilespmem:s8], [sflag:$0x1] =	stream.indirect_vreg.gather [hbm4b:s3+s2], $0x80, v3, vm0, $0xb8;
	[tilespmem:$0x10100] =	vst v63  }
0x18b: {  	v3 =	vld [tilespmem:$0xE0];
	_ =	sdelay $0x4  }
0x18c: {  	v54 =	vshll.u32 v3, $0x1  }
0x18d: {  	v3 =	vand.u32 $0x7, v3;
	v4 =	vand.u32 $0xFFFFFFF0, v54  }
0x18e: {  	v3 =	vor.u32 v3, v4  }
0x18f: {  	v4 =	vperm.xlane v3, v0;
	_ =	sdelay $0x1  }
0x190: {  	v3 =	vperm.xlane v3, v2;
	v4 =	vadd.s32 v1, v4;
	_ =	sdelay $0x1  }
0x191: {  	v3 =	vadd.s32 v1, v3;
	_ =	sdelay $0x1  }
0x192: {  	s15 =	simm.s32 $0xE100  }
0x193: {  	[tilespmem:s15], [sflag:$0x1] =	stream.indirect_vreg.gather [hbm4b:s3+s2], $0x80, v4, vm0, $0xb8;
	[tilespmem:$0x10100] =	vst v63  }
0x194: {  	s9 =	simm.s32 $0xE900  }
0x195: {  	[tilespmem:s9], [sflag:$0x1] =	stream.indirect_vreg.gather [hbm4b:s3+s2], $0x80, v3, vm0, $0xb8;
	[tilespmem:$0x10100] =	vst v63  }
0x196: {  	v3 =	vld [tilespmem:$0xF0];
	_ =	sdelay $0x4  }
0x197: {  	v55 =	vshll.u32 v3, $0x1  }
0x198: {  	v3 =	vand.u32 $0x7, v3;
	v4 =	vand.u32 $0xFFFFFFF0, v55  }
0x199: {  	v3 =	vor.u32 v3, v4  }
0x19a: {  	v4 =	vperm.xlane v3, v0;
	_ =	sdelay $0x1  }
0x19b: {  	v3 =	vperm.xlane v3, v2;
	v4 =	vadd.s32 v1, v4;
	_ =	sdelay $0x1  }
0x19c: {  	v3 =	vadd.s32 v1, v3;
	_ =	sdelay $0x1  }
0x19d: {  	s15 =	simm.s32 $0xF100  }
0x19e: {  	[tilespmem:s15], [sflag:$0x1] =	stream.indirect_vreg.gather [hbm4b:s3+s2], $0x80, v4, vm0, $0xb8;
	[tilespmem:$0x10100] =	vst v63  }
0x19f: {  	s10 =	simm.s32 $0xF900  }
0x1a0: {  	[tilespmem:s10], [sflag:$0x1] =	stream.indirect_vreg.gather [hbm4b:s3+s2], $0x80, v3, vm0, $0xb8;
	[tilespmem:$0x10100] =	vst v63  }
0x1a1: {  	_ =	swait.ge [sflag:s13], $0x8000  }
0x1a2: {  	[sflag:s13] =	ssyncset.done $0x0  }
0x1a3: {  	s15 =	rddreg [dreg:$0x8];
	[sflag:s13] =	ssyncadd.s32 $0xFFFF8000  }
0x1a4: {  	[hbm4b:s15+s2] =	stream.linear.scatter [tilespmem:s16], [sflag:$0x2], $0x8000, $0x38;
	[tilespmem:$0x10100] =	vst v63  }
0x1a5: {  	_ =	swait.ge [sflag:s14], $0x8000  }
0x1a6: {  	[sflag:s14] =	ssyncset.done $0x0  }
0x1a7: {  	s15 =	rddreg [dreg:$0x9];
	[sflag:s14] =	ssyncadd.s32 $0xFFFF8000  }
0x1a8: {  	[tilespmem:s2], [sflag:$0x3] =	stream.linear.gather [hbm4b:s15+s2], $0x80, $0x38;
	[tilespmem:$0x10100] =	vst v63  }
0x1a9: {  	_ =	swait.ge [sflag:s5], $0x80  }
0x1aa: {  	[sflag:s5] =	ssyncset.done $0x0  }
0x1ab: {  	[sflag:s5] =	ssyncadd.s32 $0xFFFFFF80  }
0x1ac: {  	v3 =	vld [tilespmem:$0x0];
	_ =	sdelay $0x4  }
0x1ad: {  	v56 =	vshll.u32 v3, $0x1  }
0x1ae: {  	v3 =	vand.u32 $0x7, v3;
	v4 =	vand.u32 $0xFFFFFFF0, v56  }
0x1af: {  	v3 =	vor.u32 v3, v4  }
0x1b0: {  	v4 =	vperm.xlane v3, v0;
	_ =	sdelay $0x1  }
0x1b1: {  	v3 =	vperm.xlane v3, v2;
	v4 =	vadd.s32 v1, v4;
	_ =	sdelay $0x1  }
0x1b2: {  	v3 =	vadd.s32 v1, v3;
	_ =	sdelay $0x2  }
0x1b3: {  	[tilespmem:s16], [sflag:$0x1] =	stream.indirect_vreg.gather [hbm4b:s3+s2], $0x80, v4, vm0, $0xb8;
	[tilespmem:$0x10100] =	vst v63  }
0x1b4: {  	s15 =	simm.s32 $0x900  }
0x1b5: {  	[tilespmem:s15], [sflag:$0x1] =	stream.indirect_vreg.gather [hbm4b:s3+s2], $0x80, v3, vm0, $0xb8;
	[tilespmem:$0x10100] =	vst v63  }
0x1b6: {  	v3 =	vld [tilespmem:$0x10];
	_ =	sdelay $0x4  }
0x1b7: {  	v57 =	vshll.u32 v3, $0x1  }
0x1b8: {  	v3 =	vand.u32 $0x7, v3;
	v4 =	vand.u32 $0xFFFFFFF0, v57  }
0x1b9: {  	v3 =	vor.u32 v3, v4  }
0x1ba: {  	v4 =	vperm.xlane v3, v0;
	_ =	sdelay $0x1  }
0x1bb: {  	v3 =	vperm.xlane v3, v2;
	v4 =	vadd.s32 v1, v4;
	_ =	sdelay $0x1  }
0x1bc: {  	v3 =	vadd.s32 v1, v3;
	_ =	sdelay $0x1  }
0x1bd: {  	s15 =	simm.s32 $0x1100  }
0x1be: {  	[tilespmem:s15], [sflag:$0x1] =	stream.indirect_vreg.gather [hbm4b:s3+s2], $0x80, v4, vm0, $0xb8;
	[tilespmem:$0x10100] =	vst v63  }
0x1bf: {  	_ = 	snop  }
0x1c0: {  	[tilespmem:s25], [sflag:$0x1] =	stream.indirect_vreg.gather [hbm4b:s3+s2], $0x80, v3, vm0, $0xb8;
	[tilespmem:$0x10100] =	vst v63  }
0x1c1: {  	v3 =	vld [tilespmem:$0x20];
	_ =	sdelay $0x4  }
0x1c2: {  	v58 =	vshll.u32 v3, $0x1  }
0x1c3: {  	v3 =	vand.u32 $0x7, v3;
	v4 =	vand.u32 $0xFFFFFFF0, v58  }
0x1c4: {  	v3 =	vor.u32 v3, v4  }
0x1c5: {  	v4 =	vperm.xlane v3, v0;
	_ =	sdelay $0x1  }
0x1c6: {  	v3 =	vperm.xlane v3, v2;
	v4 =	vadd.s32 v1, v4;
	_ =	sdelay $0x1  }
0x1c7: {  	v3 =	vadd.s32 v1, v3;
	_ =	sdelay $0x1  }
0x1c8: {  	s15 =	simm.s32 $0x2100  }
0x1c9: {  	[tilespmem:s15], [sflag:$0x1] =	stream.indirect_vreg.gather [hbm4b:s3+s2], $0x80, v4, vm0, $0xb8;
	[tilespmem:$0x10100] =	vst v63  }
0x1ca: {  	s15 =	simm.s32 $0x2900  }
0x1cb: {  	[tilespmem:s15], [sflag:$0x1] =	stream.indirect_vreg.gather [hbm4b:s3+s2], $0x80, v3, vm0, $0xb8;
	[tilespmem:$0x10100] =	vst v63  }
0x1cc: {  	v3 =	vld [tilespmem:$0x30];
	_ =	sdelay $0x4  }
0x1cd: {  	v59 =	vshll.u32 v3, $0x1  }
0x1ce: {  	v3 =	vand.u32 $0x7, v3;
	v4 =	vand.u32 $0xFFFFFFF0, v59  }
0x1cf: {  	v3 =	vor.u32 v3, v4  }
0x1d0: {  	v4 =	vperm.xlane v3, v0;
	_ =	sdelay $0x1  }
0x1d1: {  	v3 =	vperm.xlane v3, v2;
	v4 =	vadd.s32 v1, v4;
	_ =	sdelay $0x1  }
0x1d2: {  	v3 =	vadd.s32 v1, v3;
	_ =	sdelay $0x1  }
0x1d3: {  	s15 =	simm.s32 $0x3100  }
0x1d4: {  	[tilespmem:s15], [sflag:$0x1] =	stream.indirect_vreg.gather [hbm4b:s3+s2], $0x80, v4, vm0, $0xb8;
	[tilespmem:$0x10100] =	vst v63  }
0x1d5: {  	_ = 	snop  }
0x1d6: {  	[tilespmem:s28], [sflag:$0x1] =	stream.indirect_vreg.gather [hbm4b:s3+s2], $0x80, v3, vm0, $0xb8;
	[tilespmem:$0x10100] =	vst v63  }
0x1d7: {  	v3 =	vld [tilespmem:$0x40];
	_ =	sdelay $0x4  }
0x1d8: {  	v60 =	vshll.u32 v3, $0x1  }
0x1d9: {  	v3 =	vand.u32 $0x7, v3;
	v4 =	vand.u32 $0xFFFFFFF0, v60  }
0x1da: {  	v3 =	vor.u32 v3, v4  }
0x1db: {  	v4 =	vperm.xlane v3, v0;
	_ =	sdelay $0x1  }
0x1dc: {  	v3 =	vperm.xlane v3, v2;
	v4 =	vadd.s32 v1, v4;
	_ =	sdelay $0x1  }
0x1dd: {  	v3 =	vadd.s32 v1, v3;
	_ =	sdelay $0x2  }
0x1de: {  	[tilespmem:s24], [sflag:$0x1] =	stream.indirect_vreg.gather [hbm4b:s3+s2], $0x80, v4, vm0, $0xb8;
	[tilespmem:$0x10100] =	vst v63  }
0x1df: {  	s15 =	simm.s32 $0x4900  }
0x1e0: {  	[tilespmem:s15], [sflag:$0x1] =	stream.indirect_vreg.gather [hbm4b:s3+s2], $0x80, v3, vm0, $0xb8;
	[tilespmem:$0x10100] =	vst v63  }
0x1e1: {  	v3 =	vld [tilespmem:$0x50];
	_ =	sdelay $0x4  }
0x1e2: {  	v61 =	vshll.u32 v3, $0x1  }
0x1e3: {  	v3 =	vand.u32 $0x7, v3;
	v4 =	vand.u32 $0xFFFFFFF0, v61  }
0x1e4: {  	v3 =	vor.u32 v3, v4  }
0x1e5: {  	v4 =	vperm.xlane v3, v0;
	_ =	sdelay $0x1  }
0x1e6: {  	v3 =	vperm.xlane v3, v2;
	v4 =	vadd.s32 v1, v4;
	_ =	sdelay $0x1  }
0x1e7: {  	v3 =	vadd.s32 v1, v3;
	_ =	sdelay $0x2  }
0x1e8: {  	[tilespmem:s26], [sflag:$0x1] =	stream.indirect_vreg.gather [hbm4b:s3+s2], $0x80, v4, vm0, $0xb8;
	[tilespmem:$0x10100] =	vst v63  }
0x1e9: {  	_ = 	snop  }
0x1ea: {  	[tilespmem:s30], [sflag:$0x1] =	stream.indirect_vreg.gather [hbm4b:s3+s2], $0x80, v3, vm0, $0xb8;
	[tilespmem:$0x10100] =	vst v63  }
0x1eb: {  	v3 =	vld [tilespmem:$0x60];
	_ =	sdelay $0x4  }
0x1ec: {  	v62 =	vshll.u32 v3, $0x1  }
0x1ed: {  	v3 =	vand.u32 $0x7, v3;
	v4 =	vand.u32 $0xFFFFFFF0, v62  }
0x1ee: {  	v3 =	vor.u32 v3, v4  }
0x1ef: {  	v4 =	vperm.xlane v3, v0;
	_ =	sdelay $0x1  }
0x1f0: {  	v3 =	vperm.xlane v3, v2;
	v4 =	vadd.s32 v1, v4;
	_ =	sdelay $0x1  }
0x1f1: {  	v3 =	vadd.s32 v1, v3;
	_ =	sdelay $0x2  }
0x1f2: {  	[tilespmem:s29], [sflag:$0x1] =	stream.indirect_vreg.gather [hbm4b:s3+s2], $0x80, v4, vm0, $0xb8;
	[tilespmem:$0x10100] =	vst v63  }
0x1f3: {  	_ = 	snop  }
0x1f4: {  	[tilespmem:s31], [sflag:$0x1] =	stream.indirect_vreg.gather [hbm4b:s3+s2], $0x80, v3, vm0, $0xb8;
	[tilespmem:$0x10100] =	vst v63  }
0x1f5: {  	v3 =	vld [tilespmem:$0x70];
	_ =	sdelay $0x4  }
0x1f6: {  	v63 =	vshll.u32 v3, $0x1  }
0x1f7: {  	v3 =	vand.u32 $0x7, v3;
	v4 =	vand.u32 $0xFFFFFFF0, v63  }
0x1f8: {  	v3 =	vor.u32 v3, v4  }
0x1f9: {  	v4 =	vperm.xlane v3, v0;
	_ =	sdelay $0x1  }
0x1fa: {  	v3 =	vperm.xlane v3, v2;
	v4 =	vadd.s32 v1, v4;
	_ =	sdelay $0x1  }
0x1fb: {  	v3 =	vadd.s32 v1, v3;
	_ =	sdelay $0x2  }
0x1fc: {  	[tilespmem:s21], [sflag:$0x1] =	stream.indirect_vreg.gather [hbm4b:s3+s2], $0x80, v4, vm0, $0xb8;
	[tilespmem:$0x10100] =	vst v63  }
0x1fd: {  	_ = 	snop  }
0x1fe: {  	[tilespmem:s12], [sflag:$0x1] =	stream.indirect_vreg.gather [hbm4b:s3+s2], $0x80, v3, vm0, $0xb8;
	[tilespmem:$0x10100] =	vst v63  }
0x1ff: {  	_ =	swait.ge [sflag:s13], $0x8000  }
0x200: {  	[sflag:s13] =	ssyncset.done $0x0  }
0x201: {  	s21 =	rddreg [dreg:$0xa];
	[sflag:s13] =	ssyncadd.s32 $0xFFFF8000  }
0x202: {  	[hbm4b:s21+s2] =	stream.linear.scatter [tilespmem:s23], [sflag:$0x2], $0x8000, $0x38;
	[tilespmem:$0x10100] =	vst v63  }
0x203: {  	_ =	swait.ge [sflag:s14], $0x8000  }
0x204: {  	[sflag:s14] =	ssyncset.done $0x0  }
0x205: {  	s12 =	rddreg [dreg:$0xb];
	[sflag:s14] =	ssyncadd.s32 $0xFFFF8000  }
0x206: {  	[tilespmem:s1], [sflag:$0x3] =	stream.linear.gather [hbm4b:s12+s2], $0x80, $0x38;
	[tilespmem:$0x10100] =	vst v63  }
0x207: {  	_ =	swait.ge [sflag:s5], $0x80  }
0x208: {  	[sflag:s5] =	ssyncset.done $0x0  }
0x209: {  	[sflag:s5] =	ssyncadd.s32 $0xFFFFFF80  }
0x20a: {  	v3 =	vld [tilespmem:$0x80];
	_ =	sdelay $0x4  }
0x20b: {  	v8 =	vshll.u32 v3, $0x1  }
0x20c: {  	v3 =	vand.u32 $0x7, v3;
	v4 =	vand.u32 $0xFFFFFFF0, v8  }
0x20d: {  	v3 =	vor.u32 v3, v4  }
0x20e: {  	v4 =	vperm.xlane v3, v0;
	_ =	sdelay $0x1  }
0x20f: {  	v3 =	vperm.xlane v3, v2;
	v4 =	vadd.s32 v1, v4;
	_ =	sdelay $0x1  }
0x210: {  	v3 =	vadd.s32 v1, v3;
	_ =	sdelay $0x2  }
0x211: {  	[tilespmem:s23], [sflag:$0x1] =	stream.indirect_vreg.gather [hbm4b:s3+s2], $0x80, v4, vm0, $0xb8;
	[tilespmem:$0x10100] =	vst v63  }
0x212: {  	_ = 	snop  }
0x213: {  	[tilespmem:s6], [sflag:$0x1] =	stream.indirect_vreg.gather [hbm4b:s3+s2], $0x80, v3, vm0, $0xb8;
	[tilespmem:$0x10100] =	vst v63  }
0x214: {  	v3 =	vld [tilespmem:$0x90];
	_ =	sdelay $0x4  }
0x215: {  	v9 =	vshll.u32 v3, $0x1  }
0x216: {  	v3 =	vand.u32 $0x7, v3;
	v4 =	vand.u32 $0xFFFFFFF0, v9  }
0x217: {  	v3 =	vor.u32 v3, v4  }
0x218: {  	v4 =	vperm.xlane v3, v0;
	_ =	sdelay $0x1  }
0x219: {  	v3 =	vperm.xlane v3, v2;
	v4 =	vadd.s32 v1, v4;
	_ =	sdelay $0x1  }
0x21a: {  	v3 =	vadd.s32 v1, v3;
	_ =	sdelay $0x2  }
0x21b: {  	[tilespmem:s0], [sflag:$0x1] =	stream.indirect_vreg.gather [hbm4b:s3+s2], $0x80, v4, vm0, $0xb8;
	[tilespmem:$0x10100] =	vst v63  }
0x21c: {  	_ = 	snop  }
0x21d: {  	[tilespmem:s22], [sflag:$0x1] =	stream.indirect_vreg.gather [hbm4b:s3+s2], $0x80, v3, vm0, $0xb8;
	[tilespmem:$0x10100] =	vst v63  }
0x21e: {  	v3 =	vld [tilespmem:$0xA0];
	_ =	sdelay $0x4  }
0x21f: {  	v10 =	vshll.u32 v3, $0x1  }
0x220: {  	v3 =	vand.u32 $0x7, v3;
	v4 =	vand.u32 $0xFFFFFFF0, v10  }
0x221: {  	v3 =	vor.u32 v3, v4  }
0x222: {  	v4 =	vperm.xlane v3, v0;
	_ =	sdelay $0x1  }
0x223: {  	v3 =	vperm.xlane v3, v2;
	v4 =	vadd.s32 v1, v4;
	_ =	sdelay $0x1  }
0x224: {  	v3 =	vadd.s32 v1, v3;
	_ =	sdelay $0x1  }
0x225: {  	s17 =	simm.s32 $0xA100  }
0x226: {  	[tilespmem:s17], [sflag:$0x1] =	stream.indirect_vreg.gather [hbm4b:s3+s2], $0x80, v4, vm0, $0xb8;
	[tilespmem:$0x10100] =	vst v63  }
0x227: {  	_ = 	snop  }
0x228: {  	[tilespmem:s19], [sflag:$0x1] =	stream.indirect_vreg.gather [hbm4b:s3+s2], $0x80, v3, vm0, $0xb8;
	[tilespmem:$0x10100] =	vst v63  }
0x229: {  	v3 =	vld [tilespmem:$0xB0];
	_ =	sdelay $0x4  }
0x22a: {  	v11 =	vshll.u32 v3, $0x1  }
0x22b: {  	v3 =	vand.u32 $0x7, v3;
	v4 =	vand.u32 $0xFFFFFFF0, v11  }
0x22c: {  	v3 =	vor.u32 v3, v4  }
0x22d: {  	v4 =	vperm.xlane v3, v0;
	_ =	sdelay $0x1  }
0x22e: {  	v3 =	vperm.xlane v3, v2;
	v4 =	vadd.s32 v1, v4;
	_ =	sdelay $0x1  }
0x22f: {  	v3 =	vadd.s32 v1, v3;
	_ =	sdelay $0x1  }
0x230: {  	s20 =	simm.s32 $0xB100  }
0x231: {  	[tilespmem:s20], [sflag:$0x1] =	stream.indirect_vreg.gather [hbm4b:s3+s2], $0x80, v4, vm0, $0xb8;
	[tilespmem:$0x10100] =	vst v63  }
0x232: {  	s18 =	simm.s32 $0xB900  }
0x233: {  	[tilespmem:s18], [sflag:$0x1] =	stream.indirect_vreg.gather [hbm4b:s3+s2], $0x80, v3, vm0, $0xb8;
	[tilespmem:$0x10100] =	vst v63  }
0x234: {  	v3 =	vld [tilespmem:$0xC0];
	_ =	sdelay $0x4  }
0x235: {  	v12 =	vshll.u32 v3, $0x1  }
0x236: {  	v3 =	vand.u32 $0x7, v3;
	v4 =	vand.u32 $0xFFFFFFF0, v12  }
0x237: {  	v3 =	vor.u32 v3, v4  }
0x238: {  	v4 =	vperm.xlane v3, v0;
	_ =	sdelay $0x1  }
0x239: {  	v3 =	vperm.xlane v3, v2;
	v4 =	vadd.s32 v1, v4;
	_ =	sdelay $0x1  }
0x23a: {  	v3 =	vadd.s32 v1, v3;
	_ =	sdelay $0x1  }
0x23b: {  	s11 =	simm.s32 $0xC100  }
0x23c: {  	[tilespmem:s11], [sflag:$0x1] =	stream.indirect_vreg.gather [hbm4b:s3+s2], $0x80, v4, vm0, $0xb8;
	[tilespmem:$0x10100] =	vst v63  }
0x23d: {  	s18 =	simm.s32 $0xC900  }
0x23e: {  	[tilespmem:s18], [sflag:$0x1] =	stream.indirect_vreg.gather [hbm4b:s3+s2], $0x80, v3, vm0, $0xb8;
	[tilespmem:$0x10100] =	vst v63  }
0x23f: {  	v3 =	vld [tilespmem:$0xD0];
	_ =	sdelay $0x4  }
0x240: {  	v13 =	vshll.u32 v3, $0x1  }
0x241: {  	v3 =	vand.u32 $0x7, v3;
	v4 =	vand.u32 $0xFFFFFFF0, v13  }
0x242: {  	v3 =	vor.u32 v3, v4  }
0x243: {  	v4 =	vperm.xlane v3, v0;
	_ =	sdelay $0x1  }
0x244: {  	v3 =	vperm.xlane v3, v2;
	v4 =	vadd.s32 v1, v4;
	_ =	sdelay $0x1  }
0x245: {  	v3 =	vadd.s32 v1, v3;
	_ =	sdelay $0x1  }
0x246: {  	s7 =	simm.s32 $0xD100  }
0x247: {  	[tilespmem:s7], [sflag:$0x1] =	stream.indirect_vreg.gather [hbm4b:s3+s2], $0x80, v4, vm0, $0xb8;
	[tilespmem:$0x10100] =	vst v63  }
0x248: {  	s19 =	simm.s32 $0xD900  }
0x249: {  	[tilespmem:s19], [sflag:$0x1] =	stream.indirect_vreg.gather [hbm4b:s3+s2], $0x80, v3, vm0, $0xb8;
	[tilespmem:$0x10100] =	vst v63  }
0x24a: {  	v3 =	vld [tilespmem:$0xE0];
	_ =	sdelay $0x4  }
0x24b: {  	v14 =	vshll.u32 v3, $0x1  }
0x24c: {  	v3 =	vand.u32 $0x7, v3;
	v4 =	vand.u32 $0xFFFFFFF0, v14  }
0x24d: {  	v3 =	vor.u32 v3, v4  }
0x24e: {  	v4 =	vperm.xlane v3, v0;
	_ =	sdelay $0x1  }
0x24f: {  	v3 =	vperm.xlane v3, v2;
	v4 =	vadd.s32 v1, v4;
	_ =	sdelay $0x1  }
0x250: {  	v3 =	vadd.s32 v1, v3;
	_ =	sdelay $0x1  }
0x251: {  	s8 =	simm.s32 $0xE100  }
0x252: {  	[tilespmem:s8], [sflag:$0x1] =	stream.indirect_vreg.gather [hbm4b:s3+s2], $0x80, v4, vm0, $0xb8;
	[tilespmem:$0x10100] =	vst v63  }
0x253: {  	s20 =	simm.s32 $0xE900  }
0x254: {  	[tilespmem:s20], [sflag:$0x1] =	stream.indirect_vreg.gather [hbm4b:s3+s2], $0x80, v3, vm0, $0xb8;
	[tilespmem:$0x10100] =	vst v63  }
0x255: {  	v3 =	vld [tilespmem:$0xF0];
	_ =	sdelay $0x4  }
0x256: {  	v15 =	vshll.u32 v3, $0x1  }
0x257: {  	v3 =	vand.u32 $0x7, v3;
	v4 =	vand.u32 $0xFFFFFFF0, v15  }
0x258: {  	v3 =	vor.u32 v3, v4  }
0x259: {  	v4 =	vperm.xlane v3, v0;
	_ =	sdelay $0x1  }
0x25a: {  	v3 =	vperm.xlane v3, v2;
	v4 =	vadd.s32 v1, v4;
	_ =	sdelay $0x1  }
0x25b: {  	v3 =	vadd.s32 v1, v3;
	_ =	sdelay $0x1  }
0x25c: {  	s9 =	simm.s32 $0xF100  }
0x25d: {  	[tilespmem:s9], [sflag:$0x1] =	stream.indirect_vreg.gather [hbm4b:s3+s2], $0x80, v4, vm0, $0xb8;
	[tilespmem:$0x10100] =	vst v63  }
0x25e: {  	s10 =	simm.s32 $0xF900  }
0x25f: {  	[tilespmem:s10], [sflag:$0x1] =	stream.indirect_vreg.gather [hbm4b:s3+s2], $0x80, v3, vm0, $0xb8;
	[tilespmem:$0x10100] =	vst v63  }
0x260: {  	_ =	swait.ge [sflag:s13], $0x8000  }
0x261: {  	[sflag:s13] =	ssyncset.done $0x0  }
0x262: {  	s15 =	rddreg [dreg:$0xc];
	[sflag:s13] =	ssyncadd.s32 $0xFFFF8000  }
0x263: {  	[hbm4b:s15+s2] =	stream.linear.scatter [tilespmem:s16], [sflag:$0x2], $0x8000, $0x38;
	[tilespmem:$0x10100] =	vst v63  }
0x264: {  	_ =	swait.ge [sflag:s14], $0x8000  }
0x265: {  	[sflag:s14] =	ssyncset.done $0x0  }
0x266: {  	s15 =	rddreg [dreg:$0xd];
	[sflag:s14] =	ssyncadd.s32 $0xFFFF8000  }
0x267: {  	[tilespmem:s2], [sflag:$0x3] =	stream.linear.gather [hbm4b:s15+s2], $0x80, $0x38;
	[tilespmem:$0x10100] =	vst v63  }
0x268: {  	_ =	swait.ge [sflag:s5], $0x80  }
0x269: {  	[sflag:s5] =	ssyncset.done $0x0  }
0x26a: {  	[sflag:s5] =	ssyncadd.s32 $0xFFFFFF80  }
0x26b: {  	v3 =	vld [tilespmem:$0x0];
	_ =	sdelay $0x4  }
0x26c: {  	v16 =	vshll.u32 v3, $0x1  }
0x26d: {  	v3 =	vand.u32 $0x7, v3;
	v4 =	vand.u32 $0xFFFFFFF0, v16  }
0x26e: {  	v3 =	vor.u32 v3, v4  }
0x26f: {  	v4 =	vperm.xlane v3, v0;
	_ =	sdelay $0x1  }
0x270: {  	v3 =	vperm.xlane v3, v2;
	v4 =	vadd.s32 v1, v4;
	_ =	sdelay $0x1  }
0x271: {  	v3 =	vadd.s32 v1, v3;
	_ =	sdelay $0x2  }
0x272: {  	[tilespmem:s16], [sflag:$0x1] =	stream.indirect_vreg.gather [hbm4b:s3+s2], $0x80, v4, vm0, $0xb8;
	[tilespmem:$0x10100] =	vst v63  }
0x273: {  	s15 =	simm.s32 $0x900  }
0x274: {  	[tilespmem:s15], [sflag:$0x1] =	stream.indirect_vreg.gather [hbm4b:s3+s2], $0x80, v3, vm0, $0xb8;
	[tilespmem:$0x10100] =	vst v63  }
0x275: {  	v3 =	vld [tilespmem:$0x10];
	_ =	sdelay $0x4  }
0x276: {  	v17 =	vshll.u32 v3, $0x1  }
0x277: {  	v3 =	vand.u32 $0x7, v3;
	v4 =	vand.u32 $0xFFFFFFF0, v17  }
0x278: {  	v3 =	vor.u32 v3, v4  }
0x279: {  	v4 =	vperm.xlane v3, v0;
	_ =	sdelay $0x1  }
0x27a: {  	v3 =	vperm.xlane v3, v2;
	v4 =	vadd.s32 v1, v4;
	_ =	sdelay $0x1  }
0x27b: {  	v3 =	vadd.s32 v1, v3;
	_ =	sdelay $0x1  }
0x27c: {  	s15 =	simm.s32 $0x1100  }
0x27d: {  	[tilespmem:s15], [sflag:$0x1] =	stream.indirect_vreg.gather [hbm4b:s3+s2], $0x80, v4, vm0, $0xb8;
	[tilespmem:$0x10100] =	vst v63  }
0x27e: {  	s25 =	simm.s32 $0x1900  }
0x27f: {  	[tilespmem:s25], [sflag:$0x1] =	stream.indirect_vreg.gather [hbm4b:s3+s2], $0x80, v3, vm0, $0xb8;
	[tilespmem:$0x10100] =	vst v63  }
0x280: {  	v3 =	vld [tilespmem:$0x20];
	_ =	sdelay $0x4  }
0x281: {  	v18 =	vshll.u32 v3, $0x1  }
0x282: {  	v3 =	vand.u32 $0x7, v3;
	v4 =	vand.u32 $0xFFFFFFF0, v18  }
0x283: {  	v3 =	vor.u32 v3, v4  }
0x284: {  	v4 =	vperm.xlane v3, v0;
	_ =	sdelay $0x1  }
0x285: {  	v3 =	vperm.xlane v3, v2;
	v4 =	vadd.s32 v1, v4;
	_ =	sdelay $0x1  }
0x286: {  	v3 =	vadd.s32 v1, v3;
	_ =	sdelay $0x1  }
0x287: {  	s15 =	simm.s32 $0x2100  }
0x288: {  	[tilespmem:s15], [sflag:$0x1] =	stream.indirect_vreg.gather [hbm4b:s3+s2], $0x80, v4, vm0, $0xb8;
	[tilespmem:$0x10100] =	vst v63  }
0x289: {  	s15 =	simm.s32 $0x2900  }
0x28a: {  	[tilespmem:s15], [sflag:$0x1] =	stream.indirect_vreg.gather [hbm4b:s3+s2], $0x80, v3, vm0, $0xb8;
	[tilespmem:$0x10100] =	vst v63  }
0x28b: {  	v3 =	vld [tilespmem:$0x30];
	_ =	sdelay $0x4  }
0x28c: {  	v19 =	vshll.u32 v3, $0x1  }
0x28d: {  	v3 =	vand.u32 $0x7, v3;
	v4 =	vand.u32 $0xFFFFFFF0, v19  }
0x28e: {  	v3 =	vor.u32 v3, v4  }
0x28f: {  	v4 =	vperm.xlane v3, v0;
	_ =	sdelay $0x1  }
0x290: {  	v3 =	vperm.xlane v3, v2;
	v4 =	vadd.s32 v1, v4;
	_ =	sdelay $0x1  }
0x291: {  	v3 =	vadd.s32 v1, v3;
	_ =	sdelay $0x1  }
0x292: {  	s15 =	simm.s32 $0x3100  }
0x293: {  	[tilespmem:s15], [sflag:$0x1] =	stream.indirect_vreg.gather [hbm4b:s3+s2], $0x80, v4, vm0, $0xb8;
	[tilespmem:$0x10100] =	vst v63  }
0x294: {  	s28 =	simm.s32 $0x3900  }
0x295: {  	[tilespmem:s28], [sflag:$0x1] =	stream.indirect_vreg.gather [hbm4b:s3+s2], $0x80, v3, vm0, $0xb8;
	[tilespmem:$0x10100] =	vst v63  }
0x296: {  	v3 =	vld [tilespmem:$0x40];
	_ =	sdelay $0x4  }
0x297: {  	v20 =	vshll.u32 v3, $0x1  }
0x298: {  	v3 =	vand.u32 $0x7, v3;
	v4 =	vand.u32 $0xFFFFFFF0, v20  }
0x299: {  	v3 =	vor.u32 v3, v4  }
0x29a: {  	v4 =	vperm.xlane v3, v0;
	_ =	sdelay $0x1  }
0x29b: {  	v3 =	vperm.xlane v3, v2;
	v4 =	vadd.s32 v1, v4;
	_ =	sdelay $0x1  }
0x29c: {  	v3 =	vadd.s32 v1, v3;
	_ =	sdelay $0x1  }
0x29d: {  	s24 =	simm.s32 $0x4100  }
0x29e: {  	[tilespmem:s24], [sflag:$0x1] =	stream.indirect_vreg.gather [hbm4b:s3+s2], $0x80, v4, vm0, $0xb8;
	[tilespmem:$0x10100] =	vst v63  }
0x29f: {  	s15 =	simm.s32 $0x4900  }
0x2a0: {  	[tilespmem:s15], [sflag:$0x1] =	stream.indirect_vreg.gather [hbm4b:s3+s2], $0x80, v3, vm0, $0xb8;
	[tilespmem:$0x10100] =	vst v63  }
0x2a1: {  	v3 =	vld [tilespmem:$0x50];
	_ =	sdelay $0x4  }
0x2a2: {  	v21 =	vshll.u32 v3, $0x1  }
0x2a3: {  	v3 =	vand.u32 $0x7, v3;
	v4 =	vand.u32 $0xFFFFFFF0, v21  }
0x2a4: {  	v3 =	vor.u32 v3, v4  }
0x2a5: {  	v4 =	vperm.xlane v3, v0;
	_ =	sdelay $0x1  }
0x2a6: {  	v3 =	vperm.xlane v3, v2;
	v4 =	vadd.s32 v1, v4;
	_ =	sdelay $0x1  }
0x2a7: {  	v3 =	vadd.s32 v1, v3;
	_ =	sdelay $0x1  }
0x2a8: {  	s26 =	simm.s32 $0x5100  }
0x2a9: {  	[tilespmem:s26], [sflag:$0x1] =	stream.indirect_vreg.gather [hbm4b:s3+s2], $0x80, v4, vm0, $0xb8;
	[tilespmem:$0x10100] =	vst v63  }
0x2aa: {  	s30 =	simm.s32 $0x5900  }
0x2ab: {  	[tilespmem:s30], [sflag:$0x1] =	stream.indirect_vreg.gather [hbm4b:s3+s2], $0x80, v3, vm0, $0xb8;
	[tilespmem:$0x10100] =	vst v63  }
0x2ac: {  	v3 =	vld [tilespmem:$0x60];
	_ =	sdelay $0x4  }
0x2ad: {  	v22 =	vshll.u32 v3, $0x1  }
0x2ae: {  	v3 =	vand.u32 $0x7, v3;
	v4 =	vand.u32 $0xFFFFFFF0, v22  }
0x2af: {  	v3 =	vor.u32 v3, v4  }
0x2b0: {  	v4 =	vperm.xlane v3, v0;
	_ =	sdelay $0x1  }
0x2b1: {  	v3 =	vperm.xlane v3, v2;
	v4 =	vadd.s32 v1, v4;
	_ =	sdelay $0x1  }
0x2b2: {  	v3 =	vadd.s32 v1, v3;
	_ =	sdelay $0x1  }
0x2b3: {  	s29 =	simm.s32 $0x6100  }
0x2b4: {  	[tilespmem:s29], [sflag:$0x1] =	stream.indirect_vreg.gather [hbm4b:s3+s2], $0x80, v4, vm0, $0xb8;
	[tilespmem:$0x10100] =	vst v63  }
0x2b5: {  	s31 =	simm.s32 $0x6900  }
0x2b6: {  	[tilespmem:s31], [sflag:$0x1] =	stream.indirect_vreg.gather [hbm4b:s3+s2], $0x80, v3, vm0, $0xb8;
	[tilespmem:$0x10100] =	vst v63  }
0x2b7: {  	v3 =	vld [tilespmem:$0x70];
	_ =	sdelay $0x4  }
0x2b8: {  	v23 =	vshll.u32 v3, $0x1  }
0x2b9: {  	v3 =	vand.u32 $0x7, v3;
	v4 =	vand.u32 $0xFFFFFFF0, v23  }
0x2ba: {  	v3 =	vor.u32 v3, v4  }
0x2bb: {  	v4 =	vperm.xlane v3, v0;
	_ =	sdelay $0x1  }
0x2bc: {  	v3 =	vperm.xlane v3, v2;
	v4 =	vadd.s32 v1, v4;
	_ =	sdelay $0x1  }
0x2bd: {  	v3 =	vadd.s32 v1, v3;
	_ =	sdelay $0x1  }
0x2be: {  	s15 =	simm.s32 $0x7100  }
0x2bf: {  	[tilespmem:s15], [sflag:$0x1] =	stream.indirect_vreg.gather [hbm4b:s3+s2], $0x80, v4, vm0, $0xb8;
	[tilespmem:$0x10100] =	vst v63  }
0x2c0: {  	s15 =	simm.s32 $0x7900  }
0x2c1: {  	[tilespmem:s15], [sflag:$0x1] =	stream.indirect_vreg.gather [hbm4b:s3+s2], $0x80, v3, vm0, $0xb8;
	[tilespmem:$0x10100] =	vst v63  }
0x2c2: {  	_ =	swait.ge [sflag:s13], $0x8000  }
0x2c3: {  	[sflag:s13] =	ssyncset.done $0x0  }
0x2c4: {  	s15 =	rddreg [dreg:$0xe];
	[sflag:s13] =	ssyncadd.s32 $0xFFFF8000  }
0x2c5: {  	[hbm4b:s15+s2] =	stream.linear.scatter [tilespmem:s23], [sflag:$0x2], $0x8000, $0x38;
	[tilespmem:$0x10100] =	vst v63  }
0x2c6: {  	_ =	swait.ge [sflag:s14], $0x8000  }
0x2c7: {  	[sflag:s14] =	ssyncset.done $0x0  }
0x2c8: {  	s1 =	simm.s32 $0x80;
	s15 =	rddreg [dreg:$0xf];
	[sflag:s14] =	ssyncadd.s32 $0xFFFF8000  }
0x2c9: {  	[tilespmem:s1], [sflag:$0x3] =	stream.linear.gather [hbm4b:s15+s2], $0x80, $0x38;
	[tilespmem:$0x10100] =	vst v63  }
0x2ca: {  	_ =	swait.ge [sflag:s5], $0x80  }
0x2cb: {  	[sflag:s5] =	ssyncset.done $0x0  }
0x2cc: {  	[sflag:s5] =	ssyncadd.s32 $0xFFFFFF80  }
0x2cd: {  	v3 =	vld [tilespmem:$0x80];
	_ =	sdelay $0x4  }
0x2ce: {  	v24 =	vshll.u32 v3, $0x1  }
0x2cf: {  	v3 =	vand.u32 $0x7, v3;
	v4 =	vand.u32 $0xFFFFFFF0, v24  }
0x2d0: {  	v3 =	vor.u32 v3, v4  }
0x2d1: {  	v4 =	vperm.xlane v3, v0;
	_ =	sdelay $0x1  }
0x2d2: {  	v3 =	vperm.xlane v3, v2;
	v4 =	vadd.s32 v1, v4;
	_ =	sdelay $0x1  }
0x2d3: {  	v3 =	vadd.s32 v1, v3;
	_ =	sdelay $0x2  }
0x2d4: {  	[tilespmem:s23], [sflag:$0x1] =	stream.indirect_vreg.gather [hbm4b:s3+s2], $0x80, v4, vm0, $0xb8;
	[tilespmem:$0x10100] =	vst v63  }
0x2d5: {  	s6 =	simm.s32 $0x8900  }
0x2d6: {  	[tilespmem:s6], [sflag:$0x1] =	stream.indirect_vreg.gather [hbm4b:s3+s2], $0x80, v3, vm0, $0xb8;
	[tilespmem:$0x10100] =	vst v63  }
0x2d7: {  	v3 =	vld [tilespmem:$0x90];
	_ =	sdelay $0x4  }
0x2d8: {  	v25 =	vshll.u32 v3, $0x1  }
0x2d9: {  	v3 =	vand.u32 $0x7, v3;
	v4 =	vand.u32 $0xFFFFFFF0, v25  }
0x2da: {  	v3 =	vor.u32 v3, v4  }
0x2db: {  	v4 =	vperm.xlane v3, v0;
	_ =	sdelay $0x1  }
0x2dc: {  	v3 =	vperm.xlane v3, v2;
	v4 =	vadd.s32 v1, v4;
	_ =	sdelay $0x1  }
0x2dd: {  	v3 =	vadd.s32 v1, v3;
	_ =	sdelay $0x1  }
0x2de: {  	s21 =	simm.s32 $0x9100  }
0x2df: {  	[tilespmem:s21], [sflag:$0x1] =	stream.indirect_vreg.gather [hbm4b:s3+s2], $0x80, v4, vm0, $0xb8;
	[tilespmem:$0x10100] =	vst v63  }
0x2e0: {  	s12 =	simm.s32 $0x9900  }
0x2e1: {  	[tilespmem:s12], [sflag:$0x1] =	stream.indirect_vreg.gather [hbm4b:s3+s2], $0x80, v3, vm0, $0xb8;
	[tilespmem:$0x10100] =	vst v63  }
0x2e2: {  	v3 =	vld [tilespmem:$0xA0];
	_ =	sdelay $0x4  }
0x2e3: {  	v26 =	vshll.u32 v3, $0x1  }
0x2e4: {  	v3 =	vand.u32 $0x7, v3;
	v4 =	vand.u32 $0xFFFFFFF0, v26  }
0x2e5: {  	v3 =	vor.u32 v3, v4  }
0x2e6: {  	v4 =	vperm.xlane v3, v0;
	_ =	sdelay $0x1  }
0x2e7: {  	v3 =	vperm.xlane v3, v2;
	v4 =	vadd.s32 v1, v4;
	_ =	sdelay $0x1  }
0x2e8: {  	v3 =	vadd.s32 v1, v3;
	_ =	sdelay $0x1  }
0x2e9: {  	s15 =	simm.s32 $0xA100  }
0x2ea: {  	[tilespmem:s15], [sflag:$0x1] =	stream.indirect_vreg.gather [hbm4b:s3+s2], $0x80, v4, vm0, $0xb8;
	[tilespmem:$0x10100] =	vst v63  }
0x2eb: {  	s0 =	simm.s32 $0xA900  }
0x2ec: {  	[tilespmem:s0], [sflag:$0x1] =	stream.indirect_vreg.gather [hbm4b:s3+s2], $0x80, v3, vm0, $0xb8;
	[tilespmem:$0x10100] =	vst v63  }
0x2ed: {  	v3 =	vld [tilespmem:$0xB0];
	_ =	sdelay $0x4  }
0x2ee: {  	v27 =	vshll.u32 v3, $0x1  }
0x2ef: {  	v3 =	vand.u32 $0x7, v3;
	v4 =	vand.u32 $0xFFFFFFF0, v27  }
0x2f0: {  	v3 =	vor.u32 v3, v4  }
0x2f1: {  	v4 =	vperm.xlane v3, v0;
	_ =	sdelay $0x1  }
0x2f2: {  	v3 =	vperm.xlane v3, v2;
	v4 =	vadd.s32 v1, v4;
	_ =	sdelay $0x1  }
0x2f3: {  	v3 =	vadd.s32 v1, v3;
	_ =	sdelay $0x1  }
0x2f4: {  	s22 =	simm.s32 $0xB100  }
0x2f5: {  	[tilespmem:s22], [sflag:$0x1] =	stream.indirect_vreg.gather [hbm4b:s3+s2], $0x80, v4, vm0, $0xb8;
	[tilespmem:$0x10100] =	vst v63  }
0x2f6: {  	s17 =	simm.s32 $0xB900  }
0x2f7: {  	[tilespmem:s17], [sflag:$0x1] =	stream.indirect_vreg.gather [hbm4b:s3+s2], $0x80, v3, vm0, $0xb8;
	[tilespmem:$0x10100] =	vst v63  }
0x2f8: {  	v3 =	vld [tilespmem:$0xC0];
	_ =	sdelay $0x4  }
0x2f9: {  	v28 =	vshll.u32 v3, $0x1  }
0x2fa: {  	v3 =	vand.u32 $0x7, v3;
	v4 =	vand.u32 $0xFFFFFFF0, v28  }
0x2fb: {  	v3 =	vor.u32 v3, v4  }
0x2fc: {  	v4 =	vperm.xlane v3, v0;
	_ =	sdelay $0x1  }
0x2fd: {  	v3 =	vperm.xlane v3, v2;
	v4 =	vadd.s32 v1, v4;
	_ =	sdelay $0x1  }
0x2fe: {  	v3 =	vadd.s32 v1, v3;
	_ =	sdelay $0x1  }
0x2ff: {  	s11 =	simm.s32 $0xC100  }
0x300: {  	[tilespmem:s11], [sflag:$0x1] =	stream.indirect_vreg.gather [hbm4b:s3+s2], $0x80, v4, vm0, $0xb8;
	[tilespmem:$0x10100] =	vst v63  }
0x301: {  	s18 =	simm.s32 $0xC900  }
0x302: {  	[tilespmem:s18], [sflag:$0x1] =	stream.indirect_vreg.gather [hbm4b:s3+s2], $0x80, v3, vm0, $0xb8;
	[tilespmem:$0x10100] =	vst v63  }
0x303: {  	v3 =	vld [tilespmem:$0xD0];
	_ =	sdelay $0x4  }
0x304: {  	v29 =	vshll.u32 v3, $0x1  }
0x305: {  	v3 =	vand.u32 $0x7, v3;
	v4 =	vand.u32 $0xFFFFFFF0, v29  }
0x306: {  	v3 =	vor.u32 v3, v4  }
0x307: {  	v4 =	vperm.xlane v3, v0;
	_ =	sdelay $0x1  }
0x308: {  	v3 =	vperm.xlane v3, v2;
	v4 =	vadd.s32 v1, v4;
	_ =	sdelay $0x1  }
0x309: {  	v3 =	vadd.s32 v1, v3;
	_ =	sdelay $0x1  }
0x30a: {  	s7 =	simm.s32 $0xD100  }
0x30b: {  	[tilespmem:s7], [sflag:$0x1] =	stream.indirect_vreg.gather [hbm4b:s3+s2], $0x80, v4, vm0, $0xb8;
	[tilespmem:$0x10100] =	vst v63  }
0x30c: {  	s19 =	simm.s32 $0xD900  }
0x30d: {  	[tilespmem:s19], [sflag:$0x1] =	stream.indirect_vreg.gather [hbm4b:s3+s2], $0x80, v3, vm0, $0xb8;
	[tilespmem:$0x10100] =	vst v63  }
0x30e: {  	v3 =	vld [tilespmem:$0xE0];
	_ =	sdelay $0x4  }
0x30f: {  	v30 =	vshll.u32 v3, $0x1  }
0x310: {  	v3 =	vand.u32 $0x7, v3;
	v4 =	vand.u32 $0xFFFFFFF0, v30  }
0x311: {  	v3 =	vor.u32 v3, v4  }
0x312: {  	v4 =	vperm.xlane v3, v0;
	_ =	sdelay $0x1  }
0x313: {  	v3 =	vperm.xlane v3, v2;
	v4 =	vadd.s32 v1, v4;
	_ =	sdelay $0x1  }
0x314: {  	v3 =	vadd.s32 v1, v3;
	_ =	sdelay $0x1  }
0x315: {  	s8 =	simm.s32 $0xE100  }
0x316: {  	[tilespmem:s8], [sflag:$0x1] =	stream.indirect_vreg.gather [hbm4b:s3+s2], $0x80, v4, vm0, $0xb8;
	[tilespmem:$0x10100] =	vst v63  }
0x317: {  	s20 =	simm.s32 $0xE900  }
0x318: {  	[tilespmem:s20], [sflag:$0x1] =	stream.indirect_vreg.gather [hbm4b:s3+s2], $0x80, v3, vm0, $0xb8;
	[tilespmem:$0x10100] =	vst v63  }
0x319: {  	v3 =	vld [tilespmem:$0xF0];
	_ =	sdelay $0x4  }
0x31a: {  	v31 =	vshll.u32 v3, $0x1  }
0x31b: {  	v3 =	vand.u32 $0x7, v3;
	v4 =	vand.u32 $0xFFFFFFF0, v31  }
0x31c: {  	v3 =	vor.u32 v3, v4  }
0x31d: {  	v4 =	vperm.xlane v3, v0;
	_ =	sdelay $0x1  }
0x31e: {  	v3 =	vperm.xlane v3, v2;
	v4 =	vadd.s32 v1, v4;
	_ =	sdelay $0x1  }
0x31f: {  	v3 =	vadd.s32 v1, v3;
	_ =	sdelay $0x1  }
0x320: {  	s9 =	simm.s32 $0xF100  }
0x321: {  	[tilespmem:s9], [sflag:$0x1] =	stream.indirect_vreg.gather [hbm4b:s3+s2], $0x80, v4, vm0, $0xb8;
	[tilespmem:$0x10100] =	vst v63  }
0x322: {  	s10 =	simm.s32 $0xF900  }
0x323: {  	[tilespmem:s10], [sflag:$0x1] =	stream.indirect_vreg.gather [hbm4b:s3+s2], $0x80, v3, vm0, $0xb8;
	[tilespmem:$0x10100] =	vst v63  }
0x324: {  	_ =	swait.ge [sflag:s13], $0x8000  }
0x325: {  	[sflag:s13] =	ssyncset.done $0x0  }
0x326: {  	s8 =	rddreg [dreg:$0x10];
	[sflag:s13] =	ssyncadd.s32 $0xFFFF8000  }
0x327: {  	[hbm4b:s8+s2] =	stream.linear.scatter [tilespmem:s16], [sflag:$0x2], $0x8000, $0x38;
	[tilespmem:$0x10100] =	vst v63  }
0x328: {  	_ =	swait.ge [sflag:s14], $0x8000  }
0x329: {  	[sflag:s14] =	ssyncset.done $0x0  }
0x32a: {  	s10 =	rddreg [dreg:$0x11];
	[sflag:s14] =	ssyncadd.s32 $0xFFFF8000  }
0x32b: {  	[tilespmem:s2], [sflag:$0x3] =	stream.linear.gather [hbm4b:s10+s2], $0x80, $0x38;
	[tilespmem:$0x10100] =	vst v63  }
0x32c: {  	_ =	swait.ge [sflag:s5], $0x80  }
0x32d: {  	[sflag:s5] =	ssyncset.done $0x0  }
0x32e: {  	[sflag:s5] =	ssyncadd.s32 $0xFFFFFF80  }
0x32f: {  	v3 =	vld [tilespmem:$0x0];
	_ =	sdelay $0x4  }
0x330: {  	v32 =	vshll.u32 v3, $0x1  }
0x331: {  	v3 =	vand.u32 $0x7, v3;
	v4 =	vand.u32 $0xFFFFFFF0, v32  }
0x332: {  	v3 =	vor.u32 v3, v4  }
0x333: {  	v4 =	vperm.xlane v3, v0;
	_ =	sdelay $0x1  }
0x334: {  	v3 =	vperm.xlane v3, v2;
	v4 =	vadd.s32 v1, v4;
	_ =	sdelay $0x1  }
0x335: {  	v3 =	vadd.s32 v1, v3;
	_ =	sdelay $0x2  }
0x336: {  	[tilespmem:s16], [sflag:$0x1] =	stream.indirect_vreg.gather [hbm4b:s3+s2], $0x80, v4, vm0, $0xb8;
	[tilespmem:$0x10100] =	vst v63  }
0x337: {  	s18 =	simm.s32 $0x900  }
0x338: {  	[tilespmem:s18], [sflag:$0x1] =	stream.indirect_vreg.gather [hbm4b:s3+s2], $0x80, v3, vm0, $0xb8;
	[tilespmem:$0x10100] =	vst v63  }
0x339: {  	v3 =	vld [tilespmem:$0x10];
	_ =	sdelay $0x4  }
0x33a: {  	v33 =	vshll.u32 v3, $0x1  }
0x33b: {  	v3 =	vand.u32 $0x7, v3;
	v4 =	vand.u32 $0xFFFFFFF0, v33  }
0x33c: {  	v3 =	vor.u32 v3, v4  }
0x33d: {  	v4 =	vperm.xlane v3, v0;
	_ =	sdelay $0x1  }
0x33e: {  	v3 =	vperm.xlane v3, v2;
	v4 =	vadd.s32 v1, v4;
	_ =	sdelay $0x1  }
0x33f: {  	v3 =	vadd.s32 v1, v3;
	_ =	sdelay $0x1  }
0x340: {  	s19 =	simm.s32 $0x1100  }
0x341: {  	[tilespmem:s19], [sflag:$0x1] =	stream.indirect_vreg.gather [hbm4b:s3+s2], $0x80, v4, vm0, $0xb8;
	[tilespmem:$0x10100] =	vst v63  }
0x342: {  	s25 =	simm.s32 $0x1900  }
0x343: {  	[tilespmem:s25], [sflag:$0x1] =	stream.indirect_vreg.gather [hbm4b:s3+s2], $0x80, v3, vm0, $0xb8;
	[tilespmem:$0x10100] =	vst v63  }
0x344: {  	v3 =	vld [tilespmem:$0x20];
	_ =	sdelay $0x4  }
0x345: {  	v34 =	vshll.u32 v3, $0x1  }
0x346: {  	v3 =	vand.u32 $0x7, v3;
	v4 =	vand.u32 $0xFFFFFFF0, v34  }
0x347: {  	v3 =	vor.u32 v3, v4  }
0x348: {  	v4 =	vperm.xlane v3, v0;
	_ =	sdelay $0x1  }
0x349: {  	v3 =	vperm.xlane v3, v2;
	v4 =	vadd.s32 v1, v4;
	_ =	sdelay $0x1  }
0x34a: {  	v3 =	vadd.s32 v1, v3;
	_ =	sdelay $0x1  }
0x34b: {  	s20 =	simm.s32 $0x2100  }
0x34c: {  	[tilespmem:s20], [sflag:$0x1] =	stream.indirect_vreg.gather [hbm4b:s3+s2], $0x80, v4, vm0, $0xb8;
	[tilespmem:$0x10100] =	vst v63  }
0x34d: {  	s25 =	simm.s32 $0x2900  }
0x34e: {  	[tilespmem:s25], [sflag:$0x1] =	stream.indirect_vreg.gather [hbm4b:s3+s2], $0x80, v3, vm0, $0xb8;
	[tilespmem:$0x10100] =	vst v63  }
0x34f: {  	v3 =	vld [tilespmem:$0x30];
	_ =	sdelay $0x4  }
0x350: {  	v35 =	vshll.u32 v3, $0x1  }
0x351: {  	v3 =	vand.u32 $0x7, v3;
	v4 =	vand.u32 $0xFFFFFFF0, v35  }
0x352: {  	v3 =	vor.u32 v3, v4  }
0x353: {  	v4 =	vperm.xlane v3, v0;
	_ =	sdelay $0x1  }
0x354: {  	v3 =	vperm.xlane v3, v2;
	v4 =	vadd.s32 v1, v4;
	_ =	sdelay $0x1  }
0x355: {  	v3 =	vadd.s32 v1, v3;
	_ =	sdelay $0x1  }
0x356: {  	s10 =	simm.s32 $0x3100  }
0x357: {  	[tilespmem:s10], [sflag:$0x1] =	stream.indirect_vreg.gather [hbm4b:s3+s2], $0x80, v4, vm0, $0xb8;
	[tilespmem:$0x10100] =	vst v63  }
0x358: {  	s28 =	simm.s32 $0x3900  }
0x359: {  	[tilespmem:s28], [sflag:$0x1] =	stream.indirect_vreg.gather [hbm4b:s3+s2], $0x80, v3, vm0, $0xb8;
	[tilespmem:$0x10100] =	vst v63  }
0x35a: {  	v3 =	vld [tilespmem:$0x40];
	_ =	sdelay $0x4  }
0x35b: {  	v36 =	vshll.u32 v3, $0x1  }
0x35c: {  	v3 =	vand.u32 $0x7, v3;
	v4 =	vand.u32 $0xFFFFFFF0, v36  }
0x35d: {  	v3 =	vor.u32 v3, v4  }
0x35e: {  	v4 =	vperm.xlane v3, v0;
	_ =	sdelay $0x1  }
0x35f: {  	v3 =	vperm.xlane v3, v2;
	v4 =	vadd.s32 v1, v4;
	_ =	sdelay $0x1  }
0x360: {  	v3 =	vadd.s32 v1, v3;
	_ =	sdelay $0x1  }
0x361: {  	s24 =	simm.s32 $0x4100  }
0x362: {  	[tilespmem:s24], [sflag:$0x1] =	stream.indirect_vreg.gather [hbm4b:s3+s2], $0x80, v4, vm0, $0xb8;
	[tilespmem:$0x10100] =	vst v63  }
0x363: {  	s15 =	simm.s32 $0x4900  }
0x364: {  	[tilespmem:s15], [sflag:$0x1] =	stream.indirect_vreg.gather [hbm4b:s3+s2], $0x80, v3, vm0, $0xb8;
	[tilespmem:$0x10100] =	vst v63  }
0x365: {  	v3 =	vld [tilespmem:$0x50];
	_ =	sdelay $0x4  }
0x366: {  	v37 =	vshll.u32 v3, $0x1  }
0x367: {  	v3 =	vand.u32 $0x7, v3;
	v4 =	vand.u32 $0xFFFFFFF0, v37  }
0x368: {  	v3 =	vor.u32 v3, v4  }
0x369: {  	v4 =	vperm.xlane v3, v0;
	_ =	sdelay $0x1  }
0x36a: {  	v3 =	vperm.xlane v3, v2;
	v4 =	vadd.s32 v1, v4;
	_ =	sdelay $0x1  }
0x36b: {  	v3 =	vadd.s32 v1, v3;
	_ =	sdelay $0x1  }
0x36c: {  	s26 =	simm.s32 $0x5100  }
0x36d: {  	[tilespmem:s26], [sflag:$0x1] =	stream.indirect_vreg.gather [hbm4b:s3+s2], $0x80, v4, vm0, $0xb8;
	[tilespmem:$0x10100] =	vst v63  }
0x36e: {  	s30 =	simm.s32 $0x5900  }
0x36f: {  	[tilespmem:s30], [sflag:$0x1] =	stream.indirect_vreg.gather [hbm4b:s3+s2], $0x80, v3, vm0, $0xb8;
	[tilespmem:$0x10100] =	vst v63  }
0x370: {  	v3 =	vld [tilespmem:$0x60];
	_ =	sdelay $0x4  }
0x371: {  	v38 =	vshll.u32 v3, $0x1  }
0x372: {  	v3 =	vand.u32 $0x7, v3;
	v4 =	vand.u32 $0xFFFFFFF0, v38  }
0x373: {  	v3 =	vor.u32 v3, v4  }
0x374: {  	v4 =	vperm.xlane v3, v0;
	_ =	sdelay $0x1  }
0x375: {  	v3 =	vperm.xlane v3, v2;
	v4 =	vadd.s32 v1, v4;
	_ =	sdelay $0x1  }
0x376: {  	v3 =	vadd.s32 v1, v3;
	_ =	sdelay $0x1  }
0x377: {  	s29 =	simm.s32 $0x6100  }
0x378: {  	[tilespmem:s29], [sflag:$0x1] =	stream.indirect_vreg.gather [hbm4b:s3+s2], $0x80, v4, vm0, $0xb8;
	[tilespmem:$0x10100] =	vst v63  }
0x379: {  	s31 =	simm.s32 $0x6900  }
0x37a: {  	[tilespmem:s31], [sflag:$0x1] =	stream.indirect_vreg.gather [hbm4b:s3+s2], $0x80, v3, vm0, $0xb8;
	[tilespmem:$0x10100] =	vst v63  }
0x37b: {  	v3 =	vld [tilespmem:$0x70];
	_ =	sdelay $0x4  }
0x37c: {  	v39 =	vshll.u32 v3, $0x1  }
0x37d: {  	v3 =	vand.u32 $0x7, v3;
	v4 =	vand.u32 $0xFFFFFFF0, v39  }
0x37e: {  	v3 =	vor.u32 v3, v4  }
0x37f: {  	v4 =	vperm.xlane v3, v0;
	_ =	sdelay $0x1  }
0x380: {  	v3 =	vperm.xlane v3, v2;
	v4 =	vadd.s32 v1, v4;
	_ =	sdelay $0x1  }
0x381: {  	v3 =	vadd.s32 v1, v3;
	_ =	sdelay $0x1  }
0x382: {  	s18 =	simm.s32 $0x7100  }
0x383: {  	[tilespmem:s18], [sflag:$0x1] =	stream.indirect_vreg.gather [hbm4b:s3+s2], $0x80, v4, vm0, $0xb8;
	[tilespmem:$0x10100] =	vst v63  }
0x384: {  	s19 =	simm.s32 $0x7900  }
0x385: {  	[tilespmem:s19], [sflag:$0x1] =	stream.indirect_vreg.gather [hbm4b:s3+s2], $0x80, v3, vm0, $0xb8;
	[tilespmem:$0x10100] =	vst v63  }
0x386: {  	_ =	swait.ge [sflag:s13], $0x8000  }
0x387: {  	[sflag:s13] =	ssyncset.done $0x0  }
0x388: {  	s29 =	rddreg [dreg:$0x12];
	[sflag:s13] =	ssyncadd.s32 $0xFFFF8000  }
0x389: {  	[hbm4b:s29+s2] =	stream.linear.scatter [tilespmem:s23], [sflag:$0x2], $0x8000, $0x38;
	[tilespmem:$0x10100] =	vst v63  }
0x38a: {  	_ =	swait.ge [sflag:s14], $0x8000  }
0x38b: {  	[sflag:s14] =	ssyncset.done $0x0  }
0x38c: {  	s1 =	simm.s32 $0x80;
	s10 =	rddreg [dreg:$0x13];
	[sflag:s14] =	ssyncadd.s32 $0xFFFF8000  }
0x38d: {  	[tilespmem:s1], [sflag:$0x3] =	stream.linear.gather [hbm4b:s10+s2], $0x80, $0x38;
	[tilespmem:$0x10100] =	vst v63  }
0x38e: {  	_ =	swait.ge [sflag:s5], $0x80  }
0x38f: {  	[sflag:s5] =	ssyncset.done $0x0  }
0x390: {  	[sflag:s5] =	ssyncadd.s32 $0xFFFFFF80  }
0x391: {  	v3 =	vld [tilespmem:$0x80];
	_ =	sdelay $0x4  }
0x392: {  	v40 =	vshll.u32 v3, $0x1  }
0x393: {  	v3 =	vand.u32 $0x7, v3;
	v4 =	vand.u32 $0xFFFFFFF0, v40  }
0x394: {  	v3 =	vor.u32 v3, v4  }
0x395: {  	v4 =	vperm.xlane v3, v0;
	_ =	sdelay $0x1  }
0x396: {  	v3 =	vperm.xlane v3, v2;
	v4 =	vadd.s32 v1, v4;
	_ =	sdelay $0x1  }
0x397: {  	v3 =	vadd.s32 v1, v3;
	_ =	sdelay $0x2  }
0x398: {  	[tilespmem:s23], [sflag:$0x1] =	stream.indirect_vreg.gather [hbm4b:s3+s2], $0x80, v4, vm0, $0xb8;
	[tilespmem:$0x10100] =	vst v63  }
0x399: {  	s6 =	simm.s32 $0x8900  }
0x39a: {  	[tilespmem:s6], [sflag:$0x1] =	stream.indirect_vreg.gather [hbm4b:s3+s2], $0x80, v3, vm0, $0xb8;
	[tilespmem:$0x10100] =	vst v63  }
0x39b: {  	v3 =	vld [tilespmem:$0x90];
	_ =	sdelay $0x4  }
0x39c: {  	v41 =	vshll.u32 v3, $0x1  }
0x39d: {  	v3 =	vand.u32 $0x7, v3;
	v4 =	vand.u32 $0xFFFFFFF0, v41  }
0x39e: {  	v3 =	vor.u32 v3, v4  }
0x39f: {  	v4 =	vperm.xlane v3, v0;
	_ =	sdelay $0x1  }
0x3a0: {  	v3 =	vperm.xlane v3, v2;
	v4 =	vadd.s32 v1, v4;
	_ =	sdelay $0x1  }
0x3a1: {  	v3 =	vadd.s32 v1, v3;
	_ =	sdelay $0x1  }
0x3a2: {  	s21 =	simm.s32 $0x9100  }
0x3a3: {  	[tilespmem:s21], [sflag:$0x1] =	stream.indirect_vreg.gather [hbm4b:s3+s2], $0x80, v4, vm0, $0xb8;
	[tilespmem:$0x10100] =	vst v63  }
0x3a4: {  	s15 =	simm.s32 $0x9900  }
0x3a5: {  	[tilespmem:s15], [sflag:$0x1] =	stream.indirect_vreg.gather [hbm4b:s3+s2], $0x80, v3, vm0, $0xb8;
	[tilespmem:$0x10100] =	vst v63  }
0x3a6: {  	v3 =	vld [tilespmem:$0xA0];
	_ =	sdelay $0x4  }
0x3a7: {  	v42 =	vshll.u32 v3, $0x1  }
0x3a8: {  	v3 =	vand.u32 $0x7, v3;
	v4 =	vand.u32 $0xFFFFFFF0, v42  }
0x3a9: {  	v3 =	vor.u32 v3, v4  }
0x3aa: {  	v4 =	vperm.xlane v3, v0;
	_ =	sdelay $0x1  }
0x3ab: {  	v3 =	vperm.xlane v3, v2;
	v4 =	vadd.s32 v1, v4;
	_ =	sdelay $0x1  }
0x3ac: {  	v3 =	vadd.s32 v1, v3;
	_ =	sdelay $0x1  }
0x3ad: {  	s18 =	simm.s32 $0xA100  }
0x3ae: {  	[tilespmem:s18], [sflag:$0x1] =	stream.indirect_vreg.gather [hbm4b:s3+s2], $0x80, v4, vm0, $0xb8;
	[tilespmem:$0x10100] =	vst v63  }
0x3af: {  	s0 =	simm.s32 $0xA900  }
0x3b0: {  	[tilespmem:s0], [sflag:$0x1] =	stream.indirect_vreg.gather [hbm4b:s3+s2], $0x80, v3, vm0, $0xb8;
	[tilespmem:$0x10100] =	vst v63  }
0x3b1: {  	v3 =	vld [tilespmem:$0xB0];
	_ =	sdelay $0x4  }
0x3b2: {  	v43 =	vshll.u32 v3, $0x1  }
0x3b3: {  	v3 =	vand.u32 $0x7, v3;
	v4 =	vand.u32 $0xFFFFFFF0, v43  }
0x3b4: {  	v3 =	vor.u32 v3, v4  }
0x3b5: {  	v4 =	vperm.xlane v3, v0;
	_ =	sdelay $0x1  }
0x3b6: {  	v3 =	vperm.xlane v3, v2;
	v4 =	vadd.s32 v1, v4;
	_ =	sdelay $0x1  }
0x3b7: {  	v3 =	vadd.s32 v1, v3;
	_ =	sdelay $0x1  }
0x3b8: {  	s19 =	simm.s32 $0xB100  }
0x3b9: {  	[tilespmem:s19], [sflag:$0x1] =	stream.indirect_vreg.gather [hbm4b:s3+s2], $0x80, v4, vm0, $0xb8;
	[tilespmem:$0x10100] =	vst v63  }
0x3ba: {  	s22 =	simm.s32 $0xB900  }
0x3bb: {  	[tilespmem:s22], [sflag:$0x1] =	stream.indirect_vreg.gather [hbm4b:s3+s2], $0x80, v3, vm0, $0xb8;
	[tilespmem:$0x10100] =	vst v63  }
0x3bc: {  	v3 =	vld [tilespmem:$0xC0];
	_ =	sdelay $0x4  }
0x3bd: {  	v44 =	vshll.u32 v3, $0x1  }
0x3be: {  	v3 =	vand.u32 $0x7, v3;
	v4 =	vand.u32 $0xFFFFFFF0, v44  }
0x3bf: {  	v3 =	vor.u32 v3, v4  }
0x3c0: {  	v4 =	vperm.xlane v3, v0;
	_ =	sdelay $0x1  }
0x3c1: {  	v3 =	vperm.xlane v3, v2;
	v4 =	vadd.s32 v1, v4;
	_ =	sdelay $0x1  }
0x3c2: {  	v3 =	vadd.s32 v1, v3;
	_ =	sdelay $0x1  }
0x3c3: {  	s11 =	simm.s32 $0xC100  }
0x3c4: {  	[tilespmem:s11], [sflag:$0x1] =	stream.indirect_vreg.gather [hbm4b:s3+s2], $0x80, v4, vm0, $0xb8;
	[tilespmem:$0x10100] =	vst v63  }
0x3c5: {  	s22 =	simm.s32 $0xC900  }
0x3c6: {  	[tilespmem:s22], [sflag:$0x1] =	stream.indirect_vreg.gather [hbm4b:s3+s2], $0x80, v3, vm0, $0xb8;
	[tilespmem:$0x10100] =	vst v63  }
0x3c7: {  	v3 =	vld [tilespmem:$0xD0];
	_ =	sdelay $0x4  }
0x3c8: {  	v45 =	vshll.u32 v3, $0x1  }
0x3c9: {  	v3 =	vand.u32 $0x7, v3;
	v4 =	vand.u32 $0xFFFFFFF0, v45  }
0x3ca: {  	v3 =	vor.u32 v3, v4  }
0x3cb: {  	v4 =	vperm.xlane v3, v0;
	_ =	sdelay $0x1  }
0x3cc: {  	v3 =	vperm.xlane v3, v2;
	v4 =	vadd.s32 v1, v4;
	_ =	sdelay $0x1  }
0x3cd: {  	v3 =	vadd.s32 v1, v3;
	_ =	sdelay $0x1  }
0x3ce: {  	s12 =	simm.s32 $0xD100  }
0x3cf: {  	[tilespmem:s12], [sflag:$0x1] =	stream.indirect_vreg.gather [hbm4b:s3+s2], $0x80, v4, vm0, $0xb8;
	[tilespmem:$0x10100] =	vst v63  }
0x3d0: {  	s15 =	simm.s32 $0xD900  }
0x3d1: {  	[tilespmem:s15], [sflag:$0x1] =	stream.indirect_vreg.gather [hbm4b:s3+s2], $0x80, v3, vm0, $0xb8;
	[tilespmem:$0x10100] =	vst v63  }
0x3d2: {  	v3 =	vld [tilespmem:$0xE0];
	_ =	sdelay $0x4  }
0x3d3: {  	v46 =	vshll.u32 v3, $0x1  }
0x3d4: {  	v3 =	vand.u32 $0x7, v3;
	v4 =	vand.u32 $0xFFFFFFF0, v46  }
0x3d5: {  	v3 =	vor.u32 v3, v4  }
0x3d6: {  	v4 =	vperm.xlane v3, v0;
	_ =	sdelay $0x1  }
0x3d7: {  	v3 =	vperm.xlane v3, v2;
	v4 =	vadd.s32 v1, v4;
	_ =	sdelay $0x1  }
0x3d8: {  	v3 =	vadd.s32 v1, v3;
	_ =	sdelay $0x1  }
0x3d9: {  	s17 =	simm.s32 $0xE100  }
0x3da: {  	[tilespmem:s17], [sflag:$0x1] =	stream.indirect_vreg.gather [hbm4b:s3+s2], $0x80, v4, vm0, $0xb8;
	[tilespmem:$0x10100] =	vst v63  }
0x3db: {  	s17 =	simm.s32 $0xE900  }
0x3dc: {  	[tilespmem:s17], [sflag:$0x1] =	stream.indirect_vreg.gather [hbm4b:s3+s2], $0x80, v3, vm0, $0xb8;
	[tilespmem:$0x10100] =	vst v63  }
0x3dd: {  	v3 =	vld [tilespmem:$0xF0];
	_ =	sdelay $0x4  }
0x3de: {  	v47 =	vshll.u32 v3, $0x1  }
0x3df: {  	v3 =	vand.u32 $0x7, v3;
	v4 =	vand.u32 $0xFFFFFFF0, v47  }
0x3e0: {  	v3 =	vor.u32 v3, v4  }
0x3e1: {  	v4 =	vperm.xlane v3, v0;
	_ =	sdelay $0x1  }
0x3e2: {  	v3 =	vperm.xlane v3, v2;
	v4 =	vadd.s32 v1, v4;
	_ =	sdelay $0x1  }
0x3e3: {  	v3 =	vadd.s32 v1, v3;
	_ =	sdelay $0x1  }
0x3e4: {  	s9 =	simm.s32 $0xF100  }
0x3e5: {  	[tilespmem:s9], [sflag:$0x1] =	stream.indirect_vreg.gather [hbm4b:s3+s2], $0x80, v4, vm0, $0xb8;
	[tilespmem:$0x10100] =	vst v63  }
0x3e6: {  	s15 =	simm.s32 $0xF900  }
0x3e7: {  	[tilespmem:s15], [sflag:$0x1] =	stream.indirect_vreg.gather [hbm4b:s3+s2], $0x80, v3, vm0, $0xb8;
	[tilespmem:$0x10100] =	vst v63  }
0x3e8: {  	_ =	swait.ge [sflag:s13], $0x8000  }
0x3e9: {  	[sflag:s13] =	ssyncset.done $0x0  }
0x3ea: {  	s15 =	rddreg [dreg:$0x14];
	[sflag:s13] =	ssyncadd.s32 $0xFFFF8000  }
0x3eb: {  	[hbm4b:s15+s2] =	stream.linear.scatter [tilespmem:s16], [sflag:$0x2], $0x8000, $0x38;
	[tilespmem:$0x10100] =	vst v63  }
0x3ec: {  	_ =	swait.ge [sflag:s14], $0x8000  }
0x3ed: {  	[sflag:s14] =	ssyncset.done $0x0  }
0x3ee: {  	s15 =	rddreg [dreg:$0x15];
	[sflag:s14] =	ssyncadd.s32 $0xFFFF8000  }
0x3ef: {  	[tilespmem:s2], [sflag:$0x3] =	stream.linear.gather [hbm4b:s15+s2], $0x80, $0x38;
	[tilespmem:$0x10100] =	vst v63  }
0x3f0: {  	_ =	swait.ge [sflag:s5], $0x80  }
0x3f1: {  	[sflag:s5] =	ssyncset.done $0x0  }
0x3f2: {  	[sflag:s5] =	ssyncadd.s32 $0xFFFFFF80  }
0x3f3: {  	v3 =	vld [tilespmem:$0x0];
	_ =	sdelay $0x4  }
0x3f4: {  	v48 =	vshll.u32 v3, $0x1  }
0x3f5: {  	v3 =	vand.u32 $0x7, v3;
	v4 =	vand.u32 $0xFFFFFFF0, v48  }
0x3f6: {  	v3 =	vor.u32 v3, v4  }
0x3f7: {  	v4 =	vperm.xlane v3, v0;
	_ =	sdelay $0x1  }
0x3f8: {  	v3 =	vperm.xlane v3, v2;
	v4 =	vadd.s32 v1, v4;
	_ =	sdelay $0x1  }
0x3f9: {  	v3 =	vadd.s32 v1, v3;
	_ =	sdelay $0x2  }
0x3fa: {  	[tilespmem:s16], [sflag:$0x1] =	stream.indirect_vreg.gather [hbm4b:s3+s2], $0x80, v4, vm0, $0xb8;
	[tilespmem:$0x10100] =	vst v63  }
0x3fb: {  	s15 =	simm.s32 $0x900  }
0x3fc: {  	[tilespmem:s15], [sflag:$0x1] =	stream.indirect_vreg.gather [hbm4b:s3+s2], $0x80, v3, vm0, $0xb8;
	[tilespmem:$0x10100] =	vst v63  }
0x3fd: {  	v3 =	vld [tilespmem:$0x10];
	_ =	sdelay $0x4  }
0x3fe: {  	v49 =	vshll.u32 v3, $0x1  }
0x3ff: {  	v3 =	vand.u32 $0x7, v3;
	v4 =	vand.u32 $0xFFFFFFF0, v49  }
0x400: {  	v3 =	vor.u32 v3, v4  }
0x401: {  	v4 =	vperm.xlane v3, v0;
	_ =	sdelay $0x1  }
0x402: {  	v3 =	vperm.xlane v3, v2;
	v4 =	vadd.s32 v1, v4;
	_ =	sdelay $0x1  }
0x403: {  	v3 =	vadd.s32 v1, v3;
	_ =	sdelay $0x1  }
0x404: {  	s15 =	simm.s32 $0x1100  }
0x405: {  	[tilespmem:s15], [sflag:$0x1] =	stream.indirect_vreg.gather [hbm4b:s3+s2], $0x80, v4, vm0, $0xb8;
	[tilespmem:$0x10100] =	vst v63  }
0x406: {  	s7 =	simm.s32 $0x1900  }
0x407: {  	[tilespmem:s7], [sflag:$0x1] =	stream.indirect_vreg.gather [hbm4b:s3+s2], $0x80, v3, vm0, $0xb8;
	[tilespmem:$0x10100] =	vst v63  }
0x408: {  	v3 =	vld [tilespmem:$0x20];
	_ =	sdelay $0x4  }
0x409: {  	v50 =	vshll.u32 v3, $0x1  }
0x40a: {  	v3 =	vand.u32 $0x7, v3;
	v4 =	vand.u32 $0xFFFFFFF0, v50  }
0x40b: {  	v3 =	vor.u32 v3, v4  }
0x40c: {  	v4 =	vperm.xlane v3, v0;
	_ =	sdelay $0x1  }
0x40d: {  	v3 =	vperm.xlane v3, v2;
	v4 =	vadd.s32 v1, v4;
	_ =	sdelay $0x1  }
0x40e: {  	v3 =	vadd.s32 v1, v3;
	_ =	sdelay $0x1  }
0x40f: {  	s15 =	simm.s32 $0x2100  }
0x410: {  	[tilespmem:s15], [sflag:$0x1] =	stream.indirect_vreg.gather [hbm4b:s3+s2], $0x80, v4, vm0, $0xb8;
	[tilespmem:$0x10100] =	vst v63  }
0x411: {  	s15 =	simm.s32 $0x2900  }
0x412: {  	[tilespmem:s15], [sflag:$0x1] =	stream.indirect_vreg.gather [hbm4b:s3+s2], $0x80, v3, vm0, $0xb8;
	[tilespmem:$0x10100] =	vst v63  }
0x413: {  	v3 =	vld [tilespmem:$0x30];
	_ =	sdelay $0x4  }
0x414: {  	v51 =	vshll.u32 v3, $0x1  }
0x415: {  	v3 =	vand.u32 $0x7, v3;
	v4 =	vand.u32 $0xFFFFFFF0, v51  }
0x416: {  	v3 =	vor.u32 v3, v4  }
0x417: {  	v4 =	vperm.xlane v3, v0;
	_ =	sdelay $0x1  }
0x418: {  	v3 =	vperm.xlane v3, v2;
	v4 =	vadd.s32 v1, v4;
	_ =	sdelay $0x1  }
0x419: {  	v3 =	vadd.s32 v1, v3;
	_ =	sdelay $0x1  }
0x41a: {  	s15 =	simm.s32 $0x3100  }
0x41b: {  	[tilespmem:s15], [sflag:$0x1] =	stream.indirect_vreg.gather [hbm4b:s3+s2], $0x80, v4, vm0, $0xb8;
	[tilespmem:$0x10100] =	vst v63  }
0x41c: {  	s25 =	simm.s32 $0x3900  }
0x41d: {  	[tilespmem:s25], [sflag:$0x1] =	stream.indirect_vreg.gather [hbm4b:s3+s2], $0x80, v3, vm0, $0xb8;
	[tilespmem:$0x10100] =	vst v63  }
0x41e: {  	v3 =	vld [tilespmem:$0x40];
	_ =	sdelay $0x4  }
0x41f: {  	v52 =	vshll.u32 v3, $0x1  }
0x420: {  	v3 =	vand.u32 $0x7, v3;
	v4 =	vand.u32 $0xFFFFFFF0, v52  }
0x421: {  	v3 =	vor.u32 v3, v4  }
0x422: {  	v4 =	vperm.xlane v3, v0;
	_ =	sdelay $0x1  }
0x423: {  	v3 =	vperm.xlane v3, v2;
	v4 =	vadd.s32 v1, v4;
	_ =	sdelay $0x1  }
0x424: {  	v3 =	vadd.s32 v1, v3;
	_ =	sdelay $0x1  }
0x425: {  	s20 =	simm.s32 $0x4100  }
0x426: {  	[tilespmem:s20], [sflag:$0x1] =	stream.indirect_vreg.gather [hbm4b:s3+s2], $0x80, v4, vm0, $0xb8;
	[tilespmem:$0x10100] =	vst v63  }
0x427: {  	s20 =	simm.s32 $0x4900  }
0x428: {  	[tilespmem:s20], [sflag:$0x1] =	stream.indirect_vreg.gather [hbm4b:s3+s2], $0x80, v3, vm0, $0xb8;
	[tilespmem:$0x10100] =	vst v63  }
0x429: {  	v3 =	vld [tilespmem:$0x50];
	_ =	sdelay $0x4  }
0x42a: {  	v53 =	vshll.u32 v3, $0x1  }
0x42b: {  	v3 =	vand.u32 $0x7, v3;
	v4 =	vand.u32 $0xFFFFFFF0, v53  }
0x42c: {  	v3 =	vor.u32 v3, v4  }
0x42d: {  	v4 =	vperm.xlane v3, v0;
	_ =	sdelay $0x1  }
0x42e: {  	v3 =	vperm.xlane v3, v2;
	v4 =	vadd.s32 v1, v4;
	_ =	sdelay $0x1  }
0x42f: {  	v3 =	vadd.s32 v1, v3;
	_ =	sdelay $0x1  }
0x430: {  	s24 =	simm.s32 $0x5100  }
0x431: {  	[tilespmem:s24], [sflag:$0x1] =	stream.indirect_vreg.gather [hbm4b:s3+s2], $0x80, v4, vm0, $0xb8;
	[tilespmem:$0x10100] =	vst v63  }
0x432: {  	s28 =	simm.s32 $0x5900  }
0x433: {  	[tilespmem:s28], [sflag:$0x1] =	stream.indirect_vreg.gather [hbm4b:s3+s2], $0x80, v3, vm0, $0xb8;
	[tilespmem:$0x10100] =	vst v63  }
0x434: {  	v3 =	vld [tilespmem:$0x60];
	_ =	sdelay $0x4  }
0x435: {  	v54 =	vshll.u32 v3, $0x1  }
0x436: {  	v3 =	vand.u32 $0x7, v3;
	v4 =	vand.u32 $0xFFFFFFF0, v54  }
0x437: {  	v3 =	vor.u32 v3, v4  }
0x438: {  	v4 =	vperm.xlane v3, v0;
	_ =	sdelay $0x1  }
0x439: {  	v3 =	vperm.xlane v3, v2;
	v4 =	vadd.s32 v1, v4;
	_ =	sdelay $0x1  }
0x43a: {  	v3 =	vadd.s32 v1, v3;
	_ =	sdelay $0x1  }
0x43b: {  	s26 =	simm.s32 $0x6100  }
0x43c: {  	[tilespmem:s26], [sflag:$0x1] =	stream.indirect_vreg.gather [hbm4b:s3+s2], $0x80, v4, vm0, $0xb8;
	[tilespmem:$0x10100] =	vst v63  }
0x43d: {  	s30 =	simm.s32 $0x6900  }
0x43e: {  	[tilespmem:s30], [sflag:$0x1] =	stream.indirect_vreg.gather [hbm4b:s3+s2], $0x80, v3, vm0, $0xb8;
	[tilespmem:$0x10100] =	vst v63  }
0x43f: {  	v3 =	vld [tilespmem:$0x70];
	_ =	sdelay $0x4  }
0x440: {  	v55 =	vshll.u32 v3, $0x1  }
0x441: {  	v3 =	vand.u32 $0x7, v3;
	v4 =	vand.u32 $0xFFFFFFF0, v55  }
0x442: {  	v3 =	vor.u32 v3, v4  }
0x443: {  	v4 =	vperm.xlane v3, v0;
	_ =	sdelay $0x1  }
0x444: {  	v3 =	vperm.xlane v3, v2;
	v4 =	vadd.s32 v1, v4;
	_ =	sdelay $0x1  }
0x445: {  	v3 =	vadd.s32 v1, v3;
	_ =	sdelay $0x1  }
0x446: {  	s31 =	simm.s32 $0x7100  }
0x447: {  	[tilespmem:s31], [sflag:$0x1] =	stream.indirect_vreg.gather [hbm4b:s3+s2], $0x80, v4, vm0, $0xb8;
	[tilespmem:$0x10100] =	vst v63  }
0x448: {  	s8 =	simm.s32 $0x7900  }
0x449: {  	[tilespmem:s8], [sflag:$0x1] =	stream.indirect_vreg.gather [hbm4b:s3+s2], $0x80, v3, vm0, $0xb8;
	[tilespmem:$0x10100] =	vst v63  }
0x44a: {  	_ =	swait.ge [sflag:s13], $0x8000  }
0x44b: {  	[sflag:s13] =	ssyncset.done $0x0  }
0x44c: {  	s24 =	rddreg [dreg:$0x16];
	[sflag:s13] =	ssyncadd.s32 $0xFFFF8000  }
0x44d: {  	[hbm4b:s24+s2] =	stream.linear.scatter [tilespmem:s23], [sflag:$0x2], $0x8000, $0x38;
	[tilespmem:$0x10100] =	vst v63  }
0x44e: {  	_ =	swait.ge [sflag:s14], $0x8000  }
0x44f: {  	[sflag:s14] =	ssyncset.done $0x0  }
0x450: {  	s10 =	simm.s32 $0x80;
	s25 =	rddreg [dreg:$0x17];
	[sflag:s14] =	ssyncadd.s32 $0xFFFF8000  }
0x451: {  	[tilespmem:s10], [sflag:$0x3] =	stream.linear.gather [hbm4b:s25+s2], $0x80, $0x38;
	[tilespmem:$0x10100] =	vst v63  }
0x452: {  	_ =	swait.ge [sflag:s5], $0x80  }
0x453: {  	[sflag:s5] =	ssyncset.done $0x0  }
0x454: {  	[sflag:s5] =	ssyncadd.s32 $0xFFFFFF80  }
0x455: {  	v3 =	vld [tilespmem:$0x80];
	_ =	sdelay $0x4  }
0x456: {  	v56 =	vshll.u32 v3, $0x1  }
0x457: {  	v3 =	vand.u32 $0x7, v3;
	v4 =	vand.u32 $0xFFFFFFF0, v56  }
0x458: {  	v3 =	vor.u32 v3, v4  }
0x459: {  	v4 =	vperm.xlane v3, v0;
	_ =	sdelay $0x1  }
0x45a: {  	v3 =	vperm.xlane v3, v2;
	v4 =	vadd.s32 v1, v4;
	_ =	sdelay $0x1  }
0x45b: {  	v3 =	vadd.s32 v1, v3;
	_ =	sdelay $0x2  }
0x45c: {  	[tilespmem:s23], [sflag:$0x1] =	stream.indirect_vreg.gather [hbm4b:s3+s2], $0x80, v4, vm0, $0xb8;
	[tilespmem:$0x10100] =	vst v63  }
0x45d: {  	s1 =	simm.s32 $0x8900  }
0x45e: {  	[tilespmem:s1], [sflag:$0x1] =	stream.indirect_vreg.gather [hbm4b:s3+s2], $0x80, v3, vm0, $0xb8;
	[tilespmem:$0x10100] =	vst v63  }
0x45f: {  	v3 =	vld [tilespmem:$0x90];
	_ =	sdelay $0x4  }
0x460: {  	v57 =	vshll.u32 v3, $0x1  }
0x461: {  	v3 =	vand.u32 $0x7, v3;
	v4 =	vand.u32 $0xFFFFFFF0, v57  }
0x462: {  	v3 =	vor.u32 v3, v4  }
0x463: {  	v4 =	vperm.xlane v3, v0;
	_ =	sdelay $0x1  }
0x464: {  	v3 =	vperm.xlane v3, v2;
	v4 =	vadd.s32 v1, v4;
	_ =	sdelay $0x1  }
0x465: {  	v3 =	vadd.s32 v1, v3;
	_ =	sdelay $0x1  }
0x466: {  	s29 =	simm.s32 $0x9100  }
0x467: {  	[tilespmem:s29], [sflag:$0x1] =	stream.indirect_vreg.gather [hbm4b:s3+s2], $0x80, v4, vm0, $0xb8;
	[tilespmem:$0x10100] =	vst v63  }
0x468: {  	s21 =	simm.s32 $0x9900  }
0x469: {  	[tilespmem:s21], [sflag:$0x1] =	stream.indirect_vreg.gather [hbm4b:s3+s2], $0x80, v3, vm0, $0xb8;
	[tilespmem:$0x10100] =	vst v63  }
0x46a: {  	v3 =	vld [tilespmem:$0xA0];
	_ =	sdelay $0x4  }
0x46b: {  	v58 =	vshll.u32 v3, $0x1  }
0x46c: {  	v3 =	vand.u32 $0x7, v3;
	v4 =	vand.u32 $0xFFFFFFF0, v58  }
0x46d: {  	v3 =	vor.u32 v3, v4  }
0x46e: {  	v4 =	vperm.xlane v3, v0;
	_ =	sdelay $0x1  }
0x46f: {  	v3 =	vperm.xlane v3, v2;
	v4 =	vadd.s32 v1, v4;
	_ =	sdelay $0x1  }
0x470: {  	v3 =	vadd.s32 v1, v3;
	_ =	sdelay $0x1  }
0x471: {  	s26 =	simm.s32 $0xA100  }
0x472: {  	[tilespmem:s26], [sflag:$0x1] =	stream.indirect_vreg.gather [hbm4b:s3+s2], $0x80, v4, vm0, $0xb8;
	[tilespmem:$0x10100] =	vst v63  }
0x473: {  	s6 =	simm.s32 $0xA900  }
0x474: {  	[tilespmem:s6], [sflag:$0x1] =	stream.indirect_vreg.gather [hbm4b:s3+s2], $0x80, v3, vm0, $0xb8;
	[tilespmem:$0x10100] =	vst v63  }
0x475: {  	v3 =	vld [tilespmem:$0xB0];
	_ =	sdelay $0x4  }
0x476: {  	v59 =	vshll.u32 v3, $0x1  }
0x477: {  	v3 =	vand.u32 $0x7, v3;
	v4 =	vand.u32 $0xFFFFFFF0, v59  }
0x478: {  	v3 =	vor.u32 v3, v4  }
0x479: {  	v4 =	vperm.xlane v3, v0;
	_ =	sdelay $0x1  }
0x47a: {  	v3 =	vperm.xlane v3, v2;
	v4 =	vadd.s32 v1, v4;
	_ =	sdelay $0x1  }
0x47b: {  	v3 =	vadd.s32 v1, v3;
	_ =	sdelay $0x1  }
0x47c: {  	s19 =	simm.s32 $0xB100  }
0x47d: {  	[tilespmem:s19], [sflag:$0x1] =	stream.indirect_vreg.gather [hbm4b:s3+s2], $0x80, v4, vm0, $0xb8;
	[tilespmem:$0x10100] =	vst v63  }
0x47e: {  	s18 =	simm.s32 $0xB900  }
0x47f: {  	[tilespmem:s18], [sflag:$0x1] =	stream.indirect_vreg.gather [hbm4b:s3+s2], $0x80, v3, vm0, $0xb8;
	[tilespmem:$0x10100] =	vst v63  }
0x480: {  	v3 =	vld [tilespmem:$0xC0];
	_ =	sdelay $0x4  }
0x481: {  	v60 =	vshll.u32 v3, $0x1  }
0x482: {  	v3 =	vand.u32 $0x7, v3;
	v4 =	vand.u32 $0xFFFFFFF0, v60  }
0x483: {  	v3 =	vor.u32 v3, v4  }
0x484: {  	v4 =	vperm.xlane v3, v0;
	_ =	sdelay $0x1  }
0x485: {  	v3 =	vperm.xlane v3, v2;
	v4 =	vadd.s32 v1, v4;
	_ =	sdelay $0x1  }
0x486: {  	v3 =	vadd.s32 v1, v3;
	_ =	sdelay $0x1  }
0x487: {  	s0 =	simm.s32 $0xC100  }
0x488: {  	[tilespmem:s0], [sflag:$0x1] =	stream.indirect_vreg.gather [hbm4b:s3+s2], $0x80, v4, vm0, $0xb8;
	[tilespmem:$0x10100] =	vst v63  }
0x489: {  	s22 =	simm.s32 $0xC900  }
0x48a: {  	[tilespmem:s22], [sflag:$0x1] =	stream.indirect_vreg.gather [hbm4b:s3+s2], $0x80, v3, vm0, $0xb8;
	[tilespmem:$0x10100] =	vst v63  }
0x48b: {  	v3 =	vld [tilespmem:$0xD0];
	_ =	sdelay $0x4  }
0x48c: {  	v61 =	vshll.u32 v3, $0x1  }
0x48d: {  	v3 =	vand.u32 $0x7, v3;
	v4 =	vand.u32 $0xFFFFFFF0, v61  }
0x48e: {  	v3 =	vor.u32 v3, v4  }
0x48f: {  	v4 =	vperm.xlane v3, v0;
	_ =	sdelay $0x1  }
0x490: {  	v3 =	vperm.xlane v3, v2;
	v4 =	vadd.s32 v1, v4;
	_ =	sdelay $0x1  }
0x491: {  	v3 =	vadd.s32 v1, v3;
	_ =	sdelay $0x1  }
0x492: {  	s11 =	simm.s32 $0xD100  }
0x493: {  	[tilespmem:s11], [sflag:$0x1] =	stream.indirect_vreg.gather [hbm4b:s3+s2], $0x80, v4, vm0, $0xb8;
	[tilespmem:$0x10100] =	vst v63  }
0x494: {  	s28 =	simm.s32 $0xD900  }
0x495: {  	[tilespmem:s28], [sflag:$0x1] =	stream.indirect_vreg.gather [hbm4b:s3+s2], $0x80, v3, vm0, $0xb8;
	[tilespmem:$0x10100] =	vst v63  }
0x496: {  	v3 =	vld [tilespmem:$0xE0];
	_ =	sdelay $0x4  }
0x497: {  	v62 =	vshll.u32 v3, $0x1  }
0x498: {  	v3 =	vand.u32 $0x7, v3;
	v4 =	vand.u32 $0xFFFFFFF0, v62  }
0x499: {  	v3 =	vor.u32 v3, v4  }
0x49a: {  	v4 =	vperm.xlane v3, v0;
	_ =	sdelay $0x1  }
0x49b: {  	v3 =	vperm.xlane v3, v2;
	v4 =	vadd.s32 v1, v4;
	_ =	sdelay $0x1  }
0x49c: {  	v3 =	vadd.s32 v1, v3;
	_ =	sdelay $0x1  }
0x49d: {  	s12 =	simm.s32 $0xE100  }
0x49e: {  	[tilespmem:s12], [sflag:$0x1] =	stream.indirect_vreg.gather [hbm4b:s3+s2], $0x80, v4, vm0, $0xb8;
	[tilespmem:$0x10100] =	vst v63  }
0x49f: {  	s29 =	simm.s32 $0xE900  }
0x4a0: {  	[tilespmem:s29], [sflag:$0x1] =	stream.indirect_vreg.gather [hbm4b:s3+s2], $0x80, v3, vm0, $0xb8;
	[tilespmem:$0x10100] =	vst v63  }
0x4a1: {  	v3 =	vld [tilespmem:$0xF0];
	_ =	sdelay $0x4  }
0x4a2: {  	v63 =	vshll.u32 v3, $0x1  }
0x4a3: {  	v3 =	vand.u32 $0x7, v3;
	v4 =	vand.u32 $0xFFFFFFF0, v63  }
0x4a4: {  	v3 =	vor.u32 v3, v4  }
0x4a5: {  	v4 =	vperm.xlane v3, v0;
	_ =	sdelay $0x1  }
0x4a6: {  	v3 =	vperm.xlane v3, v2;
	v4 =	vadd.s32 v1, v4;
	_ =	sdelay $0x1  }
0x4a7: {  	v3 =	vadd.s32 v1, v3;
	_ =	sdelay $0x1  }
0x4a8: {  	s17 =	simm.s32 $0xF100  }
0x4a9: {  	[tilespmem:s17], [sflag:$0x1] =	stream.indirect_vreg.gather [hbm4b:s3+s2], $0x80, v4, vm0, $0xb8;
	[tilespmem:$0x10100] =	vst v63  }
0x4aa: {  	s9 =	simm.s32 $0xF900  }
0x4ab: {  	[tilespmem:s9], [sflag:$0x1] =	stream.indirect_vreg.gather [hbm4b:s3+s2], $0x80, v3, vm0, $0xb8;
	[tilespmem:$0x10100] =	vst v63  }
0x4ac: {  	_ =	swait.ge [sflag:s13], $0x8000  }
0x4ad: {  	[sflag:s13] =	ssyncset.done $0x0  }
0x4ae: {  	s30 =	rddreg [dreg:$0x18];
	[sflag:s13] =	ssyncadd.s32 $0xFFFF8000  }
0x4af: {  	[hbm4b:s30+s2] =	stream.linear.scatter [tilespmem:s16], [sflag:$0x2], $0x8000, $0x38;
	[tilespmem:$0x10100] =	vst v63  }
0x4b0: {  	_ =	swait.ge [sflag:s13], $0x8000  }
0x4b1: {  	[sflag:s13] =	ssyncset.done $0x0  }
0x4b2: {  	s31 =	rddreg [dreg:$0x19];
	[sflag:s13] =	ssyncadd.s32 $0xFFFF8000  }
0x4b3: {  	[hbm4b:s31+s2] =	stream.linear.scatter [tilespmem:s23], [sflag:$0x2], $0x8000, $0x38;
	[tilespmem:$0x10100] =	vst v63  }
0x4b4: {  	p0 =	sne.s32 s4, $0x1;
	_ =	swait.ge [sflag:s14], $0x8000  }
.Ltmp0:
0x4b5: {  	[sflag:s14] =	ssyncset.done $0x0;
	(pc) =	sbr.rel @p0 .LBB2_1-.Ltmp0, $4  }
0x4b6: {  	[sflag:s14] =	ssyncadd.s32 $0xFFFF8000  }
0x4b7: {  	_ =	swait.ge [sflag:s14], $0x8000  }
0x4b8: {  	[sflag:s14] =	ssyncset.done $0x0  }
0x4b9: {  	s4 =	sadd.s32 $0xFFFFFFFF, s4;
	[sflag:s14] =	ssyncadd.s32 $0xFFFF8000  }
0x4ba: {  	_ =	sfence.sel $0x180000  }
0x4bb: {  	[bflag:$0x0] =	sbarrier.arrive $0xFFFF  }
0x4bc: {  	_ =	strace $0x90000047  }
0x4bd: {  	s0 =	stileid.u32;
	[bflag:$0x2] =	sbarrier.arrive $0xFFFF  }
0x4be: {  	p0 =	sne.s32 s0, $0x0;
	s0 =	rddreg [dreg:$0x1]  }
0x4bf: {  	s0 =	sadd.s32 @!p0 $0x100000, s0  }
0x4c0: {  	[sflag:s0] =	ssyncadd.tile.s32 @!p0 $0x1;
	_ =	shalt  }
.Lfunc_end2:
_tile_overlayer_lowered:
.L_overlay_start_2:
0x4c1: {  	(tag) =	ssettag $0x2  }
0x4c2: {  	s0 =	rddreg [dreg:$0x0];
	s2 =	stileid.u32  }
0x4c3: {  	s1 =	rddreg [dreg:$0x1];
	p0 =	sne.s32 s2, $0x0  }
0x4c4: {  	s3 =	rddreg [dreg:$0x2];
	[bflag:$0x3] =	sbarrier.arrive $0xFFFF;
	s2 =	simm.s32 @!p0 $0x1C03  }
0x4c5: {  	[timem:s3], [sflag:s2] =	dma.local @!p0 [hbm:s0], s1  }
0x4c6: {  	s0 =	simm.s32 @!p0 $0x3  }
0x4c7: {  	_ =	swait.ge @!p0 [sflag:s0], s1  }
0x4c8: {  	s1 =	ssub.s32 @!p0 $0x0, s1;
	[sflag:s0] =	ssyncset.done @!p0 $0x0  }
0x4c9: {  	[sflag:s0] =	ssyncadd.s32 @!p0 s1  }
0x4ca: {  	[bflag:$0x3] =	sbarrier.arrive $0xFFFF  }
0x4cb: {  	_ =	shalt  }

</sc_bundles>
